<compile_context>
chip_gen: v7x
topology: tpu7x:2x2x1
jax: 0.10.2.dev20260603
libtpu: 0.0.44.dev20260713+nightly
codegen_flags: <defaults>
</compile_context>

<pallas_src>
import functools

import jax
import jax.numpy as jnp
from jax import lax
from jax.experimental import pallas as pl
from jax.experimental.pallas import tpu as pltpu
from jax.experimental.pallas import tpu_sc as plsc

N = 10000
E = 320000
D_IN = 128
H1 = 256
H2 = 256
C = 64

NC = 2
NS = 16
EK = 80
ER = E // EK
NB = 16
TB = ER // NB
DW = 16
ZCH = 1000
ZT = N // ZCH


def _sc_degree(src2d, dst2d, zeros_n, ones_ek):
    mesh = plsc.VectorSubcoreMesh(core_axis_name="c", subcore_axis_name="s")

    @functools.partial(
        pl.kernel,
        out_type=[jax.ShapeDtypeStruct((NC, N, DW), jnp.float32),
                  jax.ShapeDtypeStruct((NC, N, DW), jnp.float32)],
        mesh=mesh,
        compiler_params=pltpu.CompilerParams(use_tc_tiling_on_sc=False),
        scratch_types=[
            pltpu.VMEM((NB, EK), jnp.int32),
            pltpu.VMEM((EK, DW), jnp.float32),
            pltpu.VMEM_SHARED((N, DW), jnp.float32),
            pltpu.VMEM_SHARED((N, DW), jnp.float32),
        ],
    )
    def k(src_hbm, dst_hbm, zn_hbm, ones_hbm, osrc_hbm, odst_hbm, idx_v,
          ones_v, hsrc_s, hdst_s):
        cid = lax.axis_index("c")
        sid = lax.axis_index("s")

        pltpu.sync_copy(ones_hbm, ones_v)

        @pl.when(sid < ZT)
        def _():
            pltpu.sync_copy(zn_hbm.at[pl.ds(sid * ZCH, ZCH)],
                            hsrc_s.at[pl.ds(sid * ZCH, ZCH)])
            pltpu.sync_copy(zn_hbm.at[pl.ds(sid * ZCH, ZCH)],
                            hdst_s.at[pl.ds(sid * ZCH, ZCH)])
        plsc.subcore_barrier()

        wid = sid * NC + cid
        nblk = (TB - wid + NC * NS - 1) // (NC * NS)
        for ehbm, hist in ((src_hbm, hsrc_s), (dst_hbm, hdst_s)):
            def outer(b, _, ehbm=ehbm, hist=hist):
                r0 = (wid + b * NC * NS) * NB
                pltpu.sync_copy(ehbm.at[pl.ds(r0, NB)], idx_v)

                def inner(j, _):
                    pltpu.sync_copy(ones_v, hist.at[idx_v.at[j]], add=True)
                    return 0
                lax.fori_loop(0, NB, inner, 0)
                return 0
            lax.fori_loop(0, nblk, outer, 0)

        plsc.subcore_barrier()

        @pl.when(sid < ZT)
        def _():
            pltpu.sync_copy(hsrc_s.at[pl.ds(sid * ZCH, ZCH)],
                            osrc_hbm.at[cid, pl.ds(sid * ZCH, ZCH)])
            pltpu.sync_copy(hdst_s.at[pl.ds(sid * ZCH, ZCH)],
                            odst_hbm.at[cid, pl.ds(sid * ZCH, ZCH)])

    return k(src2d, dst2d, zeros_n, ones_ek)


def _make_spmm(W2):
    mesh = plsc.VectorSubcoreMesh(core_axis_name="c", subcore_axis_name="s")

    @functools.partial(
        pl.kernel,
        out_type=[jax.ShapeDtypeStruct((N, W2), jnp.float32),
                  jax.ShapeDtypeStruct((N, W2), jnp.float32)],
        mesh=mesh,
        compiler_params=pltpu.CompilerParams(use_tc_tiling_on_sc=False),
        scratch_types=[
            pltpu.VMEM((NB, EK), jnp.int32),
            pltpu.VMEM((NB, EK), jnp.int32),
            pltpu.VMEM((EK, W2), jnp.float32),
            pltpu.VMEM_SHARED((N, W2), jnp.float32),
            pltpu.SemaphoreType.DMA,
        ],
    )
    def k(xsA, xsB, src_hbm, dst_hbm, zeros_hbm, outA, outB,
          sidx, didx, gbuf, acc, sem):
        cid = lax.axis_index("c")
        sid = lax.axis_index("s")

        @pl.when(sid < ZT)
        def _():
            pltpu.sync_copy(zeros_hbm, acc.at[pl.ds(sid * ZCH, ZCH)])
        plsc.subcore_barrier()

        nblk = (TB - sid + NS - 1) // NS
        for c_val, xs in ((0, xsA), (1, xsB)):
            @pl.when(cid == c_val)
            def _(xs=xs):
                def outer(b, _):
                    r0 = (sid + b * NS) * NB
                    pltpu.sync_copy(src_hbm.at[pl.ds(r0, NB)], sidx)
                    pltpu.sync_copy(dst_hbm.at[pl.ds(r0, NB)], didx)

                    def inner(j, _):
                        pltpu.async_copy(xs.at[sidx.at[j]], gbuf, sem).wait()
                        pltpu.sync_copy(gbuf, acc.at[didx.at[j]], add=True)
                        return 0
                    lax.fori_loop(0, NB, inner, 0)
                    return 0
                lax.fori_loop(0, nblk, outer, 0)

        plsc.subcore_barrier()
        for c_val, out in ((0, outA), (1, outB)):
            @pl.when(jnp.logical_and(cid == c_val, sid < ZT))
            def _(out=out):
                pltpu.sync_copy(acc.at[pl.ds(sid * ZCH, ZCH)],
                                out.at[pl.ds(sid * ZCH, ZCH)])

    return k


_spmm_l1 = _make_spmm(D_IN // 2)
_spmm_wide = _make_spmm(H1 // 2)
_spmm_narrow = _make_spmm(C // 2)


def _tc1(h, dsrc, ddst):
    def body(h_ref, ds_ref, dd_ref, xa_ref, xb_ref, ns_ref, nd_ref):
        odeg = jnp.maximum(ds_ref[0, :] + ds_ref[1, :], 1.0)
        ideg = jnp.maximum(dd_ref[0, :] + dd_ref[1, :], 1.0)
        ns = lax.rsqrt(odeg).reshape(N, 1)
        nd = lax.rsqrt(ideg).reshape(N, 1)
        ns_ref[...] = ns
        nd_ref[...] = nd
        xs = h_ref[...] * ns
        xa_ref[...] = xs[:, : D_IN // 2]
        xb_ref[...] = xs[:, D_IN // 2:]

    return pl.pallas_call(
        body,
        out_shape=[jax.ShapeDtypeStruct((N, D_IN // 2), jnp.float32),
                   jax.ShapeDtypeStruct((N, D_IN // 2), jnp.float32),
                   jax.ShapeDtypeStruct((N, 1), jnp.float32),
                   jax.ShapeDtypeStruct((N, 1), jnp.float32)],
    )(h, dsrc, ddst)


def _tc_mid1(aggA, aggB, nd, ns, W1, b1, g1, be1, W2):
    def body(aa_ref, ab_ref, nd_ref, ns_ref, w1_ref, b_ref, g_ref, be_ref,
             w2_ref, oa_ref, ob_ref):
        agg = jnp.concatenate([aa_ref[...], ab_ref[...]], axis=1)
        y = jnp.dot(agg, w1_ref[...],
                    preferred_element_type=jnp.float32) * nd_ref[...] \
            + b_ref[...]
        mu = jnp.mean(y, axis=0, keepdims=True)
        var = jnp.mean((y - mu) ** 2, axis=0, keepdims=True)
        x = (y - mu) * lax.rsqrt(var + 1e-5) * g_ref[...] + be_ref[...]
        x = jnp.maximum(x, 0.0)
        xw = jnp.dot(x * ns_ref[...], w2_ref[...],
                     preferred_element_type=jnp.float32)
        oa_ref[...] = xw[:, : H2 // 2]
        ob_ref[...] = xw[:, H2 // 2:]

    return pl.pallas_call(
        body,
        out_shape=[jax.ShapeDtypeStruct((N, H2 // 2), jnp.float32),
                   jax.ShapeDtypeStruct((N, H2 // 2), jnp.float32)],
    )(aggA, aggB, nd, ns, W1, b1, g1, be1, W2)


def _tc_mid(W_out):
    def body(aa_ref, ab_ref, nd_ref, ns_ref, b_ref, g_ref, be_ref, w_ref,
             oa_ref, ob_ref):
        agg = jnp.concatenate([aa_ref[...], ab_ref[...]], axis=1)
        y = agg * nd_ref[...] + b_ref[...]
        mu = jnp.mean(y, axis=0, keepdims=True)
        var = jnp.mean((y - mu) ** 2, axis=0, keepdims=True)
        x = (y - mu) * lax.rsqrt(var + 1e-5) * g_ref[...] + be_ref[...]
        x = jnp.maximum(x, 0.0)
        xw = jnp.dot(x * ns_ref[...], w_ref[...],
                     preferred_element_type=jnp.float32)
        half = W_out // 2
        oa_ref[...] = xw[:, :half]
        ob_ref[...] = xw[:, half:]

    return pl.pallas_call(
        body,
        out_shape=[jax.ShapeDtypeStruct((N, W_out // 2), jnp.float32),
                   jax.ShapeDtypeStruct((N, W_out // 2), jnp.float32)],
    )


def _tc4(aggA, aggB, nd, b3):
    def body(aa_ref, ab_ref, nd_ref, b_ref, o_ref):
        agg = jnp.concatenate([aa_ref[...], ab_ref[...]], axis=1)
        o_ref[...] = agg * nd_ref[...] + b_ref[...]

    return pl.pallas_call(
        body,
        out_shape=jax.ShapeDtypeStruct((N, C), jnp.float32),
    )(aggA, aggB, nd, b3)


def kernel(h, edge_index, W1, b1, g1, be1, W2, b2, g2, be2, W3, b3):
    ei = edge_index.astype(jnp.int32)
    src2d = ei[0].reshape(ER, EK)
    dst2d = ei[1].reshape(ER, EK)
    zeros_n = jnp.zeros((N, DW), jnp.float32)
    ones_ek = jnp.ones((EK, DW), jnp.float32)
    zeros_l1 = jnp.zeros((ZCH, D_IN // 2), jnp.float32)
    zeros_wide = jnp.zeros((ZCH, H1 // 2), jnp.float32)
    zeros_narrow = jnp.zeros((ZCH, C // 2), jnp.float32)

    dsrc, ddst = _sc_degree(src2d, dst2d, zeros_n, ones_ek)
    xsA, xsB, ns, nd = _tc1(h, dsrc[:, :, 0], ddst[:, :, 0])
    aggA, aggB = _spmm_l1(xsA, xsB, src2d, dst2d, zeros_l1)
    xs2A, xs2B = _tc_mid1(aggA, aggB, nd, ns, W1, b1.reshape(1, H1),
                          g1.reshape(1, H1), be1.reshape(1, H1), W2)
    agg2A, agg2B = _spmm_wide(xs2A, xs2B, src2d, dst2d, zeros_wide)
    xs3A, xs3B = _tc_mid(C)(agg2A, agg2B, nd, ns, b2.reshape(1, H2),
                            g2.reshape(1, H2), be2.reshape(1, H2), W3)
    agg3A, agg3B = _spmm_narrow(xs3A, xs3B, src2d, dst2d, zeros_narrow)
    return _tc4(agg3A, agg3B, nd, b3.reshape(1, C))

# --- scband reference (transcript-rebuilt; emitter-appended) ---
"""Pipeline reference for scband-gcn-29437705847315 (READ-ONLY COPY).

The authoritative reference and input builder live on the scoring server;
editing this copy changes nothing except your own understanding.
"""

import jax, jax.numpy as jnp
import numpy as np

N = 10000
E = 320000
D_IN = 128
H1 = 256
H2 = 256
C = 64

def setup_inputs(seed: int = 0) -> dict:
    key = jax.random.key(seed)
    ks = jax.random.split(key, 12)
    h = jax.random.normal(ks[0], (N, D_IN), dtype=jnp.float32)
    edge_index = jax.random.randint(ks[1], (2, E), 0, N)
    W1 = jax.random.normal(ks[2], (D_IN, H1), dtype=jnp.float32) / np.sqrt(D_IN)
    b1 = jnp.zeros((H1,), dtype=jnp.float32)
    g1 = jnp.ones((H1,), dtype=jnp.float32)
    be1 = jnp.zeros((H1,), dtype=jnp.float32)
    W2 = jax.random.normal(ks[3], (H1, H2), dtype=jnp.float32) / np.sqrt(H1)
    b2 = jnp.zeros((H2,), dtype=jnp.float32)
    g2 = jnp.ones((H2,), dtype=jnp.float32)
    be2 = jnp.zeros((H2,), dtype=jnp.float32)
    W3 = jax.random.normal(ks[4], (H2, C), dtype=jnp.float32) / np.sqrt(H2)
    b3 = jnp.zeros((C,), dtype=jnp.float32)
    return {"h": h, "edge_index": edge_index, "W1": W1, "b1": b1, "g1": g1, "be1": be1,
            "W2": W2, "b2": b2, "g2": g2, "be2": be2, "W3": W3, "b3": b3}

def reference(h, edge_index, W1, b1, g1, be1, W2, b2, g2, be2, W3, b3):
    src = edge_index[0]
    dst = edge_index[1]
    out_deg = jnp.clip(jnp.bincount(src, length=N), 1)
    in_deg = jnp.clip(jnp.bincount(dst, length=N), 1)
    ns = jax.lax.rsqrt(out_deg.astype(jnp.float32))
    nd = jax.lax.rsqrt(in_deg.astype(jnp.float32))

    def gcn_layer(x, W, b):
        # DGL GraphConv with norm='both': D_dst^-1/2 * A * D_src^-1/2 * (X W) + b
        xw = x @ W
        msg = (xw * ns[:, None])[src]
        agg = jnp.zeros_like(xw).at[dst].add(msg)
        return agg * nd[:, None] + b

    def bn(x, gamma, beta):
        mu = x.mean(axis=0)
        var = x.var(axis=0)
        return (x - mu) * jax.lax.rsqrt(var + 1e-5) * gamma + beta

    x = gcn_layer(h, W1, b1)
    x = jax.nn.relu(bn(x, g1, be1))  # dropout p=0.05 is identity at eval
    x = gcn_layer(x, W2, b2)
    x = jax.nn.relu(bn(x, g2, be2))
    x = gcn_layer(x, W3, b3)
    return x

if __name__ == "__main__":
    import jax
    _d = setup_inputs()
    print(jax.jit(kernel)(*tuple(_d.values())))

</pallas_src>

<mosaic_0001>
#map = affine_map<(d0, d1) -> (0, 0)>
module attributes {stable_mosaic.version = 14 : i64} {
  func.func @k(%arg0: i32, %arg1: i32, %arg2: memref<10000x32xf32, #tpu.memory_space<hbm>>, %arg3: memref<10000x32xf32, #tpu.memory_space<hbm>>, %arg4: memref<4000x80xi32, #tpu.memory_space<hbm>>, %arg5: memref<4000x80xi32, #tpu.memory_space<hbm>>, %arg6: memref<1000x32xf32, #tpu.memory_space<hbm>>, %arg7: memref<10000x32xf32, #tpu.memory_space<hbm>>, %arg8: memref<10000x32xf32, #tpu.memory_space<hbm>>, %arg9: memref<16x80xi32, #tpu.memory_space<vmem>>, %arg10: memref<16x80xi32, #tpu.memory_space<vmem>>, %arg11: memref<80x32xf32, #tpu.memory_space<vmem>>, %arg12: memref<10000x32xf32, #tpu.memory_space<vmem_shared>>, %arg13: memref<!tpu.dma_semaphore, #tpu.memory_space<semaphore_mem>>) attributes {dimension_semantics = [#tpu.dimension_semantics<core_parallel>, #tpu.dimension_semantics<subcore_parallel>], iteration_bounds = array<i64: 2, 16>, scalar_prefetch = 0 : i64, scratch_operands = 5 : i64, tpu.core_type = #tpu.core_type<sc_vector_subcore>, window_params = [{transform_indices = #map}, {transform_indices = #map}, {transform_indices = #map}, {transform_indices = #map}, {transform_indices = #map}, {transform_indices = #map}, {transform_indices = #map}]} {
    %lt3A = arith.constant 10 : i32
    %lt3A_0 = arith.cmpi slt, %arg1, %lt3A : i32
    %convert_element_type3A = arith.extui %lt3A_0 : i1 to i32
    %cond3A = arith.constant 0 : i32
    %cond3A_1 = arith.cmpi ne, %convert_element_type3A, %cond3A : i32
    scf.if %cond3A_1 {
      %mul3A = arith.constant 1000 : i32
      %mul3A_49 = arith.muli %arg1, %mul3A : i32
      "tpu.region"() ({
        %run_scoped3A = tpu.sem_alloc : memref<!tpu.dma_semaphore, #tpu.memory_space<semaphore_mem>>
        %dma_start3A = arith.constant 0 : i32
        %dma_start3A_50 = tpu.memref_slice %arg12[%mul3A_49, %dma_start3A] : memref<10000x32xf32, #tpu.memory_space<vmem_shared>> -> memref<1000x32xf32, #tpu.memory_space<vmem_shared>>
        tpu.enqueue_dma source(%arg6 : memref<1000x32xf32, #tpu.memory_space<hbm>>) target(%dma_start3A_50 : memref<1000x32xf32, #tpu.memory_space<vmem_shared>>) target_semaphore(%run_scoped3A : memref<!tpu.dma_semaphore, #tpu.memory_space<semaphore_mem>>)
        %dma_wait3A = arith.constant 0 : i32
        %dma_wait3A_51 = tpu.memref_slice %arg12[%mul3A_49, %dma_wait3A] : memref<10000x32xf32, #tpu.memory_space<vmem_shared>> -> memref<1000x32xf32, #tpu.memory_space<vmem_shared>>
        tpu.wait_dma2 semaphore(%run_scoped3A : memref<!tpu.dma_semaphore, #tpu.memory_space<semaphore_mem>>) src(%arg6 : memref<1000x32xf32, #tpu.memory_space<hbm>>) dst(%dma_wait3A_51 : memref<1000x32xf32, #tpu.memory_space<vmem_shared>>)
        tpu.yield
      }) : () -> ()
    } else {
    }
    %barrier3A = arith.constant 0 : index
    tpu.barrier barrier_id(%barrier3A)
    %sub3A = arith.constant 250 : i32
    %sub3A_2 = arith.subi %sub3A, %arg1 : i32
    %add3A = arith.constant 16 : i32
    %add3A_3 = arith.addi %sub3A_2, %add3A : i32
    %sub3A_4 = arith.constant 1 : i32
    %sub3A_5 = arith.subi %add3A_3, %sub3A_4 : i32
    %jit3A = arith.constant 16 : i32
    %div3A = arith.divsi %sub3A_5, %jit3A : i32
    %sign3A = arith.constant 0 : i32
    %sign3A_6 = arith.cmpi sgt, %sub3A_5, %sign3A : i32
    %sign3A_7 = arith.extui %sign3A_6 : i1 to i32
    %sign3A_8 = arith.constant 0 : i32
    %sign3A_9 = arith.cmpi slt, %sub3A_5, %sign3A_8 : i32
    %sign3A_10 = arith.extui %sign3A_9 : i1 to i32
    %sign3A_11 = arith.subi %sign3A_7, %sign3A_10 : i32
    %sign3A_12 = arith.constant 0 : i32
    %sign3A_13 = arith.cmpi sgt, %jit3A, %sign3A_12 : i32
    %sign3A_14 = arith.extui %sign3A_13 : i1 to i32
    %sign3A_15 = arith.constant 0 : i32
    %sign3A_16 = arith.cmpi slt, %jit3A, %sign3A_15 : i32
    %sign3A_17 = arith.extui %sign3A_16 : i1 to i32
    %sign3A_18 = arith.subi %sign3A_14, %sign3A_17 : i32
    %ne3A = arith.cmpi ne, %sign3A_11, %sign3A_18 : i32
    %rem3A = arith.remsi %sub3A_5, %jit3A : i32
    %ne3A_19 = arith.constant 0 : i32
    %ne3A_20 = arith.cmpi ne, %rem3A, %ne3A_19 : i32
    %and3A = arith.andi %ne3A, %ne3A_20 : i1
    %sub3A_21 = arith.constant 1 : i32
    %sub3A_22 = arith.subi %div3A, %sub3A_21 : i32
    %select_n3A = arith.select %and3A, %sub3A_22, %div3A : i32
    %eq3A = arith.constant 0 : i32
    %eq3A_23 = arith.cmpi eq, %arg0, %eq3A : i32
    %convert_element_type3A_24 = arith.extui %eq3A_23 : i1 to i32
    %cond3A_25 = arith.constant 0 : i32
    %cond3A_26 = arith.cmpi ne, %convert_element_type3A_24, %cond3A_25 : i32
    scf.if %cond3A_26 {
      %while3A = arith.constant 0 : i32
      %while3A_49 = arith.constant 0 : i32
      %while3A_50 = arith.subi %select_n3A, %while3A : i32
      %while3A_51 = arith.addi %while3A, %while3A_50 : i32
      %while3A_52 = arith.constant 1 : i32
      %while3A_53 = arith.divsi %while3A_50, %while3A_52 : i32
      %while3A_54 = arith.muli %while3A_53, %while3A_52 : i32
      %while3A_55 = arith.addi %while3A, %while3A_54 : i32
      %while3A_56 = arith.constant 1 : i32
      %while3A_57 = scf.for %while3A_60 = %while3A to %while3A_55 step %while3A_56 iter_args(%while3A_61 = %while3A_49) -> (i32)  : i32 {
        %mul3A = arith.constant 16 : i32
        %mul3A_62 = arith.muli %while3A_60, %mul3A : i32
        %add3A_63 = arith.addi %arg1, %mul3A_62 : i32
        %mul3A_64 = arith.constant 16 : i32
        %mul3A_65 = arith.muli %add3A_63, %mul3A_64 : i32
        "tpu.region"() ({
          %run_scoped3A = tpu.sem_alloc : memref<!tpu.dma_semaphore, #tpu.memory_space<semaphore_mem>>
          %dma_start3A = arith.constant 0 : i32
          %dma_start3A_73 = tpu.memref_slice %arg4[%mul3A_65, %dma_start3A] : memref<4000x80xi32, #tpu.memory_space<hbm>> -> memref<16x80xi32, #tpu.memory_space<hbm>>
          %dma_start3A_74 = arith.constant 0 : i32
          %dma_start3A_75 = tpu.memref_slice %arg4[%mul3A_65, %dma_start3A_74] : memref<4000x80xi32, #tpu.memory_space<hbm>> -> memref<16x80xi32, #tpu.memory_space<hbm>>
          tpu.enqueue_dma source(%dma_start3A_75 : memref<16x80xi32, #tpu.memory_space<hbm>>) target(%arg9 : memref<16x80xi32, #tpu.memory_space<vmem>>) target_semaphore(%run_scoped3A : memref<!tpu.dma_semaphore, #tpu.memory_space<semaphore_mem>>)
          %dma_wait3A = arith.constant 0 : i32
          %dma_wait3A_76 = tpu.memref_slice %arg4[%mul3A_65, %dma_wait3A] : memref<4000x80xi32, #tpu.memory_space<hbm>> -> memref<16x80xi32, #tpu.memory_space<hbm>>
          %dma_wait3A_77 = arith.constant 0 : i32
          %dma_wait3A_78 = tpu.memref_slice %arg4[%mul3A_65, %dma_wait3A_77] : memref<4000x80xi32, #tpu.memory_space<hbm>> -> memref<16x80xi32, #tpu.memory_space<hbm>>
          tpu.wait_dma2 semaphore(%run_scoped3A : memref<!tpu.dma_semaphore, #tpu.memory_space<semaphore_mem>>) src(%dma_wait3A_78 : memref<16x80xi32, #tpu.memory_space<hbm>>) dst(%arg9 : memref<16x80xi32, #tpu.memory_space<vmem>>)
          tpu.yield
        }) : () -> ()
        "tpu.region"() ({
          %run_scoped3A = tpu.sem_alloc : memref<!tpu.dma_semaphore, #tpu.memory_space<semaphore_mem>>
          %dma_start3A = arith.constant 0 : i32
          %dma_start3A_73 = tpu.memref_slice %arg5[%mul3A_65, %dma_start3A] : memref<4000x80xi32, #tpu.memory_space<hbm>> -> memref<16x80xi32, #tpu.memory_space<hbm>>
          %dma_start3A_74 = arith.constant 0 : i32
          %dma_start3A_75 = tpu.memref_slice %arg5[%mul3A_65, %dma_start3A_74] : memref<4000x80xi32, #tpu.memory_space<hbm>> -> memref<16x80xi32, #tpu.memory_space<hbm>>
          tpu.enqueue_dma source(%dma_start3A_75 : memref<16x80xi32, #tpu.memory_space<hbm>>) target(%arg10 : memref<16x80xi32, #tpu.memory_space<vmem>>) target_semaphore(%run_scoped3A : memref<!tpu.dma_semaphore, #tpu.memory_space<semaphore_mem>>)
          %dma_wait3A = arith.constant 0 : i32
          %dma_wait3A_76 = tpu.memref_slice %arg5[%mul3A_65, %dma_wait3A] : memref<4000x80xi32, #tpu.memory_space<hbm>> -> memref<16x80xi32, #tpu.memory_space<hbm>>
          %dma_wait3A_77 = arith.constant 0 : i32
          %dma_wait3A_78 = tpu.memref_slice %arg5[%mul3A_65, %dma_wait3A_77] : memref<4000x80xi32, #tpu.memory_space<hbm>> -> memref<16x80xi32, #tpu.memory_space<hbm>>
          tpu.wait_dma2 semaphore(%run_scoped3A : memref<!tpu.dma_semaphore, #tpu.memory_space<semaphore_mem>>) src(%dma_wait3A_78 : memref<16x80xi32, #tpu.memory_space<hbm>>) dst(%arg10 : memref<16x80xi32, #tpu.memory_space<vmem>>)
          tpu.yield
        }) : () -> ()
        %scan3A = arith.constant 0 : i32
        %scan3A_66 = arith.constant 0 : i32
        %scan3A_67 = arith.constant 16 : i32
        %scan3A_68 = arith.addi %scan3A_66, %scan3A_67 : i32
        %scan3A_69 = arith.constant 1 : i32
        %scan3A_70 = scf.for %scan3A_73 = %scan3A_66 to %scan3A_68 step %scan3A_69 iter_args(%scan3A_74 = %scan3A) -> (i32)  : i32 {
          %dma_start3A = arith.constant 0 : i32
          %dma_start3A_75 = tpu.memref_slice %arg9[%scan3A_73, %dma_start3A] : memref<16x80xi32, #tpu.memory_space<vmem>> -> memref<1x80xi32, #tpu.memory_space<vmem>>
          %dma_start3A_76 = tpu.memref_squeeze %dma_start3A_75 : memref<1x80xi32, #tpu.memory_space<vmem>> -> memref<80xi32, #tpu.memory_space<vmem>>
          %dma_start3A_77 = arith.constant 0 : i32
          %dma_start3A_78 = arith.constant 0 : i32
          %dma_start3A_79 = tpu.memref_slice %arg2[%dma_start3A_77, %dma_start3A_78] : memref<10000x32xf32, #tpu.memory_space<hbm>> -> memref<10000x32xf32, #tpu.memory_space<hbm>>
          tpu.enqueue_indirect_dma source(%dma_start3A_79 : memref<10000x32xf32, #tpu.memory_space<hbm>>) target(%arg11 : memref<80x32xf32, #tpu.memory_space<vmem>>) offsets(%dma_start3A_76 : memref<80xi32, #tpu.memory_space<vmem>>) semaphore(%arg13 : memref<!tpu.dma_semaphore, #tpu.memory_space<semaphore_mem>>)
          %dma_wait3A = arith.constant 0 : i32
          %dma_wait3A_80 = tpu.memref_slice %arg9[%scan3A_73, %dma_wait3A] : memref<16x80xi32, #tpu.memory_space<vmem>> -> memref<1x80xi32, #tpu.memory_space<vmem>>
          %dma_wait3A_81 = tpu.memref_squeeze %dma_wait3A_80 : memref<1x80xi32, #tpu.memory_space<vmem>> -> memref<80xi32, #tpu.memory_space<vmem>>
          %dma_wait3A_82 = arith.constant 0 : i32
          %dma_wait3A_83 = arith.constant 0 : i32
          %dma_wait3A_84 = tpu.memref_slice %arg2[%dma_wait3A_82, %dma_wait3A_83] : memref<10000x32xf32, #tpu.memory_space<hbm>> -> memref<10000x32xf32, #tpu.memory_space<hbm>>
          tpu.wait_indirect_dma semaphore(%arg13 : memref<!tpu.dma_semaphore, #tpu.memory_space<semaphore_mem>>) src(%dma_wait3A_84 : memref<10000x32xf32, #tpu.memory_space<hbm>>) dst(%arg11 : memref<80x32xf32, #tpu.memory_space<vmem>>)
          "tpu.region"() ({
            %run_scoped3A = tpu.sem_alloc : memref<!tpu.dma_semaphore, #tpu.memory_space<semaphore_mem>>
            %dma_start3A_86 = arith.constant 0 : i32
            %dma_start3A_87 = tpu.memref_slice %arg10[%scan3A_73, %dma_start3A_86] : memref<16x80xi32, #tpu.memory_space<vmem>> -> memref<1x80xi32, #tpu.memory_space<vmem>>
            %dma_start3A_88 = tpu.memref_squeeze %dma_start3A_87 : memref<1x80xi32, #tpu.memory_space<vmem>> -> memref<80xi32, #tpu.memory_space<vmem>>
            %dma_start3A_89 = arith.constant 0 : i32
            %dma_start3A_90 = arith.constant 0 : i32
            %dma_start3A_91 = tpu.memref_slice %arg12[%dma_start3A_89, %dma_start3A_90] : memref<10000x32xf32, #tpu.memory_space<vmem_shared>> -> memref<10000x32xf32, #tpu.memory_space<vmem_shared>>
            tpu.enqueue_indirect_dma source(%arg11 : memref<80x32xf32, #tpu.memory_space<vmem>>) target(%dma_start3A_91 : memref<10000x32xf32, #tpu.memory_space<vmem_shared>>) offsets(%dma_start3A_88 : memref<80xi32, #tpu.memory_space<vmem>>) semaphore(%run_scoped3A : memref<!tpu.dma_semaphore, #tpu.memory_space<semaphore_mem>>) {add = true}
            %dma_wait3A_92 = arith.constant 0 : i32
            %dma_wait3A_93 = tpu.memref_slice %arg10[%scan3A_73, %dma_wait3A_92] : memref<16x80xi32, #tpu.memory_space<vmem>> -> memref<1x80xi32, #tpu.memory_space<vmem>>
            %dma_wait3A_94 = tpu.memref_squeeze %dma_wait3A_93 : memref<1x80xi32, #tpu.memory_space<vmem>> -> memref<80xi32, #tpu.memory_space<vmem>>
            %dma_wait3A_95 = arith.constant 0 : i32
            %dma_wait3A_96 = arith.constant 0 : i32
            %dma_wait3A_97 = tpu.memref_slice %arg12[%dma_wait3A_95, %dma_wait3A_96] : memref<10000x32xf32, #tpu.memory_space<vmem_shared>> -> memref<10000x32xf32, #tpu.memory_space<vmem_shared>>
            tpu.wait_indirect_dma semaphore(%run_scoped3A : memref<!tpu.dma_semaphore, #tpu.memory_space<semaphore_mem>>) src(%arg11 : memref<80x32xf32, #tpu.memory_space<vmem>>) dst(%dma_wait3A_97 : memref<10000x32xf32, #tpu.memory_space<vmem_shared>>)
            tpu.yield
          }) : () -> ()
          %scan3A_85 = arith.constant 0 : i32
          scf.yield %scan3A_85 : i32
        }
        %scan3A_71 = arith.constant 16 : i32
        %while3A_72 = arith.constant 0 : i32
        scf.yield %while3A_72 : i32
      }
      %while3A_58 = arith.constant 1 : i32
      %while3A_59 = scf.for %while3A_60 = %while3A_55 to %while3A_51 step %while3A_58 iter_args(%while3A_61 = %while3A_57) -> (i32)  : i32 {
        %mul3A = arith.constant 16 : i32
        %mul3A_62 = arith.muli %while3A_60, %mul3A : i32
        %add3A_63 = arith.addi %arg1, %mul3A_62 : i32
        %mul3A_64 = arith.constant 16 : i32
        %mul3A_65 = arith.muli %add3A_63, %mul3A_64 : i32
        "tpu.region"() ({
          %run_scoped3A = tpu.sem_alloc : memref<!tpu.dma_semaphore, #tpu.memory_space<semaphore_mem>>
          %dma_start3A = arith.constant 0 : i32
          %dma_start3A_73 = tpu.memref_slice %arg4[%mul3A_65, %dma_start3A] : memref<4000x80xi32, #tpu.memory_space<hbm>> -> memref<16x80xi32, #tpu.memory_space<hbm>>
          %dma_start3A_74 = arith.constant 0 : i32
          %dma_start3A_75 = tpu.memref_slice %arg4[%mul3A_65, %dma_start3A_74] : memref<4000x80xi32, #tpu.memory_space<hbm>> -> memref<16x80xi32, #tpu.memory_space<hbm>>
          tpu.enqueue_dma source(%dma_start3A_75 : memref<16x80xi32, #tpu.memory_space<hbm>>) target(%arg9 : memref<16x80xi32, #tpu.memory_space<vmem>>) target_semaphore(%run_scoped3A : memref<!tpu.dma_semaphore, #tpu.memory_space<semaphore_mem>>)
          %dma_wait3A = arith.constant 0 : i32
          %dma_wait3A_76 = tpu.memref_slice %arg4[%mul3A_65, %dma_wait3A] : memref<4000x80xi32, #tpu.memory_space<hbm>> -> memref<16x80xi32, #tpu.memory_space<hbm>>
          %dma_wait3A_77 = arith.constant 0 : i32
          %dma_wait3A_78 = tpu.memref_slice %arg4[%mul3A_65, %dma_wait3A_77] : memref<4000x80xi32, #tpu.memory_space<hbm>> -> memref<16x80xi32, #tpu.memory_space<hbm>>
          tpu.wait_dma2 semaphore(%run_scoped3A : memref<!tpu.dma_semaphore, #tpu.memory_space<semaphore_mem>>) src(%dma_wait3A_78 : memref<16x80xi32, #tpu.memory_space<hbm>>) dst(%arg9 : memref<16x80xi32, #tpu.memory_space<vmem>>)
          tpu.yield
        }) : () -> ()
        "tpu.region"() ({
          %run_scoped3A = tpu.sem_alloc : memref<!tpu.dma_semaphore, #tpu.memory_space<semaphore_mem>>
          %dma_start3A = arith.constant 0 : i32
          %dma_start3A_73 = tpu.memref_slice %arg5[%mul3A_65, %dma_start3A] : memref<4000x80xi32, #tpu.memory_space<hbm>> -> memref<16x80xi32, #tpu.memory_space<hbm>>
          %dma_start3A_74 = arith.constant 0 : i32
          %dma_start3A_75 = tpu.memref_slice %arg5[%mul3A_65, %dma_start3A_74] : memref<4000x80xi32, #tpu.memory_space<hbm>> -> memref<16x80xi32, #tpu.memory_space<hbm>>
          tpu.enqueue_dma source(%dma_start3A_75 : memref<16x80xi32, #tpu.memory_space<hbm>>) target(%arg10 : memref<16x80xi32, #tpu.memory_space<vmem>>) target_semaphore(%run_scoped3A : memref<!tpu.dma_semaphore, #tpu.memory_space<semaphore_mem>>)
          %dma_wait3A = arith.constant 0 : i32
          %dma_wait3A_76 = tpu.memref_slice %arg5[%mul3A_65, %dma_wait3A] : memref<4000x80xi32, #tpu.memory_space<hbm>> -> memref<16x80xi32, #tpu.memory_space<hbm>>
          %dma_wait3A_77 = arith.constant 0 : i32
          %dma_wait3A_78 = tpu.memref_slice %arg5[%mul3A_65, %dma_wait3A_77] : memref<4000x80xi32, #tpu.memory_space<hbm>> -> memref<16x80xi32, #tpu.memory_space<hbm>>
          tpu.wait_dma2 semaphore(%run_scoped3A : memref<!tpu.dma_semaphore, #tpu.memory_space<semaphore_mem>>) src(%dma_wait3A_78 : memref<16x80xi32, #tpu.memory_space<hbm>>) dst(%arg10 : memref<16x80xi32, #tpu.memory_space<vmem>>)
          tpu.yield
        }) : () -> ()
        %scan3A = arith.constant 0 : i32
        %scan3A_66 = arith.constant 0 : i32
        %scan3A_67 = arith.constant 16 : i32
        %scan3A_68 = arith.addi %scan3A_66, %scan3A_67 : i32
        %scan3A_69 = arith.constant 1 : i32
        %scan3A_70 = scf.for %scan3A_73 = %scan3A_66 to %scan3A_68 step %scan3A_69 iter_args(%scan3A_74 = %scan3A) -> (i32)  : i32 {
          %dma_start3A = arith.constant 0 : i32
          %dma_start3A_75 = tpu.memref_slice %arg9[%scan3A_73, %dma_start3A] : memref<16x80xi32, #tpu.memory_space<vmem>> -> memref<1x80xi32, #tpu.memory_space<vmem>>
          %dma_start3A_76 = tpu.memref_squeeze %dma_start3A_75 : memref<1x80xi32, #tpu.memory_space<vmem>> -> memref<80xi32, #tpu.memory_space<vmem>>
          %dma_start3A_77 = arith.constant 0 : i32
          %dma_start3A_78 = arith.constant 0 : i32
          %dma_start3A_79 = tpu.memref_slice %arg2[%dma_start3A_77, %dma_start3A_78] : memref<10000x32xf32, #tpu.memory_space<hbm>> -> memref<10000x32xf32, #tpu.memory_space<hbm>>
          tpu.enqueue_indirect_dma source(%dma_start3A_79 : memref<10000x32xf32, #tpu.memory_space<hbm>>) target(%arg11 : memref<80x32xf32, #tpu.memory_space<vmem>>) offsets(%dma_start3A_76 : memref<80xi32, #tpu.memory_space<vmem>>) semaphore(%arg13 : memref<!tpu.dma_semaphore, #tpu.memory_space<semaphore_mem>>)
          %dma_wait3A = arith.constant 0 : i32
          %dma_wait3A_80 = tpu.memref_slice %arg9[%scan3A_73, %dma_wait3A] : memref<16x80xi32, #tpu.memory_space<vmem>> -> memref<1x80xi32, #tpu.memory_space<vmem>>
          %dma_wait3A_81 = tpu.memref_squeeze %dma_wait3A_80 : memref<1x80xi32, #tpu.memory_space<vmem>> -> memref<80xi32, #tpu.memory_space<vmem>>
          %dma_wait3A_82 = arith.constant 0 : i32
          %dma_wait3A_83 = arith.constant 0 : i32
          %dma_wait3A_84 = tpu.memref_slice %arg2[%dma_wait3A_82, %dma_wait3A_83] : memref<10000x32xf32, #tpu.memory_space<hbm>> -> memref<10000x32xf32, #tpu.memory_space<hbm>>
          tpu.wait_indirect_dma semaphore(%arg13 : memref<!tpu.dma_semaphore, #tpu.memory_space<semaphore_mem>>) src(%dma_wait3A_84 : memref<10000x32xf32, #tpu.memory_space<hbm>>) dst(%arg11 : memref<80x32xf32, #tpu.memory_space<vmem>>)
          "tpu.region"() ({
            %run_scoped3A = tpu.sem_alloc : memref<!tpu.dma_semaphore, #tpu.memory_space<semaphore_mem>>
            %dma_start3A_86 = arith.constant 0 : i32
            %dma_start3A_87 = tpu.memref_slice %arg10[%scan3A_73, %dma_start3A_86] : memref<16x80xi32, #tpu.memory_space<vmem>> -> memref<1x80xi32, #tpu.memory_space<vmem>>
            %dma_start3A_88 = tpu.memref_squeeze %dma_start3A_87 : memref<1x80xi32, #tpu.memory_space<vmem>> -> memref<80xi32, #tpu.memory_space<vmem>>
            %dma_start3A_89 = arith.constant 0 : i32
            %dma_start3A_90 = arith.constant 0 : i32
            %dma_start3A_91 = tpu.memref_slice %arg12[%dma_start3A_89, %dma_start3A_90] : memref<10000x32xf32, #tpu.memory_space<vmem_shared>> -> memref<10000x32xf32, #tpu.memory_space<vmem_shared>>
            tpu.enqueue_indirect_dma source(%arg11 : memref<80x32xf32, #tpu.memory_space<vmem>>) target(%dma_start3A_91 : memref<10000x32xf32, #tpu.memory_space<vmem_shared>>) offsets(%dma_start3A_88 : memref<80xi32, #tpu.memory_space<vmem>>) semaphore(%run_scoped3A : memref<!tpu.dma_semaphore, #tpu.memory_space<semaphore_mem>>) {add = true}
            %dma_wait3A_92 = arith.constant 0 : i32
            %dma_wait3A_93 = tpu.memref_slice %arg10[%scan3A_73, %dma_wait3A_92] : memref<16x80xi32, #tpu.memory_space<vmem>> -> memref<1x80xi32, #tpu.memory_space<vmem>>
            %dma_wait3A_94 = tpu.memref_squeeze %dma_wait3A_93 : memref<1x80xi32, #tpu.memory_space<vmem>> -> memref<80xi32, #tpu.memory_space<vmem>>
            %dma_wait3A_95 = arith.constant 0 : i32
            %dma_wait3A_96 = arith.constant 0 : i32
            %dma_wait3A_97 = tpu.memref_slice %arg12[%dma_wait3A_95, %dma_wait3A_96] : memref<10000x32xf32, #tpu.memory_space<vmem_shared>> -> memref<10000x32xf32, #tpu.memory_space<vmem_shared>>
            tpu.wait_indirect_dma semaphore(%run_scoped3A : memref<!tpu.dma_semaphore, #tpu.memory_space<semaphore_mem>>) src(%arg11 : memref<80x32xf32, #tpu.memory_space<vmem>>) dst(%dma_wait3A_97 : memref<10000x32xf32, #tpu.memory_space<vmem_shared>>)
            tpu.yield
          }) : () -> ()
          %scan3A_85 = arith.constant 0 : i32
          scf.yield %scan3A_85 : i32
        }
        %scan3A_71 = arith.constant 16 : i32
        %while3A_72 = arith.constant 0 : i32
        scf.yield %while3A_72 : i32
      }
    } else {
    }
    %eq3A_27 = arith.constant 1 : i32
    %eq3A_28 = arith.cmpi eq, %arg0, %eq3A_27 : i32
    %convert_element_type3A_29 = arith.extui %eq3A_28 : i1 to i32
    %cond3A_30 = arith.constant 0 : i32
    %cond3A_31 = arith.cmpi ne, %convert_element_type3A_29, %cond3A_30 : i32
    scf.if %cond3A_31 {
      %while3A = arith.constant 0 : i32
      %while3A_49 = arith.constant 0 : i32
      %while3A_50 = arith.subi %select_n3A, %while3A : i32
      %while3A_51 = arith.addi %while3A, %while3A_50 : i32
      %while3A_52 = arith.constant 1 : i32
      %while3A_53 = arith.divsi %while3A_50, %while3A_52 : i32
      %while3A_54 = arith.muli %while3A_53, %while3A_52 : i32
      %while3A_55 = arith.addi %while3A, %while3A_54 : i32
      %while3A_56 = arith.constant 1 : i32
      %while3A_57 = scf.for %while3A_60 = %while3A to %while3A_55 step %while3A_56 iter_args(%while3A_61 = %while3A_49) -> (i32)  : i32 {
        %mul3A = arith.constant 16 : i32
        %mul3A_62 = arith.muli %while3A_60, %mul3A : i32
        %add3A_63 = arith.addi %arg1, %mul3A_62 : i32
        %mul3A_64 = arith.constant 16 : i32
        %mul3A_65 = arith.muli %add3A_63, %mul3A_64 : i32
        "tpu.region"() ({
          %run_scoped3A = tpu.sem_alloc : memref<!tpu.dma_semaphore, #tpu.memory_space<semaphore_mem>>
          %dma_start3A = arith.constant 0 : i32
          %dma_start3A_73 = tpu.memref_slice %arg4[%mul3A_65, %dma_start3A] : memref<4000x80xi32, #tpu.memory_space<hbm>> -> memref<16x80xi32, #tpu.memory_space<hbm>>
          %dma_start3A_74 = arith.constant 0 : i32
          %dma_start3A_75 = tpu.memref_slice %arg4[%mul3A_65, %dma_start3A_74] : memref<4000x80xi32, #tpu.memory_space<hbm>> -> memref<16x80xi32, #tpu.memory_space<hbm>>
          tpu.enqueue_dma source(%dma_start3A_75 : memref<16x80xi32, #tpu.memory_space<hbm>>) target(%arg9 : memref<16x80xi32, #tpu.memory_space<vmem>>) target_semaphore(%run_scoped3A : memref<!tpu.dma_semaphore, #tpu.memory_space<semaphore_mem>>)
          %dma_wait3A = arith.constant 0 : i32
          %dma_wait3A_76 = tpu.memref_slice %arg4[%mul3A_65, %dma_wait3A] : memref<4000x80xi32, #tpu.memory_space<hbm>> -> memref<16x80xi32, #tpu.memory_space<hbm>>
          %dma_wait3A_77 = arith.constant 0 : i32
          %dma_wait3A_78 = tpu.memref_slice %arg4[%mul3A_65, %dma_wait3A_77] : memref<4000x80xi32, #tpu.memory_space<hbm>> -> memref<16x80xi32, #tpu.memory_space<hbm>>
          tpu.wait_dma2 semaphore(%run_scoped3A : memref<!tpu.dma_semaphore, #tpu.memory_space<semaphore_mem>>) src(%dma_wait3A_78 : memref<16x80xi32, #tpu.memory_space<hbm>>) dst(%arg9 : memref<16x80xi32, #tpu.memory_space<vmem>>)
          tpu.yield
        }) : () -> ()
        "tpu.region"() ({
          %run_scoped3A = tpu.sem_alloc : memref<!tpu.dma_semaphore, #tpu.memory_space<semaphore_mem>>
          %dma_start3A = arith.constant 0 : i32
          %dma_start3A_73 = tpu.memref_slice %arg5[%mul3A_65, %dma_start3A] : memref<4000x80xi32, #tpu.memory_space<hbm>> -> memref<16x80xi32, #tpu.memory_space<hbm>>
          %dma_start3A_74 = arith.constant 0 : i32
          %dma_start3A_75 = tpu.memref_slice %arg5[%mul3A_65, %dma_start3A_74] : memref<4000x80xi32, #tpu.memory_space<hbm>> -> memref<16x80xi32, #tpu.memory_space<hbm>>
          tpu.enqueue_dma source(%dma_start3A_75 : memref<16x80xi32, #tpu.memory_space<hbm>>) target(%arg10 : memref<16x80xi32, #tpu.memory_space<vmem>>) target_semaphore(%run_scoped3A : memref<!tpu.dma_semaphore, #tpu.memory_space<semaphore_mem>>)
          %dma_wait3A = arith.constant 0 : i32
          %dma_wait3A_76 = tpu.memref_slice %arg5[%mul3A_65, %dma_wait3A] : memref<4000x80xi32, #tpu.memory_space<hbm>> -> memref<16x80xi32, #tpu.memory_space<hbm>>
          %dma_wait3A_77 = arith.constant 0 : i32
          %dma_wait3A_78 = tpu.memref_slice %arg5[%mul3A_65, %dma_wait3A_77] : memref<4000x80xi32, #tpu.memory_space<hbm>> -> memref<16x80xi32, #tpu.memory_space<hbm>>
          tpu.wait_dma2 semaphore(%run_scoped3A : memref<!tpu.dma_semaphore, #tpu.memory_space<semaphore_mem>>) src(%dma_wait3A_78 : memref<16x80xi32, #tpu.memory_space<hbm>>) dst(%arg10 : memref<16x80xi32, #tpu.memory_space<vmem>>)
          tpu.yield
        }) : () -> ()
        %scan3A = arith.constant 0 : i32
        %scan3A_66 = arith.constant 0 : i32
        %scan3A_67 = arith.constant 16 : i32
        %scan3A_68 = arith.addi %scan3A_66, %scan3A_67 : i32
        %scan3A_69 = arith.constant 1 : i32
        %scan3A_70 = scf.for %scan3A_73 = %scan3A_66 to %scan3A_68 step %scan3A_69 iter_args(%scan3A_74 = %scan3A) -> (i32)  : i32 {
          %dma_start3A = arith.constant 0 : i32
          %dma_start3A_75 = tpu.memref_slice %arg9[%scan3A_73, %dma_start3A] : memref<16x80xi32, #tpu.memory_space<vmem>> -> memref<1x80xi32, #tpu.memory_space<vmem>>
          %dma_start3A_76 = tpu.memref_squeeze %dma_start3A_75 : memref<1x80xi32, #tpu.memory_space<vmem>> -> memref<80xi32, #tpu.memory_space<vmem>>
          %dma_start3A_77 = arith.constant 0 : i32
          %dma_start3A_78 = arith.constant 0 : i32
          %dma_start3A_79 = tpu.memref_slice %arg3[%dma_start3A_77, %dma_start3A_78] : memref<10000x32xf32, #tpu.memory_space<hbm>> -> memref<10000x32xf32, #tpu.memory_space<hbm>>
          tpu.enqueue_indirect_dma source(%dma_start3A_79 : memref<10000x32xf32, #tpu.memory_space<hbm>>) target(%arg11 : memref<80x32xf32, #tpu.memory_space<vmem>>) offsets(%dma_start3A_76 : memref<80xi32, #tpu.memory_space<vmem>>) semaphore(%arg13 : memref<!tpu.dma_semaphore, #tpu.memory_space<semaphore_mem>>)
          %dma_wait3A = arith.constant 0 : i32
          %dma_wait3A_80 = tpu.memref_slice %arg9[%scan3A_73, %dma_wait3A] : memref<16x80xi32, #tpu.memory_space<vmem>> -> memref<1x80xi32, #tpu.memory_space<vmem>>
          %dma_wait3A_81 = tpu.memref_squeeze %dma_wait3A_80 : memref<1x80xi32, #tpu.memory_space<vmem>> -> memref<80xi32, #tpu.memory_space<vmem>>
          %dma_wait3A_82 = arith.constant 0 : i32
          %dma_wait3A_83 = arith.constant 0 : i32
          %dma_wait3A_84 = tpu.memref_slice %arg3[%dma_wait3A_82, %dma_wait3A_83] : memref<10000x32xf32, #tpu.memory_space<hbm>> -> memref<10000x32xf32, #tpu.memory_space<hbm>>
          tpu.wait_indirect_dma semaphore(%arg13 : memref<!tpu.dma_semaphore, #tpu.memory_space<semaphore_mem>>) src(%dma_wait3A_84 : memref<10000x32xf32, #tpu.memory_space<hbm>>) dst(%arg11 : memref<80x32xf32, #tpu.memory_space<vmem>>)
          "tpu.region"() ({
            %run_scoped3A = tpu.sem_alloc : memref<!tpu.dma_semaphore, #tpu.memory_space<semaphore_mem>>
            %dma_start3A_86 = arith.constant 0 : i32
            %dma_start3A_87 = tpu.memref_slice %arg10[%scan3A_73, %dma_start3A_86] : memref<16x80xi32, #tpu.memory_space<vmem>> -> memref<1x80xi32, #tpu.memory_space<vmem>>
            %dma_start3A_88 = tpu.memref_squeeze %dma_start3A_87 : memref<1x80xi32, #tpu.memory_space<vmem>> -> memref<80xi32, #tpu.memory_space<vmem>>
            %dma_start3A_89 = arith.constant 0 : i32
            %dma_start3A_90 = arith.constant 0 : i32
            %dma_start3A_91 = tpu.memref_slice %arg12[%dma_start3A_89, %dma_start3A_90] : memref<10000x32xf32, #tpu.memory_space<vmem_shared>> -> memref<10000x32xf32, #tpu.memory_space<vmem_shared>>
            tpu.enqueue_indirect_dma source(%arg11 : memref<80x32xf32, #tpu.memory_space<vmem>>) target(%dma_start3A_91 : memref<10000x32xf32, #tpu.memory_space<vmem_shared>>) offsets(%dma_start3A_88 : memref<80xi32, #tpu.memory_space<vmem>>) semaphore(%run_scoped3A : memref<!tpu.dma_semaphore, #tpu.memory_space<semaphore_mem>>) {add = true}
            %dma_wait3A_92 = arith.constant 0 : i32
            %dma_wait3A_93 = tpu.memref_slice %arg10[%scan3A_73, %dma_wait3A_92] : memref<16x80xi32, #tpu.memory_space<vmem>> -> memref<1x80xi32, #tpu.memory_space<vmem>>
            %dma_wait3A_94 = tpu.memref_squeeze %dma_wait3A_93 : memref<1x80xi32, #tpu.memory_space<vmem>> -> memref<80xi32, #tpu.memory_space<vmem>>
            %dma_wait3A_95 = arith.constant 0 : i32
            %dma_wait3A_96 = arith.constant 0 : i32
            %dma_wait3A_97 = tpu.memref_slice %arg12[%dma_wait3A_95, %dma_wait3A_96] : memref<10000x32xf32, #tpu.memory_space<vmem_shared>> -> memref<10000x32xf32, #tpu.memory_space<vmem_shared>>
            tpu.wait_indirect_dma semaphore(%run_scoped3A : memref<!tpu.dma_semaphore, #tpu.memory_space<semaphore_mem>>) src(%arg11 : memref<80x32xf32, #tpu.memory_space<vmem>>) dst(%dma_wait3A_97 : memref<10000x32xf32, #tpu.memory_space<vmem_shared>>)
            tpu.yield
          }) : () -> ()
          %scan3A_85 = arith.constant 0 : i32
          scf.yield %scan3A_85 : i32
        }
        %scan3A_71 = arith.constant 16 : i32
        %while3A_72 = arith.constant 0 : i32
        scf.yield %while3A_72 : i32
      }
      %while3A_58 = arith.constant 1 : i32
      %while3A_59 = scf.for %while3A_60 = %while3A_55 to %while3A_51 step %while3A_58 iter_args(%while3A_61 = %while3A_57) -> (i32)  : i32 {
        %mul3A = arith.constant 16 : i32
        %mul3A_62 = arith.muli %while3A_60, %mul3A : i32
        %add3A_63 = arith.addi %arg1, %mul3A_62 : i32
        %mul3A_64 = arith.constant 16 : i32
        %mul3A_65 = arith.muli %add3A_63, %mul3A_64 : i32
        "tpu.region"() ({
          %run_scoped3A = tpu.sem_alloc : memref<!tpu.dma_semaphore, #tpu.memory_space<semaphore_mem>>
          %dma_start3A = arith.constant 0 : i32
          %dma_start3A_73 = tpu.memref_slice %arg4[%mul3A_65, %dma_start3A] : memref<4000x80xi32, #tpu.memory_space<hbm>> -> memref<16x80xi32, #tpu.memory_space<hbm>>
          %dma_start3A_74 = arith.constant 0 : i32
          %dma_start3A_75 = tpu.memref_slice %arg4[%mul3A_65, %dma_start3A_74] : memref<4000x80xi32, #tpu.memory_space<hbm>> -> memref<16x80xi32, #tpu.memory_space<hbm>>
          tpu.enqueue_dma source(%dma_start3A_75 : memref<16x80xi32, #tpu.memory_space<hbm>>) target(%arg9 : memref<16x80xi32, #tpu.memory_space<vmem>>) target_semaphore(%run_scoped3A : memref<!tpu.dma_semaphore, #tpu.memory_space<semaphore_mem>>)
          %dma_wait3A = arith.constant 0 : i32
          %dma_wait3A_76 = tpu.memref_slice %arg4[%mul3A_65, %dma_wait3A] : memref<4000x80xi32, #tpu.memory_space<hbm>> -> memref<16x80xi32, #tpu.memory_space<hbm>>
          %dma_wait3A_77 = arith.constant 0 : i32
          %dma_wait3A_78 = tpu.memref_slice %arg4[%mul3A_65, %dma_wait3A_77] : memref<4000x80xi32, #tpu.memory_space<hbm>> -> memref<16x80xi32, #tpu.memory_space<hbm>>
          tpu.wait_dma2 semaphore(%run_scoped3A : memref<!tpu.dma_semaphore, #tpu.memory_space<semaphore_mem>>) src(%dma_wait3A_78 : memref<16x80xi32, #tpu.memory_space<hbm>>) dst(%arg9 : memref<16x80xi32, #tpu.memory_space<vmem>>)
          tpu.yield
        }) : () -> ()
        "tpu.region"() ({
          %run_scoped3A = tpu.sem_alloc : memref<!tpu.dma_semaphore, #tpu.memory_space<semaphore_mem>>
          %dma_start3A = arith.constant 0 : i32
          %dma_start3A_73 = tpu.memref_slice %arg5[%mul3A_65, %dma_start3A] : memref<4000x80xi32, #tpu.memory_space<hbm>> -> memref<16x80xi32, #tpu.memory_space<hbm>>
          %dma_start3A_74 = arith.constant 0 : i32
          %dma_start3A_75 = tpu.memref_slice %arg5[%mul3A_65, %dma_start3A_74] : memref<4000x80xi32, #tpu.memory_space<hbm>> -> memref<16x80xi32, #tpu.memory_space<hbm>>
          tpu.enqueue_dma source(%dma_start3A_75 : memref<16x80xi32, #tpu.memory_space<hbm>>) target(%arg10 : memref<16x80xi32, #tpu.memory_space<vmem>>) target_semaphore(%run_scoped3A : memref<!tpu.dma_semaphore, #tpu.memory_space<semaphore_mem>>)
          %dma_wait3A = arith.constant 0 : i32
          %dma_wait3A_76 = tpu.memref_slice %arg5[%mul3A_65, %dma_wait3A] : memref<4000x80xi32, #tpu.memory_space<hbm>> -> memref<16x80xi32, #tpu.memory_space<hbm>>
          %dma_wait3A_77 = arith.constant 0 : i32
          %dma_wait3A_78 = tpu.memref_slice %arg5[%mul3A_65, %dma_wait3A_77] : memref<4000x80xi32, #tpu.memory_space<hbm>> -> memref<16x80xi32, #tpu.memory_space<hbm>>
          tpu.wait_dma2 semaphore(%run_scoped3A : memref<!tpu.dma_semaphore, #tpu.memory_space<semaphore_mem>>) src(%dma_wait3A_78 : memref<16x80xi32, #tpu.memory_space<hbm>>) dst(%arg10 : memref<16x80xi32, #tpu.memory_space<vmem>>)
          tpu.yield
        }) : () -> ()
        %scan3A = arith.constant 0 : i32
        %scan3A_66 = arith.constant 0 : i32
        %scan3A_67 = arith.constant 16 : i32
        %scan3A_68 = arith.addi %scan3A_66, %scan3A_67 : i32
        %scan3A_69 = arith.constant 1 : i32
        %scan3A_70 = scf.for %scan3A_73 = %scan3A_66 to %scan3A_68 step %scan3A_69 iter_args(%scan3A_74 = %scan3A) -> (i32)  : i32 {
          %dma_start3A = arith.constant 0 : i32
          %dma_start3A_75 = tpu.memref_slice %arg9[%scan3A_73, %dma_start3A] : memref<16x80xi32, #tpu.memory_space<vmem>> -> memref<1x80xi32, #tpu.memory_space<vmem>>
          %dma_start3A_76 = tpu.memref_squeeze %dma_start3A_75 : memref<1x80xi32, #tpu.memory_space<vmem>> -> memref<80xi32, #tpu.memory_space<vmem>>
          %dma_start3A_77 = arith.constant 0 : i32
          %dma_start3A_78 = arith.constant 0 : i32
          %dma_start3A_79 = tpu.memref_slice %arg3[%dma_start3A_77, %dma_start3A_78] : memref<10000x32xf32, #tpu.memory_space<hbm>> -> memref<10000x32xf32, #tpu.memory_space<hbm>>
          tpu.enqueue_indirect_dma source(%dma_start3A_79 : memref<10000x32xf32, #tpu.memory_space<hbm>>) target(%arg11 : memref<80x32xf32, #tpu.memory_space<vmem>>) offsets(%dma_start3A_76 : memref<80xi32, #tpu.memory_space<vmem>>) semaphore(%arg13 : memref<!tpu.dma_semaphore, #tpu.memory_space<semaphore_mem>>)
          %dma_wait3A = arith.constant 0 : i32
          %dma_wait3A_80 = tpu.memref_slice %arg9[%scan3A_73, %dma_wait3A] : memref<16x80xi32, #tpu.memory_space<vmem>> -> memref<1x80xi32, #tpu.memory_space<vmem>>
          %dma_wait3A_81 = tpu.memref_squeeze %dma_wait3A_80 : memref<1x80xi32, #tpu.memory_space<vmem>> -> memref<80xi32, #tpu.memory_space<vmem>>
          %dma_wait3A_82 = arith.constant 0 : i32
          %dma_wait3A_83 = arith.constant 0 : i32
          %dma_wait3A_84 = tpu.memref_slice %arg3[%dma_wait3A_82, %dma_wait3A_83] : memref<10000x32xf32, #tpu.memory_space<hbm>> -> memref<10000x32xf32, #tpu.memory_space<hbm>>
          tpu.wait_indirect_dma semaphore(%arg13 : memref<!tpu.dma_semaphore, #tpu.memory_space<semaphore_mem>>) src(%dma_wait3A_84 : memref<10000x32xf32, #tpu.memory_space<hbm>>) dst(%arg11 : memref<80x32xf32, #tpu.memory_space<vmem>>)
          "tpu.region"() ({
            %run_scoped3A = tpu.sem_alloc : memref<!tpu.dma_semaphore, #tpu.memory_space<semaphore_mem>>
            %dma_start3A_86 = arith.constant 0 : i32
            %dma_start3A_87 = tpu.memref_slice %arg10[%scan3A_73, %dma_start3A_86] : memref<16x80xi32, #tpu.memory_space<vmem>> -> memref<1x80xi32, #tpu.memory_space<vmem>>
            %dma_start3A_88 = tpu.memref_squeeze %dma_start3A_87 : memref<1x80xi32, #tpu.memory_space<vmem>> -> memref<80xi32, #tpu.memory_space<vmem>>
            %dma_start3A_89 = arith.constant 0 : i32
            %dma_start3A_90 = arith.constant 0 : i32
            %dma_start3A_91 = tpu.memref_slice %arg12[%dma_start3A_89, %dma_start3A_90] : memref<10000x32xf32, #tpu.memory_space<vmem_shared>> -> memref<10000x32xf32, #tpu.memory_space<vmem_shared>>
            tpu.enqueue_indirect_dma source(%arg11 : memref<80x32xf32, #tpu.memory_space<vmem>>) target(%dma_start3A_91 : memref<10000x32xf32, #tpu.memory_space<vmem_shared>>) offsets(%dma_start3A_88 : memref<80xi32, #tpu.memory_space<vmem>>) semaphore(%run_scoped3A : memref<!tpu.dma_semaphore, #tpu.memory_space<semaphore_mem>>) {add = true}
            %dma_wait3A_92 = arith.constant 0 : i32
            %dma_wait3A_93 = tpu.memref_slice %arg10[%scan3A_73, %dma_wait3A_92] : memref<16x80xi32, #tpu.memory_space<vmem>> -> memref<1x80xi32, #tpu.memory_space<vmem>>
            %dma_wait3A_94 = tpu.memref_squeeze %dma_wait3A_93 : memref<1x80xi32, #tpu.memory_space<vmem>> -> memref<80xi32, #tpu.memory_space<vmem>>
            %dma_wait3A_95 = arith.constant 0 : i32
            %dma_wait3A_96 = arith.constant 0 : i32
            %dma_wait3A_97 = tpu.memref_slice %arg12[%dma_wait3A_95, %dma_wait3A_96] : memref<10000x32xf32, #tpu.memory_space<vmem_shared>> -> memref<10000x32xf32, #tpu.memory_space<vmem_shared>>
            tpu.wait_indirect_dma semaphore(%run_scoped3A : memref<!tpu.dma_semaphore, #tpu.memory_space<semaphore_mem>>) src(%arg11 : memref<80x32xf32, #tpu.memory_space<vmem>>) dst(%dma_wait3A_97 : memref<10000x32xf32, #tpu.memory_space<vmem_shared>>)
            tpu.yield
          }) : () -> ()
          %scan3A_85 = arith.constant 0 : i32
          scf.yield %scan3A_85 : i32
        }
        %scan3A_71 = arith.constant 16 : i32
        %while3A_72 = arith.constant 0 : i32
        scf.yield %while3A_72 : i32
      }
    } else {
    }
    %barrier3A_32 = arith.constant 0 : index
    tpu.barrier barrier_id(%barrier3A_32)
    %eq3A_33 = arith.constant 0 : i32
    %eq3A_34 = arith.cmpi eq, %arg0, %eq3A_33 : i32
    %lt3A_35 = arith.constant 10 : i32
    %lt3A_36 = arith.cmpi slt, %arg1, %lt3A_35 : i32
    %and3A_37 = arith.andi %eq3A_34, %lt3A_36 : i1
    %convert_element_type3A_38 = arith.extui %and3A_37 : i1 to i32
    %cond3A_39 = arith.constant 0 : i32
    %cond3A_40 = arith.cmpi ne, %convert_element_type3A_38, %cond3A_39 : i32
    scf.if %cond3A_40 {
      %mul3A = arith.constant 1000 : i32
      %mul3A_49 = arith.muli %arg1, %mul3A : i32
      %mul3A_50 = arith.constant 1000 : i32
      %mul3A_51 = arith.muli %arg1, %mul3A_50 : i32
      "tpu.region"() ({
        %run_scoped3A = tpu.sem_alloc : memref<!tpu.dma_semaphore, #tpu.memory_space<semaphore_mem>>
        %dma_start3A = arith.constant 0 : i32
        %dma_start3A_52 = tpu.memref_slice %arg7[%mul3A_51, %dma_start3A] : memref<10000x32xf32, #tpu.memory_space<hbm>> -> memref<1000x32xf32, #tpu.memory_space<hbm>>
        %dma_start3A_53 = arith.constant 0 : i32
        %dma_start3A_54 = tpu.memref_slice %arg12[%mul3A_49, %dma_start3A_53] : memref<10000x32xf32, #tpu.memory_space<vmem_shared>> -> memref<1000x32xf32, #tpu.memory_space<vmem_shared>>
        tpu.enqueue_dma source(%dma_start3A_54 : memref<1000x32xf32, #tpu.memory_space<vmem_shared>>) target(%dma_start3A_52 : memref<1000x32xf32, #tpu.memory_space<hbm>>) target_semaphore(%run_scoped3A : memref<!tpu.dma_semaphore, #tpu.memory_space<semaphore_mem>>)
        %dma_wait3A = arith.constant 0 : i32
        %dma_wait3A_55 = tpu.memref_slice %arg7[%mul3A_51, %dma_wait3A] : memref<10000x32xf32, #tpu.memory_space<hbm>> -> memref<1000x32xf32, #tpu.memory_space<hbm>>
        %dma_wait3A_56 = arith.constant 0 : i32
        %dma_wait3A_57 = tpu.memref_slice %arg12[%mul3A_49, %dma_wait3A_56] : memref<10000x32xf32, #tpu.memory_space<vmem_shared>> -> memref<1000x32xf32, #tpu.memory_space<vmem_shared>>
        tpu.wait_dma2 semaphore(%run_scoped3A : memref<!tpu.dma_semaphore, #tpu.memory_space<semaphore_mem>>) src(%dma_wait3A_57 : memref<1000x32xf32, #tpu.memory_space<vmem_shared>>) dst(%dma_wait3A_55 : memref<1000x32xf32, #tpu.memory_space<hbm>>)
        tpu.yield
      }) : () -> ()
    } else {
    }
    %eq3A_41 = arith.constant 1 : i32
    %eq3A_42 = arith.cmpi eq, %arg0, %eq3A_41 : i32
    %lt3A_43 = arith.constant 10 : i32
    %lt3A_44 = arith.cmpi slt, %arg1, %lt3A_43 : i32
    %and3A_45 = arith.andi %eq3A_42, %lt3A_44 : i1
    %convert_element_type3A_46 = arith.extui %and3A_45 : i1 to i32
    %cond3A_47 = arith.constant 0 : i32
    %cond3A_48 = arith.cmpi ne, %convert_element_type3A_46, %cond3A_47 : i32
    scf.if %cond3A_48 {
      %mul3A = arith.constant 1000 : i32
      %mul3A_49 = arith.muli %arg1, %mul3A : i32
      %mul3A_50 = arith.constant 1000 : i32
      %mul3A_51 = arith.muli %arg1, %mul3A_50 : i32
      "tpu.region"() ({
        %run_scoped3A = tpu.sem_alloc : memref<!tpu.dma_semaphore, #tpu.memory_space<semaphore_mem>>
        %dma_start3A = arith.constant 0 : i32
        %dma_start3A_52 = tpu.memref_slice %arg8[%mul3A_51, %dma_start3A] : memref<10000x32xf32, #tpu.memory_space<hbm>> -> memref<1000x32xf32, #tpu.memory_space<hbm>>
        %dma_start3A_53 = arith.constant 0 : i32
        %dma_start3A_54 = tpu.memref_slice %arg12[%mul3A_49, %dma_start3A_53] : memref<10000x32xf32, #tpu.memory_space<vmem_shared>> -> memref<1000x32xf32, #tpu.memory_space<vmem_shared>>
        tpu.enqueue_dma source(%dma_start3A_54 : memref<1000x32xf32, #tpu.memory_space<vmem_shared>>) target(%dma_start3A_52 : memref<1000x32xf32, #tpu.memory_space<hbm>>) target_semaphore(%run_scoped3A : memref<!tpu.dma_semaphore, #tpu.memory_space<semaphore_mem>>)
        %dma_wait3A = arith.constant 0 : i32
        %dma_wait3A_55 = tpu.memref_slice %arg8[%mul3A_51, %dma_wait3A] : memref<10000x32xf32, #tpu.memory_space<hbm>> -> memref<1000x32xf32, #tpu.memory_space<hbm>>
        %dma_wait3A_56 = arith.constant 0 : i32
        %dma_wait3A_57 = tpu.memref_slice %arg12[%mul3A_49, %dma_wait3A_56] : memref<10000x32xf32, #tpu.memory_space<vmem_shared>> -> memref<1000x32xf32, #tpu.memory_space<vmem_shared>>
        tpu.wait_dma2 semaphore(%run_scoped3A : memref<!tpu.dma_semaphore, #tpu.memory_space<semaphore_mem>>) src(%dma_wait3A_57 : memref<1000x32xf32, #tpu.memory_space<vmem_shared>>) dst(%dma_wait3A_55 : memref<1000x32xf32, #tpu.memory_space<hbm>>)
        tpu.yield
      }) : () -> ()
    } else {
    }
    return
  }
}

#map = affine_map<(d0, d1) -> (0, 0)>
#map1 = affine_map<(d0, d1) -> (0, 0, 0)>
module attributes {stable_mosaic.version = 14 : i64} {
  func.func @k(%arg0: i32, %arg1: i32, %arg2: memref<4000x80xi32, #tpu.memory_space<hbm>>, %arg3: memref<4000x80xi32, #tpu.memory_space<hbm>>, %arg4: memref<10000x16xf32, #tpu.memory_space<hbm>>, %arg5: memref<80x16xf32, #tpu.memory_space<hbm>>, %arg6: memref<2x10000x16xf32, #tpu.memory_space<hbm>>, %arg7: memref<2x10000x16xf32, #tpu.memory_space<hbm>>, %arg8: memref<16x80xi32, #tpu.memory_space<vmem>>, %arg9: memref<80x16xf32, #tpu.memory_space<vmem>>, %arg10: memref<10000x16xf32, #tpu.memory_space<vmem_shared>>, %arg11: memref<10000x16xf32, #tpu.memory_space<vmem_shared>>) attributes {dimension_semantics = [#tpu.dimension_semantics<core_parallel>, #tpu.dimension_semantics<subcore_parallel>], iteration_bounds = array<i64: 2, 16>, scalar_prefetch = 0 : i64, scratch_operands = 4 : i64, tpu.core_type = #tpu.core_type<sc_vector_subcore>, window_params = [{transform_indices = #map}, {transform_indices = #map}, {transform_indices = #map}, {transform_indices = #map}, {transform_indices = #map1}, {transform_indices = #map1}]} {
    "tpu.region"() ({
      %run_scoped3A = tpu.sem_alloc : memref<!tpu.dma_semaphore, #tpu.memory_space<semaphore_mem>>
      tpu.enqueue_dma source(%arg5 : memref<80x16xf32, #tpu.memory_space<hbm>>) target(%arg9 : memref<80x16xf32, #tpu.memory_space<vmem>>) target_semaphore(%run_scoped3A : memref<!tpu.dma_semaphore, #tpu.memory_space<semaphore_mem>>)
      tpu.wait_dma2 semaphore(%run_scoped3A : memref<!tpu.dma_semaphore, #tpu.memory_space<semaphore_mem>>) src(%arg5 : memref<80x16xf32, #tpu.memory_space<hbm>>) dst(%arg9 : memref<80x16xf32, #tpu.memory_space<vmem>>)
      tpu.yield
    }) : () -> ()
    %lt3A = arith.constant 10 : i32
    %lt3A_0 = arith.cmpi slt, %arg1, %lt3A : i32
    %convert_element_type3A = arith.extui %lt3A_0 : i1 to i32
    %cond3A = arith.constant 0 : i32
    %cond3A_1 = arith.cmpi ne, %convert_element_type3A, %cond3A : i32
    scf.if %cond3A_1 {
      %mul3A_54 = arith.constant 1000 : i32
      %mul3A_55 = arith.muli %arg1, %mul3A_54 : i32
      %mul3A_56 = arith.constant 1000 : i32
      %mul3A_57 = arith.muli %arg1, %mul3A_56 : i32
      "tpu.region"() ({
        %run_scoped3A = tpu.sem_alloc : memref<!tpu.dma_semaphore, #tpu.memory_space<semaphore_mem>>
        %dma_start3A = arith.constant 0 : i32
        %dma_start3A_62 = tpu.memref_slice %arg10[%mul3A_57, %dma_start3A] : memref<10000x16xf32, #tpu.memory_space<vmem_shared>> -> memref<1000x16xf32, #tpu.memory_space<vmem_shared>>
        %dma_start3A_63 = arith.constant 0 : i32
        %dma_start3A_64 = tpu.memref_slice %arg4[%mul3A_55, %dma_start3A_63] : memref<10000x16xf32, #tpu.memory_space<hbm>> -> memref<1000x16xf32, #tpu.memory_space<hbm>>
        tpu.enqueue_dma source(%dma_start3A_64 : memref<1000x16xf32, #tpu.memory_space<hbm>>) target(%dma_start3A_62 : memref<1000x16xf32, #tpu.memory_space<vmem_shared>>) target_semaphore(%run_scoped3A : memref<!tpu.dma_semaphore, #tpu.memory_space<semaphore_mem>>)
        %dma_wait3A = arith.constant 0 : i32
        %dma_wait3A_65 = tpu.memref_slice %arg10[%mul3A_57, %dma_wait3A] : memref<10000x16xf32, #tpu.memory_space<vmem_shared>> -> memref<1000x16xf32, #tpu.memory_space<vmem_shared>>
        %dma_wait3A_66 = arith.constant 0 : i32
        %dma_wait3A_67 = tpu.memref_slice %arg4[%mul3A_55, %dma_wait3A_66] : memref<10000x16xf32, #tpu.memory_space<hbm>> -> memref<1000x16xf32, #tpu.memory_space<hbm>>
        tpu.wait_dma2 semaphore(%run_scoped3A : memref<!tpu.dma_semaphore, #tpu.memory_space<semaphore_mem>>) src(%dma_wait3A_67 : memref<1000x16xf32, #tpu.memory_space<hbm>>) dst(%dma_wait3A_65 : memref<1000x16xf32, #tpu.memory_space<vmem_shared>>)
        tpu.yield
      }) : () -> ()
      %mul3A_58 = arith.constant 1000 : i32
      %mul3A_59 = arith.muli %arg1, %mul3A_58 : i32
      %mul3A_60 = arith.constant 1000 : i32
      %mul3A_61 = arith.muli %arg1, %mul3A_60 : i32
      "tpu.region"() ({
        %run_scoped3A = tpu.sem_alloc : memref<!tpu.dma_semaphore, #tpu.memory_space<semaphore_mem>>
        %dma_start3A = arith.constant 0 : i32
        %dma_start3A_62 = tpu.memref_slice %arg11[%mul3A_61, %dma_start3A] : memref<10000x16xf32, #tpu.memory_space<vmem_shared>> -> memref<1000x16xf32, #tpu.memory_space<vmem_shared>>
        %dma_start3A_63 = arith.constant 0 : i32
        %dma_start3A_64 = tpu.memref_slice %arg4[%mul3A_59, %dma_start3A_63] : memref<10000x16xf32, #tpu.memory_space<hbm>> -> memref<1000x16xf32, #tpu.memory_space<hbm>>
        tpu.enqueue_dma source(%dma_start3A_64 : memref<1000x16xf32, #tpu.memory_space<hbm>>) target(%dma_start3A_62 : memref<1000x16xf32, #tpu.memory_space<vmem_shared>>) target_semaphore(%run_scoped3A : memref<!tpu.dma_semaphore, #tpu.memory_space<semaphore_mem>>)
        %dma_wait3A = arith.constant 0 : i32
        %dma_wait3A_65 = tpu.memref_slice %arg11[%mul3A_61, %dma_wait3A] : memref<10000x16xf32, #tpu.memory_space<vmem_shared>> -> memref<1000x16xf32, #tpu.memory_space<vmem_shared>>
        %dma_wait3A_66 = arith.constant 0 : i32
        %dma_wait3A_67 = tpu.memref_slice %arg4[%mul3A_59, %dma_wait3A_66] : memref<10000x16xf32, #tpu.memory_space<hbm>> -> memref<1000x16xf32, #tpu.memory_space<hbm>>
        tpu.wait_dma2 semaphore(%run_scoped3A : memref<!tpu.dma_semaphore, #tpu.memory_space<semaphore_mem>>) src(%dma_wait3A_67 : memref<1000x16xf32, #tpu.memory_space<hbm>>) dst(%dma_wait3A_65 : memref<1000x16xf32, #tpu.memory_space<vmem_shared>>)
        tpu.yield
      }) : () -> ()
    } else {
    }
    %barrier3A = arith.constant 0 : index
    tpu.barrier barrier_id(%barrier3A)
    %mul3A = arith.constant 2 : i32
    %mul3A_2 = arith.muli %arg1, %mul3A : i32
    %add3A = arith.addi %mul3A_2, %arg0 : i32
    %sub3A = arith.constant 250 : i32
    %sub3A_3 = arith.subi %sub3A, %add3A : i32
    %add3A_4 = arith.constant 32 : i32
    %add3A_5 = arith.addi %sub3A_3, %add3A_4 : i32
    %sub3A_6 = arith.constant 1 : i32
    %sub3A_7 = arith.subi %add3A_5, %sub3A_6 : i32
    %jit3A = arith.constant 32 : i32
    %div3A = arith.divsi %sub3A_7, %jit3A : i32
    %sign3A = arith.constant 0 : i32
    %sign3A_8 = arith.cmpi sgt, %sub3A_7, %sign3A : i32
    %sign3A_9 = arith.extui %sign3A_8 : i1 to i32
    %sign3A_10 = arith.constant 0 : i32
    %sign3A_11 = arith.cmpi slt, %sub3A_7, %sign3A_10 : i32
    %sign3A_12 = arith.extui %sign3A_11 : i1 to i32
    %sign3A_13 = arith.subi %sign3A_9, %sign3A_12 : i32
    %sign3A_14 = arith.constant 0 : i32
    %sign3A_15 = arith.cmpi sgt, %jit3A, %sign3A_14 : i32
    %sign3A_16 = arith.extui %sign3A_15 : i1 to i32
    %sign3A_17 = arith.constant 0 : i32
    %sign3A_18 = arith.cmpi slt, %jit3A, %sign3A_17 : i32
    %sign3A_19 = arith.extui %sign3A_18 : i1 to i32
    %sign3A_20 = arith.subi %sign3A_16, %sign3A_19 : i32
    %ne3A = arith.cmpi ne, %sign3A_13, %sign3A_20 : i32
    %rem3A = arith.remsi %sub3A_7, %jit3A : i32
    %ne3A_21 = arith.constant 0 : i32
    %ne3A_22 = arith.cmpi ne, %rem3A, %ne3A_21 : i32
    %and3A = arith.andi %ne3A, %ne3A_22 : i1
    %sub3A_23 = arith.constant 1 : i32
    %sub3A_24 = arith.subi %div3A, %sub3A_23 : i32
    %select_n3A = arith.select %and3A, %sub3A_24, %div3A : i32
    %while3A = arith.constant 0 : i32
    %while3A_25 = arith.constant 0 : i32
    %while3A_26 = arith.subi %select_n3A, %while3A : i32
    %while3A_27 = arith.addi %while3A, %while3A_26 : i32
    %while3A_28 = arith.constant 1 : i32
    %while3A_29 = arith.divsi %while3A_26, %while3A_28 : i32
    %while3A_30 = arith.muli %while3A_29, %while3A_28 : i32
    %while3A_31 = arith.addi %while3A, %while3A_30 : i32
    %while3A_32 = arith.constant 1 : i32
    %while3A_33 = scf.for %while3A_54 = %while3A to %while3A_31 step %while3A_32 iter_args(%while3A_55 = %while3A_25) -> (i32)  : i32 {
      %mul3A_56 = arith.constant 2 : i32
      %mul3A_57 = arith.muli %while3A_54, %mul3A_56 : i32
      %mul3A_58 = arith.constant 16 : i32
      %mul3A_59 = arith.muli %mul3A_57, %mul3A_58 : i32
      %add3A_60 = arith.addi %add3A, %mul3A_59 : i32
      %mul3A_61 = arith.constant 16 : i32
      %mul3A_62 = arith.muli %add3A_60, %mul3A_61 : i32
      "tpu.region"() ({
        %run_scoped3A = tpu.sem_alloc : memref<!tpu.dma_semaphore, #tpu.memory_space<semaphore_mem>>
        %dma_start3A = arith.constant 0 : i32
        %dma_start3A_70 = tpu.memref_slice %arg2[%mul3A_62, %dma_start3A] : memref<4000x80xi32, #tpu.memory_space<hbm>> -> memref<16x80xi32, #tpu.memory_space<hbm>>
        %dma_start3A_71 = arith.constant 0 : i32
        %dma_start3A_72 = tpu.memref_slice %arg2[%mul3A_62, %dma_start3A_71] : memref<4000x80xi32, #tpu.memory_space<hbm>> -> memref<16x80xi32, #tpu.memory_space<hbm>>
        tpu.enqueue_dma source(%dma_start3A_72 : memref<16x80xi32, #tpu.memory_space<hbm>>) target(%arg8 : memref<16x80xi32, #tpu.memory_space<vmem>>) target_semaphore(%run_scoped3A : memref<!tpu.dma_semaphore, #tpu.memory_space<semaphore_mem>>)
        %dma_wait3A = arith.constant 0 : i32
        %dma_wait3A_73 = tpu.memref_slice %arg2[%mul3A_62, %dma_wait3A] : memref<4000x80xi32, #tpu.memory_space<hbm>> -> memref<16x80xi32, #tpu.memory_space<hbm>>
        %dma_wait3A_74 = arith.constant 0 : i32
        %dma_wait3A_75 = tpu.memref_slice %arg2[%mul3A_62, %dma_wait3A_74] : memref<4000x80xi32, #tpu.memory_space<hbm>> -> memref<16x80xi32, #tpu.memory_space<hbm>>
        tpu.wait_dma2 semaphore(%run_scoped3A : memref<!tpu.dma_semaphore, #tpu.memory_space<semaphore_mem>>) src(%dma_wait3A_75 : memref<16x80xi32, #tpu.memory_space<hbm>>) dst(%arg8 : memref<16x80xi32, #tpu.memory_space<vmem>>)
        tpu.yield
      }) : () -> ()
      %scan3A = arith.constant 0 : i32
      %scan3A_63 = arith.constant 0 : i32
      %scan3A_64 = arith.constant 16 : i32
      %scan3A_65 = arith.addi %scan3A_63, %scan3A_64 : i32
      %scan3A_66 = arith.constant 1 : i32
      %scan3A_67 = scf.for %scan3A_70 = %scan3A_63 to %scan3A_65 step %scan3A_66 iter_args(%scan3A_71 = %scan3A) -> (i32)  : i32 {
        "tpu.region"() ({
          %run_scoped3A = tpu.sem_alloc : memref<!tpu.dma_semaphore, #tpu.memory_space<semaphore_mem>>
          %dma_start3A = arith.constant 0 : i32
          %dma_start3A_73 = tpu.memref_slice %arg8[%scan3A_70, %dma_start3A] : memref<16x80xi32, #tpu.memory_space<vmem>> -> memref<1x80xi32, #tpu.memory_space<vmem>>
          %dma_start3A_74 = tpu.memref_squeeze %dma_start3A_73 : memref<1x80xi32, #tpu.memory_space<vmem>> -> memref<80xi32, #tpu.memory_space<vmem>>
          %dma_start3A_75 = arith.constant 0 : i32
          %dma_start3A_76 = arith.constant 0 : i32
          %dma_start3A_77 = tpu.memref_slice %arg10[%dma_start3A_75, %dma_start3A_76] : memref<10000x16xf32, #tpu.memory_space<vmem_shared>> -> memref<10000x16xf32, #tpu.memory_space<vmem_shared>>
          tpu.enqueue_indirect_dma source(%arg9 : memref<80x16xf32, #tpu.memory_space<vmem>>) target(%dma_start3A_77 : memref<10000x16xf32, #tpu.memory_space<vmem_shared>>) offsets(%dma_start3A_74 : memref<80xi32, #tpu.memory_space<vmem>>) semaphore(%run_scoped3A : memref<!tpu.dma_semaphore, #tpu.memory_space<semaphore_mem>>) {add = true}
          %dma_wait3A = arith.constant 0 : i32
          %dma_wait3A_78 = tpu.memref_slice %arg8[%scan3A_70, %dma_wait3A] : memref<16x80xi32, #tpu.memory_space<vmem>> -> memref<1x80xi32, #tpu.memory_space<vmem>>
          %dma_wait3A_79 = tpu.memref_squeeze %dma_wait3A_78 : memref<1x80xi32, #tpu.memory_space<vmem>> -> memref<80xi32, #tpu.memory_space<vmem>>
          %dma_wait3A_80 = arith.constant 0 : i32
          %dma_wait3A_81 = arith.constant 0 : i32
          %dma_wait3A_82 = tpu.memref_slice %arg10[%dma_wait3A_80, %dma_wait3A_81] : memref<10000x16xf32, #tpu.memory_space<vmem_shared>> -> memref<10000x16xf32, #tpu.memory_space<vmem_shared>>
          tpu.wait_indirect_dma semaphore(%run_scoped3A : memref<!tpu.dma_semaphore, #tpu.memory_space<semaphore_mem>>) src(%arg9 : memref<80x16xf32, #tpu.memory_space<vmem>>) dst(%dma_wait3A_82 : memref<10000x16xf32, #tpu.memory_space<vmem_shared>>)
          tpu.yield
        }) : () -> ()
        %scan3A_72 = arith.constant 0 : i32
        scf.yield %scan3A_72 : i32
      }
      %scan3A_68 = arith.constant 16 : i32
      %while3A_69 = arith.constant 0 : i32
      scf.yield %while3A_69 : i32
    }
    %while3A_34 = arith.constant 1 : i32
    %while3A_35 = scf.for %while3A_54 = %while3A_31 to %while3A_27 step %while3A_34 iter_args(%while3A_55 = %while3A_33) -> (i32)  : i32 {
      %mul3A_56 = arith.constant 2 : i32
      %mul3A_57 = arith.muli %while3A_54, %mul3A_56 : i32
      %mul3A_58 = arith.constant 16 : i32
      %mul3A_59 = arith.muli %mul3A_57, %mul3A_58 : i32
      %add3A_60 = arith.addi %add3A, %mul3A_59 : i32
      %mul3A_61 = arith.constant 16 : i32
      %mul3A_62 = arith.muli %add3A_60, %mul3A_61 : i32
      "tpu.region"() ({
        %run_scoped3A = tpu.sem_alloc : memref<!tpu.dma_semaphore, #tpu.memory_space<semaphore_mem>>
        %dma_start3A = arith.constant 0 : i32
        %dma_start3A_70 = tpu.memref_slice %arg2[%mul3A_62, %dma_start3A] : memref<4000x80xi32, #tpu.memory_space<hbm>> -> memref<16x80xi32, #tpu.memory_space<hbm>>
        %dma_start3A_71 = arith.constant 0 : i32
        %dma_start3A_72 = tpu.memref_slice %arg2[%mul3A_62, %dma_start3A_71] : memref<4000x80xi32, #tpu.memory_space<hbm>> -> memref<16x80xi32, #tpu.memory_space<hbm>>
        tpu.enqueue_dma source(%dma_start3A_72 : memref<16x80xi32, #tpu.memory_space<hbm>>) target(%arg8 : memref<16x80xi32, #tpu.memory_space<vmem>>) target_semaphore(%run_scoped3A : memref<!tpu.dma_semaphore, #tpu.memory_space<semaphore_mem>>)
        %dma_wait3A = arith.constant 0 : i32
        %dma_wait3A_73 = tpu.memref_slice %arg2[%mul3A_62, %dma_wait3A] : memref<4000x80xi32, #tpu.memory_space<hbm>> -> memref<16x80xi32, #tpu.memory_space<hbm>>
        %dma_wait3A_74 = arith.constant 0 : i32
        %dma_wait3A_75 = tpu.memref_slice %arg2[%mul3A_62, %dma_wait3A_74] : memref<4000x80xi32, #tpu.memory_space<hbm>> -> memref<16x80xi32, #tpu.memory_space<hbm>>
        tpu.wait_dma2 semaphore(%run_scoped3A : memref<!tpu.dma_semaphore, #tpu.memory_space<semaphore_mem>>) src(%dma_wait3A_75 : memref<16x80xi32, #tpu.memory_space<hbm>>) dst(%arg8 : memref<16x80xi32, #tpu.memory_space<vmem>>)
        tpu.yield
      }) : () -> ()
      %scan3A = arith.constant 0 : i32
      %scan3A_63 = arith.constant 0 : i32
      %scan3A_64 = arith.constant 16 : i32
      %scan3A_65 = arith.addi %scan3A_63, %scan3A_64 : i32
      %scan3A_66 = arith.constant 1 : i32
      %scan3A_67 = scf.for %scan3A_70 = %scan3A_63 to %scan3A_65 step %scan3A_66 iter_args(%scan3A_71 = %scan3A) -> (i32)  : i32 {
        "tpu.region"() ({
          %run_scoped3A = tpu.sem_alloc : memref<!tpu.dma_semaphore, #tpu.memory_space<semaphore_mem>>
          %dma_start3A = arith.constant 0 : i32
          %dma_start3A_73 = tpu.memref_slice %arg8[%scan3A_70, %dma_start3A] : memref<16x80xi32, #tpu.memory_space<vmem>> -> memref<1x80xi32, #tpu.memory_space<vmem>>
          %dma_start3A_74 = tpu.memref_squeeze %dma_start3A_73 : memref<1x80xi32, #tpu.memory_space<vmem>> -> memref<80xi32, #tpu.memory_space<vmem>>
          %dma_start3A_75 = arith.constant 0 : i32
          %dma_start3A_76 = arith.constant 0 : i32
          %dma_start3A_77 = tpu.memref_slice %arg10[%dma_start3A_75, %dma_start3A_76] : memref<10000x16xf32, #tpu.memory_space<vmem_shared>> -> memref<10000x16xf32, #tpu.memory_space<vmem_shared>>
          tpu.enqueue_indirect_dma source(%arg9 : memref<80x16xf32, #tpu.memory_space<vmem>>) target(%dma_start3A_77 : memref<10000x16xf32, #tpu.memory_space<vmem_shared>>) offsets(%dma_start3A_74 : memref<80xi32, #tpu.memory_space<vmem>>) semaphore(%run_scoped3A : memref<!tpu.dma_semaphore, #tpu.memory_space<semaphore_mem>>) {add = true}
          %dma_wait3A = arith.constant 0 : i32
          %dma_wait3A_78 = tpu.memref_slice %arg8[%scan3A_70, %dma_wait3A] : memref<16x80xi32, #tpu.memory_space<vmem>> -> memref<1x80xi32, #tpu.memory_space<vmem>>
          %dma_wait3A_79 = tpu.memref_squeeze %dma_wait3A_78 : memref<1x80xi32, #tpu.memory_space<vmem>> -> memref<80xi32, #tpu.memory_space<vmem>>
          %dma_wait3A_80 = arith.constant 0 : i32
          %dma_wait3A_81 = arith.constant 0 : i32
          %dma_wait3A_82 = tpu.memref_slice %arg10[%dma_wait3A_80, %dma_wait3A_81] : memref<10000x16xf32, #tpu.memory_space<vmem_shared>> -> memref<10000x16xf32, #tpu.memory_space<vmem_shared>>
          tpu.wait_indirect_dma semaphore(%run_scoped3A : memref<!tpu.dma_semaphore, #tpu.memory_space<semaphore_mem>>) src(%arg9 : memref<80x16xf32, #tpu.memory_space<vmem>>) dst(%dma_wait3A_82 : memref<10000x16xf32, #tpu.memory_space<vmem_shared>>)
          tpu.yield
        }) : () -> ()
        %scan3A_72 = arith.constant 0 : i32
        scf.yield %scan3A_72 : i32
      }
      %scan3A_68 = arith.constant 16 : i32
      %while3A_69 = arith.constant 0 : i32
      scf.yield %while3A_69 : i32
    }
    %while3A_36 = arith.constant 0 : i32
    %while3A_37 = arith.constant 0 : i32
    %while3A_38 = arith.subi %select_n3A, %while3A_36 : i32
    %while3A_39 = arith.addi %while3A_36, %while3A_38 : i32
    %while3A_40 = arith.constant 1 : i32
    %while3A_41 = arith.divsi %while3A_38, %while3A_40 : i32
    %while3A_42 = arith.muli %while3A_41, %while3A_40 : i32
    %while3A_43 = arith.addi %while3A_36, %while3A_42 : i32
    %while3A_44 = arith.constant 1 : i32
    %while3A_45 = scf.for %while3A_54 = %while3A_36 to %while3A_43 step %while3A_44 iter_args(%while3A_55 = %while3A_37) -> (i32)  : i32 {
      %mul3A_56 = arith.constant 2 : i32
      %mul3A_57 = arith.muli %while3A_54, %mul3A_56 : i32
      %mul3A_58 = arith.constant 16 : i32
      %mul3A_59 = arith.muli %mul3A_57, %mul3A_58 : i32
      %add3A_60 = arith.addi %add3A, %mul3A_59 : i32
      %mul3A_61 = arith.constant 16 : i32
      %mul3A_62 = arith.muli %add3A_60, %mul3A_61 : i32
      "tpu.region"() ({
        %run_scoped3A = tpu.sem_alloc : memref<!tpu.dma_semaphore, #tpu.memory_space<semaphore_mem>>
        %dma_start3A = arith.constant 0 : i32
        %dma_start3A_70 = tpu.memref_slice %arg3[%mul3A_62, %dma_start3A] : memref<4000x80xi32, #tpu.memory_space<hbm>> -> memref<16x80xi32, #tpu.memory_space<hbm>>
        %dma_start3A_71 = arith.constant 0 : i32
        %dma_start3A_72 = tpu.memref_slice %arg3[%mul3A_62, %dma_start3A_71] : memref<4000x80xi32, #tpu.memory_space<hbm>> -> memref<16x80xi32, #tpu.memory_space<hbm>>
        tpu.enqueue_dma source(%dma_start3A_72 : memref<16x80xi32, #tpu.memory_space<hbm>>) target(%arg8 : memref<16x80xi32, #tpu.memory_space<vmem>>) target_semaphore(%run_scoped3A : memref<!tpu.dma_semaphore, #tpu.memory_space<semaphore_mem>>)
        %dma_wait3A = arith.constant 0 : i32
        %dma_wait3A_73 = tpu.memref_slice %arg3[%mul3A_62, %dma_wait3A] : memref<4000x80xi32, #tpu.memory_space<hbm>> -> memref<16x80xi32, #tpu.memory_space<hbm>>
        %dma_wait3A_74 = arith.constant 0 : i32
        %dma_wait3A_75 = tpu.memref_slice %arg3[%mul3A_62, %dma_wait3A_74] : memref<4000x80xi32, #tpu.memory_space<hbm>> -> memref<16x80xi32, #tpu.memory_space<hbm>>
        tpu.wait_dma2 semaphore(%run_scoped3A : memref<!tpu.dma_semaphore, #tpu.memory_space<semaphore_mem>>) src(%dma_wait3A_75 : memref<16x80xi32, #tpu.memory_space<hbm>>) dst(%arg8 : memref<16x80xi32, #tpu.memory_space<vmem>>)
        tpu.yield
      }) : () -> ()
      %scan3A = arith.constant 0 : i32
      %scan3A_63 = arith.constant 0 : i32
      %scan3A_64 = arith.constant 16 : i32
      %scan3A_65 = arith.addi %scan3A_63, %scan3A_64 : i32
      %scan3A_66 = arith.constant 1 : i32
      %scan3A_67 = scf.for %scan3A_70 = %scan3A_63 to %scan3A_65 step %scan3A_66 iter_args(%scan3A_71 = %scan3A) -> (i32)  : i32 {
        "tpu.region"() ({
          %run_scoped3A = tpu.sem_alloc : memref<!tpu.dma_semaphore, #tpu.memory_space<semaphore_mem>>
          %dma_start3A = arith.constant 0 : i32
          %dma_start3A_73 = tpu.memref_slice %arg8[%scan3A_70, %dma_start3A] : memref<16x80xi32, #tpu.memory_space<vmem>> -> memref<1x80xi32, #tpu.memory_space<vmem>>
          %dma_start3A_74 = tpu.memref_squeeze %dma_start3A_73 : memref<1x80xi32, #tpu.memory_space<vmem>> -> memref<80xi32, #tpu.memory_space<vmem>>
          %dma_start3A_75 = arith.constant 0 : i32
          %dma_start3A_76 = arith.constant 0 : i32
          %dma_start3A_77 = tpu.memref_slice %arg11[%dma_start3A_75, %dma_start3A_76] : memref<10000x16xf32, #tpu.memory_space<vmem_shared>> -> memref<10000x16xf32, #tpu.memory_space<vmem_shared>>
          tpu.enqueue_indirect_dma source(%arg9 : memref<80x16xf32, #tpu.memory_space<vmem>>) target(%dma_start3A_77 : memref<10000x16xf32, #tpu.memory_space<vmem_shared>>) offsets(%dma_start3A_74 : memref<80xi32, #tpu.memory_space<vmem>>) semaphore(%run_scoped3A : memref<!tpu.dma_semaphore, #tpu.memory_space<semaphore_mem>>) {add = true}
          %dma_wait3A = arith.constant 0 : i32
          %dma_wait3A_78 = tpu.memref_slice %arg8[%scan3A_70, %dma_wait3A] : memref<16x80xi32, #tpu.memory_space<vmem>> -> memref<1x80xi32, #tpu.memory_space<vmem>>
          %dma_wait3A_79 = tpu.memref_squeeze %dma_wait3A_78 : memref<1x80xi32, #tpu.memory_space<vmem>> -> memref<80xi32, #tpu.memory_space<vmem>>
          %dma_wait3A_80 = arith.constant 0 : i32
          %dma_wait3A_81 = arith.constant 0 : i32
          %dma_wait3A_82 = tpu.memref_slice %arg11[%dma_wait3A_80, %dma_wait3A_81] : memref<10000x16xf32, #tpu.memory_space<vmem_shared>> -> memref<10000x16xf32, #tpu.memory_space<vmem_shared>>
          tpu.wait_indirect_dma semaphore(%run_scoped3A : memref<!tpu.dma_semaphore, #tpu.memory_space<semaphore_mem>>) src(%arg9 : memref<80x16xf32, #tpu.memory_space<vmem>>) dst(%dma_wait3A_82 : memref<10000x16xf32, #tpu.memory_space<vmem_shared>>)
          tpu.yield
        }) : () -> ()
        %scan3A_72 = arith.constant 0 : i32
        scf.yield %scan3A_72 : i32
      }
      %scan3A_68 = arith.constant 16 : i32
      %while3A_69 = arith.constant 0 : i32
      scf.yield %while3A_69 : i32
    }
    %while3A_46 = arith.constant 1 : i32
    %while3A_47 = scf.for %while3A_54 = %while3A_43 to %while3A_39 step %while3A_46 iter_args(%while3A_55 = %while3A_45) -> (i32)  : i32 {
      %mul3A_56 = arith.constant 2 : i32
      %mul3A_57 = arith.muli %while3A_54, %mul3A_56 : i32
      %mul3A_58 = arith.constant 16 : i32
      %mul3A_59 = arith.muli %mul3A_57, %mul3A_58 : i32
      %add3A_60 = arith.addi %add3A, %mul3A_59 : i32
      %mul3A_61 = arith.constant 16 : i32
      %mul3A_62 = arith.muli %add3A_60, %mul3A_61 : i32
      "tpu.region"() ({
        %run_scoped3A = tpu.sem_alloc : memref<!tpu.dma_semaphore, #tpu.memory_space<semaphore_mem>>
        %dma_start3A = arith.constant 0 : i32
        %dma_start3A_70 = tpu.memref_slice %arg3[%mul3A_62, %dma_start3A] : memref<4000x80xi32, #tpu.memory_space<hbm>> -> memref<16x80xi32, #tpu.memory_space<hbm>>
        %dma_start3A_71 = arith.constant 0 : i32
        %dma_start3A_72 = tpu.memref_slice %arg3[%mul3A_62, %dma_start3A_71] : memref<4000x80xi32, #tpu.memory_space<hbm>> -> memref<16x80xi32, #tpu.memory_space<hbm>>
        tpu.enqueue_dma source(%dma_start3A_72 : memref<16x80xi32, #tpu.memory_space<hbm>>) target(%arg8 : memref<16x80xi32, #tpu.memory_space<vmem>>) target_semaphore(%run_scoped3A : memref<!tpu.dma_semaphore, #tpu.memory_space<semaphore_mem>>)
        %dma_wait3A = arith.constant 0 : i32
        %dma_wait3A_73 = tpu.memref_slice %arg3[%mul3A_62, %dma_wait3A] : memref<4000x80xi32, #tpu.memory_space<hbm>> -> memref<16x80xi32, #tpu.memory_space<hbm>>
        %dma_wait3A_74 = arith.constant 0 : i32
        %dma_wait3A_75 = tpu.memref_slice %arg3[%mul3A_62, %dma_wait3A_74] : memref<4000x80xi32, #tpu.memory_space<hbm>> -> memref<16x80xi32, #tpu.memory_space<hbm>>
        tpu.wait_dma2 semaphore(%run_scoped3A : memref<!tpu.dma_semaphore, #tpu.memory_space<semaphore_mem>>) src(%dma_wait3A_75 : memref<16x80xi32, #tpu.memory_space<hbm>>) dst(%arg8 : memref<16x80xi32, #tpu.memory_space<vmem>>)
        tpu.yield
      }) : () -> ()
      %scan3A = arith.constant 0 : i32
      %scan3A_63 = arith.constant 0 : i32
      %scan3A_64 = arith.constant 16 : i32
      %scan3A_65 = arith.addi %scan3A_63, %scan3A_64 : i32
      %scan3A_66 = arith.constant 1 : i32
      %scan3A_67 = scf.for %scan3A_70 = %scan3A_63 to %scan3A_65 step %scan3A_66 iter_args(%scan3A_71 = %scan3A) -> (i32)  : i32 {
        "tpu.region"() ({
          %run_scoped3A = tpu.sem_alloc : memref<!tpu.dma_semaphore, #tpu.memory_space<semaphore_mem>>
          %dma_start3A = arith.constant 0 : i32
          %dma_start3A_73 = tpu.memref_slice %arg8[%scan3A_70, %dma_start3A] : memref<16x80xi32, #tpu.memory_space<vmem>> -> memref<1x80xi32, #tpu.memory_space<vmem>>
          %dma_start3A_74 = tpu.memref_squeeze %dma_start3A_73 : memref<1x80xi32, #tpu.memory_space<vmem>> -> memref<80xi32, #tpu.memory_space<vmem>>
          %dma_start3A_75 = arith.constant 0 : i32
          %dma_start3A_76 = arith.constant 0 : i32
          %dma_start3A_77 = tpu.memref_slice %arg11[%dma_start3A_75, %dma_start3A_76] : memref<10000x16xf32, #tpu.memory_space<vmem_shared>> -> memref<10000x16xf32, #tpu.memory_space<vmem_shared>>
          tpu.enqueue_indirect_dma source(%arg9 : memref<80x16xf32, #tpu.memory_space<vmem>>) target(%dma_start3A_77 : memref<10000x16xf32, #tpu.memory_space<vmem_shared>>) offsets(%dma_start3A_74 : memref<80xi32, #tpu.memory_space<vmem>>) semaphore(%run_scoped3A : memref<!tpu.dma_semaphore, #tpu.memory_space<semaphore_mem>>) {add = true}
          %dma_wait3A = arith.constant 0 : i32
          %dma_wait3A_78 = tpu.memref_slice %arg8[%scan3A_70, %dma_wait3A] : memref<16x80xi32, #tpu.memory_space<vmem>> -> memref<1x80xi32, #tpu.memory_space<vmem>>
          %dma_wait3A_79 = tpu.memref_squeeze %dma_wait3A_78 : memref<1x80xi32, #tpu.memory_space<vmem>> -> memref<80xi32, #tpu.memory_space<vmem>>
          %dma_wait3A_80 = arith.constant 0 : i32
          %dma_wait3A_81 = arith.constant 0 : i32
          %dma_wait3A_82 = tpu.memref_slice %arg11[%dma_wait3A_80, %dma_wait3A_81] : memref<10000x16xf32, #tpu.memory_space<vmem_shared>> -> memref<10000x16xf32, #tpu.memory_space<vmem_shared>>
          tpu.wait_indirect_dma semaphore(%run_scoped3A : memref<!tpu.dma_semaphore, #tpu.memory_space<semaphore_mem>>) src(%arg9 : memref<80x16xf32, #tpu.memory_space<vmem>>) dst(%dma_wait3A_82 : memref<10000x16xf32, #tpu.memory_space<vmem_shared>>)
          tpu.yield
        }) : () -> ()
        %scan3A_72 = arith.constant 0 : i32
        scf.yield %scan3A_72 : i32
      }
      %scan3A_68 = arith.constant 16 : i32
      %while3A_69 = arith.constant 0 : i32
      scf.yield %while3A_69 : i32
    }
    %barrier3A_48 = arith.constant 0 : index
    tpu.barrier barrier_id(%barrier3A_48)
    %lt3A_49 = arith.constant 10 : i32
    %lt3A_50 = arith.cmpi slt, %arg1, %lt3A_49 : i32
    %convert_element_type3A_51 = arith.extui %lt3A_50 : i1 to i32
    %cond3A_52 = arith.constant 0 : i32
    %cond3A_53 = arith.cmpi ne, %convert_element_type3A_51, %cond3A_52 : i32
    scf.if %cond3A_53 {
      %mul3A_54 = arith.constant 1000 : i32
      %mul3A_55 = arith.muli %arg1, %mul3A_54 : i32
      %mul3A_56 = arith.constant 1000 : i32
      %mul3A_57 = arith.muli %arg1, %mul3A_56 : i32
      "tpu.region"() ({
        %run_scoped3A = tpu.sem_alloc : memref<!tpu.dma_semaphore, #tpu.memory_space<semaphore_mem>>
        %dma_start3A = arith.constant 0 : i32
        %dma_start3A_62 = tpu.memref_slice %arg6[%arg0, %mul3A_57, %dma_start3A] : memref<2x10000x16xf32, #tpu.memory_space<hbm>> -> memref<1x1000x16xf32, #tpu.memory_space<hbm>>
        %dma_start3A_63 = tpu.memref_squeeze %dma_start3A_62 : memref<1x1000x16xf32, #tpu.memory_space<hbm>> -> memref<1000x16xf32, #tpu.memory_space<hbm>>
        %dma_start3A_64 = arith.constant 0 : i32
        %dma_start3A_65 = tpu.memref_slice %arg10[%mul3A_55, %dma_start3A_64] : memref<10000x16xf32, #tpu.memory_space<vmem_shared>> -> memref<1000x16xf32, #tpu.memory_space<vmem_shared>>
        tpu.enqueue_dma source(%dma_start3A_65 : memref<1000x16xf32, #tpu.memory_space<vmem_shared>>) target(%dma_start3A_63 : memref<1000x16xf32, #tpu.memory_space<hbm>>) target_semaphore(%run_scoped3A : memref<!tpu.dma_semaphore, #tpu.memory_space<semaphore_mem>>)
        %dma_wait3A = arith.constant 0 : i32
        %dma_wait3A_66 = tpu.memref_slice %arg6[%arg0, %mul3A_57, %dma_wait3A] : memref<2x10000x16xf32, #tpu.memory_space<hbm>> -> memref<1x1000x16xf32, #tpu.memory_space<hbm>>
        %dma_wait3A_67 = tpu.memref_squeeze %dma_wait3A_66 : memref<1x1000x16xf32, #tpu.memory_space<hbm>> -> memref<1000x16xf32, #tpu.memory_space<hbm>>
        %dma_wait3A_68 = arith.constant 0 : i32
        %dma_wait3A_69 = tpu.memref_slice %arg10[%mul3A_55, %dma_wait3A_68] : memref<10000x16xf32, #tpu.memory_space<vmem_shared>> -> memref<1000x16xf32, #tpu.memory_space<vmem_shared>>
        tpu.wait_dma2 semaphore(%run_scoped3A : memref<!tpu.dma_semaphore, #tpu.memory_space<semaphore_mem>>) src(%dma_wait3A_69 : memref<1000x16xf32, #tpu.memory_space<vmem_shared>>) dst(%dma_wait3A_67 : memref<1000x16xf32, #tpu.memory_space<hbm>>)
        tpu.yield
      }) : () -> ()
      %mul3A_58 = arith.constant 1000 : i32
      %mul3A_59 = arith.muli %arg1, %mul3A_58 : i32
      %mul3A_60 = arith.constant 1000 : i32
      %mul3A_61 = arith.muli %arg1, %mul3A_60 : i32
      "tpu.region"() ({
        %run_scoped3A = tpu.sem_alloc : memref<!tpu.dma_semaphore, #tpu.memory_space<semaphore_mem>>
        %dma_start3A = arith.constant 0 : i32
        %dma_start3A_62 = tpu.memref_slice %arg7[%arg0, %mul3A_61, %dma_start3A] : memref<2x10000x16xf32, #tpu.memory_space<hbm>> -> memref<1x1000x16xf32, #tpu.memory_space<hbm>>
        %dma_start3A_63 = tpu.memref_squeeze %dma_start3A_62 : memref<1x1000x16xf32, #tpu.memory_space<hbm>> -> memref<1000x16xf32, #tpu.memory_space<hbm>>
        %dma_start3A_64 = arith.constant 0 : i32
        %dma_start3A_65 = tpu.memref_slice %arg11[%mul3A_59, %dma_start3A_64] : memref<10000x16xf32, #tpu.memory_space<vmem_shared>> -> memref<1000x16xf32, #tpu.memory_space<vmem_shared>>
        tpu.enqueue_dma source(%dma_start3A_65 : memref<1000x16xf32, #tpu.memory_space<vmem_shared>>) target(%dma_start3A_63 : memref<1000x16xf32, #tpu.memory_space<hbm>>) target_semaphore(%run_scoped3A : memref<!tpu.dma_semaphore, #tpu.memory_space<semaphore_mem>>)
        %dma_wait3A = arith.constant 0 : i32
        %dma_wait3A_66 = tpu.memref_slice %arg7[%arg0, %mul3A_61, %dma_wait3A] : memref<2x10000x16xf32, #tpu.memory_space<hbm>> -> memref<1x1000x16xf32, #tpu.memory_space<hbm>>
        %dma_wait3A_67 = tpu.memref_squeeze %dma_wait3A_66 : memref<1x1000x16xf32, #tpu.memory_space<hbm>> -> memref<1000x16xf32, #tpu.memory_space<hbm>>
        %dma_wait3A_68 = arith.constant 0 : i32
        %dma_wait3A_69 = tpu.memref_slice %arg11[%mul3A_59, %dma_wait3A_68] : memref<10000x16xf32, #tpu.memory_space<vmem_shared>> -> memref<1000x16xf32, #tpu.memory_space<vmem_shared>>
        tpu.wait_dma2 semaphore(%run_scoped3A : memref<!tpu.dma_semaphore, #tpu.memory_space<semaphore_mem>>) src(%dma_wait3A_69 : memref<1000x16xf32, #tpu.memory_space<vmem_shared>>) dst(%dma_wait3A_67 : memref<1000x16xf32, #tpu.memory_space<hbm>>)
        tpu.yield
      }) : () -> ()
    } else {
    }
    return
  }
}

#map = affine_map<(d0, d1) -> (0, 0)>
module attributes {stable_mosaic.version = 14 : i64} {
  func.func @k(%arg0: i32, %arg1: i32, %arg2: memref<10000x128xf32, #tpu.memory_space<hbm>>, %arg3: memref<10000x128xf32, #tpu.memory_space<hbm>>, %arg4: memref<4000x80xi32, #tpu.memory_space<hbm>>, %arg5: memref<4000x80xi32, #tpu.memory_space<hbm>>, %arg6: memref<1000x128xf32, #tpu.memory_space<hbm>>, %arg7: memref<10000x128xf32, #tpu.memory_space<hbm>>, %arg8: memref<10000x128xf32, #tpu.memory_space<hbm>>, %arg9: memref<16x80xi32, #tpu.memory_space<vmem>>, %arg10: memref<16x80xi32, #tpu.memory_space<vmem>>, %arg11: memref<80x128xf32, #tpu.memory_space<vmem>>, %arg12: memref<10000x128xf32, #tpu.memory_space<vmem_shared>>, %arg13: memref<!tpu.dma_semaphore, #tpu.memory_space<semaphore_mem>>) attributes {dimension_semantics = [#tpu.dimension_semantics<core_parallel>, #tpu.dimension_semantics<subcore_parallel>], iteration_bounds = array<i64: 2, 16>, scalar_prefetch = 0 : i64, scratch_operands = 5 : i64, tpu.core_type = #tpu.core_type<sc_vector_subcore>, window_params = [{transform_indices = #map}, {transform_indices = #map}, {transform_indices = #map}, {transform_indices = #map}, {transform_indices = #map}, {transform_indices = #map}, {transform_indices = #map}]} {
    %lt3A = arith.constant 10 : i32
    %lt3A_0 = arith.cmpi slt, %arg1, %lt3A : i32
    %convert_element_type3A = arith.extui %lt3A_0 : i1 to i32
    %cond3A = arith.constant 0 : i32
    %cond3A_1 = arith.cmpi ne, %convert_element_type3A, %cond3A : i32
    scf.if %cond3A_1 {
      %mul3A = arith.constant 1000 : i32
      %mul3A_49 = arith.muli %arg1, %mul3A : i32
      "tpu.region"() ({
        %run_scoped3A = tpu.sem_alloc : memref<!tpu.dma_semaphore, #tpu.memory_space<semaphore_mem>>
        %dma_start3A = arith.constant 0 : i32
        %dma_start3A_50 = tpu.memref_slice %arg12[%mul3A_49, %dma_start3A] : memref<10000x128xf32, #tpu.memory_space<vmem_shared>> -> memref<1000x128xf32, #tpu.memory_space<vmem_shared>>
        tpu.enqueue_dma source(%arg6 : memref<1000x128xf32, #tpu.memory_space<hbm>>) target(%dma_start3A_50 : memref<1000x128xf32, #tpu.memory_space<vmem_shared>>) target_semaphore(%run_scoped3A : memref<!tpu.dma_semaphore, #tpu.memory_space<semaphore_mem>>)
        %dma_wait3A = arith.constant 0 : i32
        %dma_wait3A_51 = tpu.memref_slice %arg12[%mul3A_49, %dma_wait3A] : memref<10000x128xf32, #tpu.memory_space<vmem_shared>> -> memref<1000x128xf32, #tpu.memory_space<vmem_shared>>
        tpu.wait_dma2 semaphore(%run_scoped3A : memref<!tpu.dma_semaphore, #tpu.memory_space<semaphore_mem>>) src(%arg6 : memref<1000x128xf32, #tpu.memory_space<hbm>>) dst(%dma_wait3A_51 : memref<1000x128xf32, #tpu.memory_space<vmem_shared>>)
        tpu.yield
      }) : () -> ()
    } else {
    }
    %barrier3A = arith.constant 0 : index
    tpu.barrier barrier_id(%barrier3A)
    %sub3A = arith.constant 250 : i32
    %sub3A_2 = arith.subi %sub3A, %arg1 : i32
    %add3A = arith.constant 16 : i32
    %add3A_3 = arith.addi %sub3A_2, %add3A : i32
    %sub3A_4 = arith.constant 1 : i32
    %sub3A_5 = arith.subi %add3A_3, %sub3A_4 : i32
    %jit3A = arith.constant 16 : i32
    %div3A = arith.divsi %sub3A_5, %jit3A : i32
    %sign3A = arith.constant 0 : i32
    %sign3A_6 = arith.cmpi sgt, %sub3A_5, %sign3A : i32
    %sign3A_7 = arith.extui %sign3A_6 : i1 to i32
    %sign3A_8 = arith.constant 0 : i32
    %sign3A_9 = arith.cmpi slt, %sub3A_5, %sign3A_8 : i32
    %sign3A_10 = arith.extui %sign3A_9 : i1 to i32
    %sign3A_11 = arith.subi %sign3A_7, %sign3A_10 : i32
    %sign3A_12 = arith.constant 0 : i32
    %sign3A_13 = arith.cmpi sgt, %jit3A, %sign3A_12 : i32
    %sign3A_14 = arith.extui %sign3A_13 : i1 to i32
    %sign3A_15 = arith.constant 0 : i32
    %sign3A_16 = arith.cmpi slt, %jit3A, %sign3A_15 : i32
    %sign3A_17 = arith.extui %sign3A_16 : i1 to i32
    %sign3A_18 = arith.subi %sign3A_14, %sign3A_17 : i32
    %ne3A = arith.cmpi ne, %sign3A_11, %sign3A_18 : i32
    %rem3A = arith.remsi %sub3A_5, %jit3A : i32
    %ne3A_19 = arith.constant 0 : i32
    %ne3A_20 = arith.cmpi ne, %rem3A, %ne3A_19 : i32
    %and3A = arith.andi %ne3A, %ne3A_20 : i1
    %sub3A_21 = arith.constant 1 : i32
    %sub3A_22 = arith.subi %div3A, %sub3A_21 : i32
    %select_n3A = arith.select %and3A, %sub3A_22, %div3A : i32
    %eq3A = arith.constant 0 : i32
    %eq3A_23 = arith.cmpi eq, %arg0, %eq3A : i32
    %convert_element_type3A_24 = arith.extui %eq3A_23 : i1 to i32
    %cond3A_25 = arith.constant 0 : i32
    %cond3A_26 = arith.cmpi ne, %convert_element_type3A_24, %cond3A_25 : i32
    scf.if %cond3A_26 {
      %while3A = arith.constant 0 : i32
      %while3A_49 = arith.constant 0 : i32
      %while3A_50 = arith.subi %select_n3A, %while3A : i32
      %while3A_51 = arith.addi %while3A, %while3A_50 : i32
      %while3A_52 = arith.constant 1 : i32
      %while3A_53 = arith.divsi %while3A_50, %while3A_52 : i32
      %while3A_54 = arith.muli %while3A_53, %while3A_52 : i32
      %while3A_55 = arith.addi %while3A, %while3A_54 : i32
      %while3A_56 = arith.constant 1 : i32
      %while3A_57 = scf.for %while3A_60 = %while3A to %while3A_55 step %while3A_56 iter_args(%while3A_61 = %while3A_49) -> (i32)  : i32 {
        %mul3A = arith.constant 16 : i32
        %mul3A_62 = arith.muli %while3A_60, %mul3A : i32
        %add3A_63 = arith.addi %arg1, %mul3A_62 : i32
        %mul3A_64 = arith.constant 16 : i32
        %mul3A_65 = arith.muli %add3A_63, %mul3A_64 : i32
        "tpu.region"() ({
          %run_scoped3A = tpu.sem_alloc : memref<!tpu.dma_semaphore, #tpu.memory_space<semaphore_mem>>
          %dma_start3A = arith.constant 0 : i32
          %dma_start3A_73 = tpu.memref_slice %arg4[%mul3A_65, %dma_start3A] : memref<4000x80xi32, #tpu.memory_space<hbm>> -> memref<16x80xi32, #tpu.memory_space<hbm>>
          %dma_start3A_74 = arith.constant 0 : i32
          %dma_start3A_75 = tpu.memref_slice %arg4[%mul3A_65, %dma_start3A_74] : memref<4000x80xi32, #tpu.memory_space<hbm>> -> memref<16x80xi32, #tpu.memory_space<hbm>>
          tpu.enqueue_dma source(%dma_start3A_75 : memref<16x80xi32, #tpu.memory_space<hbm>>) target(%arg9 : memref<16x80xi32, #tpu.memory_space<vmem>>) target_semaphore(%run_scoped3A : memref<!tpu.dma_semaphore, #tpu.memory_space<semaphore_mem>>)
          %dma_wait3A = arith.constant 0 : i32
          %dma_wait3A_76 = tpu.memref_slice %arg4[%mul3A_65, %dma_wait3A] : memref<4000x80xi32, #tpu.memory_space<hbm>> -> memref<16x80xi32, #tpu.memory_space<hbm>>
          %dma_wait3A_77 = arith.constant 0 : i32
          %dma_wait3A_78 = tpu.memref_slice %arg4[%mul3A_65, %dma_wait3A_77] : memref<4000x80xi32, #tpu.memory_space<hbm>> -> memref<16x80xi32, #tpu.memory_space<hbm>>
          tpu.wait_dma2 semaphore(%run_scoped3A : memref<!tpu.dma_semaphore, #tpu.memory_space<semaphore_mem>>) src(%dma_wait3A_78 : memref<16x80xi32, #tpu.memory_space<hbm>>) dst(%arg9 : memref<16x80xi32, #tpu.memory_space<vmem>>)
          tpu.yield
        }) : () -> ()
        "tpu.region"() ({
          %run_scoped3A = tpu.sem_alloc : memref<!tpu.dma_semaphore, #tpu.memory_space<semaphore_mem>>
          %dma_start3A = arith.constant 0 : i32
          %dma_start3A_73 = tpu.memref_slice %arg5[%mul3A_65, %dma_start3A] : memref<4000x80xi32, #tpu.memory_space<hbm>> -> memref<16x80xi32, #tpu.memory_space<hbm>>
          %dma_start3A_74 = arith.constant 0 : i32
          %dma_start3A_75 = tpu.memref_slice %arg5[%mul3A_65, %dma_start3A_74] : memref<4000x80xi32, #tpu.memory_space<hbm>> -> memref<16x80xi32, #tpu.memory_space<hbm>>
          tpu.enqueue_dma source(%dma_start3A_75 : memref<16x80xi32, #tpu.memory_space<hbm>>) target(%arg10 : memref<16x80xi32, #tpu.memory_space<vmem>>) target_semaphore(%run_scoped3A : memref<!tpu.dma_semaphore, #tpu.memory_space<semaphore_mem>>)
          %dma_wait3A = arith.constant 0 : i32
          %dma_wait3A_76 = tpu.memref_slice %arg5[%mul3A_65, %dma_wait3A] : memref<4000x80xi32, #tpu.memory_space<hbm>> -> memref<16x80xi32, #tpu.memory_space<hbm>>
          %dma_wait3A_77 = arith.constant 0 : i32
          %dma_wait3A_78 = tpu.memref_slice %arg5[%mul3A_65, %dma_wait3A_77] : memref<4000x80xi32, #tpu.memory_space<hbm>> -> memref<16x80xi32, #tpu.memory_space<hbm>>
          tpu.wait_dma2 semaphore(%run_scoped3A : memref<!tpu.dma_semaphore, #tpu.memory_space<semaphore_mem>>) src(%dma_wait3A_78 : memref<16x80xi32, #tpu.memory_space<hbm>>) dst(%arg10 : memref<16x80xi32, #tpu.memory_space<vmem>>)
          tpu.yield
        }) : () -> ()
        %scan3A = arith.constant 0 : i32
        %scan3A_66 = arith.constant 0 : i32
        %scan3A_67 = arith.constant 16 : i32
        %scan3A_68 = arith.addi %scan3A_66, %scan3A_67 : i32
        %scan3A_69 = arith.constant 1 : i32
        %scan3A_70 = scf.for %scan3A_73 = %scan3A_66 to %scan3A_68 step %scan3A_69 iter_args(%scan3A_74 = %scan3A) -> (i32)  : i32 {
          %dma_start3A = arith.constant 0 : i32
          %dma_start3A_75 = tpu.memref_slice %arg9[%scan3A_73, %dma_start3A] : memref<16x80xi32, #tpu.memory_space<vmem>> -> memref<1x80xi32, #tpu.memory_space<vmem>>
          %dma_start3A_76 = tpu.memref_squeeze %dma_start3A_75 : memref<1x80xi32, #tpu.memory_space<vmem>> -> memref<80xi32, #tpu.memory_space<vmem>>
          %dma_start3A_77 = arith.constant 0 : i32
          %dma_start3A_78 = arith.constant 0 : i32
          %dma_start3A_79 = tpu.memref_slice %arg2[%dma_start3A_77, %dma_start3A_78] : memref<10000x128xf32, #tpu.memory_space<hbm>> -> memref<10000x128xf32, #tpu.memory_space<hbm>>
          tpu.enqueue_indirect_dma source(%dma_start3A_79 : memref<10000x128xf32, #tpu.memory_space<hbm>>) target(%arg11 : memref<80x128xf32, #tpu.memory_space<vmem>>) offsets(%dma_start3A_76 : memref<80xi32, #tpu.memory_space<vmem>>) semaphore(%arg13 : memref<!tpu.dma_semaphore, #tpu.memory_space<semaphore_mem>>)
          %dma_wait3A = arith.constant 0 : i32
          %dma_wait3A_80 = tpu.memref_slice %arg9[%scan3A_73, %dma_wait3A] : memref<16x80xi32, #tpu.memory_space<vmem>> -> memref<1x80xi32, #tpu.memory_space<vmem>>
          %dma_wait3A_81 = tpu.memref_squeeze %dma_wait3A_80 : memref<1x80xi32, #tpu.memory_space<vmem>> -> memref<80xi32, #tpu.memory_space<vmem>>
          %dma_wait3A_82 = arith.constant 0 : i32
          %dma_wait3A_83 = arith.constant 0 : i32
          %dma_wait3A_84 = tpu.memref_slice %arg2[%dma_wait3A_82, %dma_wait3A_83] : memref<10000x128xf32, #tpu.memory_space<hbm>> -> memref<10000x128xf32, #tpu.memory_space<hbm>>
          tpu.wait_indirect_dma semaphore(%arg13 : memref<!tpu.dma_semaphore, #tpu.memory_space<semaphore_mem>>) src(%dma_wait3A_84 : memref<10000x128xf32, #tpu.memory_space<hbm>>) dst(%arg11 : memref<80x128xf32, #tpu.memory_space<vmem>>)
          "tpu.region"() ({
            %run_scoped3A = tpu.sem_alloc : memref<!tpu.dma_semaphore, #tpu.memory_space<semaphore_mem>>
            %dma_start3A_86 = arith.constant 0 : i32
            %dma_start3A_87 = tpu.memref_slice %arg10[%scan3A_73, %dma_start3A_86] : memref<16x80xi32, #tpu.memory_space<vmem>> -> memref<1x80xi32, #tpu.memory_space<vmem>>
            %dma_start3A_88 = tpu.memref_squeeze %dma_start3A_87 : memref<1x80xi32, #tpu.memory_space<vmem>> -> memref<80xi32, #tpu.memory_space<vmem>>
            %dma_start3A_89 = arith.constant 0 : i32
            %dma_start3A_90 = arith.constant 0 : i32
            %dma_start3A_91 = tpu.memref_slice %arg12[%dma_start3A_89, %dma_start3A_90] : memref<10000x128xf32, #tpu.memory_space<vmem_shared>> -> memref<10000x128xf32, #tpu.memory_space<vmem_shared>>
            tpu.enqueue_indirect_dma source(%arg11 : memref<80x128xf32, #tpu.memory_space<vmem>>) target(%dma_start3A_91 : memref<10000x128xf32, #tpu.memory_space<vmem_shared>>) offsets(%dma_start3A_88 : memref<80xi32, #tpu.memory_space<vmem>>) semaphore(%run_scoped3A : memref<!tpu.dma_semaphore, #tpu.memory_space<semaphore_mem>>) {add = true}
            %dma_wait3A_92 = arith.constant 0 : i32
            %dma_wait3A_93 = tpu.memref_slice %arg10[%scan3A_73, %dma_wait3A_92] : memref<16x80xi32, #tpu.memory_space<vmem>> -> memref<1x80xi32, #tpu.memory_space<vmem>>
            %dma_wait3A_94 = tpu.memref_squeeze %dma_wait3A_93 : memref<1x80xi32, #tpu.memory_space<vmem>> -> memref<80xi32, #tpu.memory_space<vmem>>
            %dma_wait3A_95 = arith.constant 0 : i32
            %dma_wait3A_96 = arith.constant 0 : i32
            %dma_wait3A_97 = tpu.memref_slice %arg12[%dma_wait3A_95, %dma_wait3A_96] : memref<10000x128xf32, #tpu.memory_space<vmem_shared>> -> memref<10000x128xf32, #tpu.memory_space<vmem_shared>>
            tpu.wait_indirect_dma semaphore(%run_scoped3A : memref<!tpu.dma_semaphore, #tpu.memory_space<semaphore_mem>>) src(%arg11 : memref<80x128xf32, #tpu.memory_space<vmem>>) dst(%dma_wait3A_97 : memref<10000x128xf32, #tpu.memory_space<vmem_shared>>)
            tpu.yield
          }) : () -> ()
          %scan3A_85 = arith.constant 0 : i32
          scf.yield %scan3A_85 : i32
        }
        %scan3A_71 = arith.constant 16 : i32
        %while3A_72 = arith.constant 0 : i32
        scf.yield %while3A_72 : i32
      }
      %while3A_58 = arith.constant 1 : i32
      %while3A_59 = scf.for %while3A_60 = %while3A_55 to %while3A_51 step %while3A_58 iter_args(%while3A_61 = %while3A_57) -> (i32)  : i32 {
        %mul3A = arith.constant 16 : i32
        %mul3A_62 = arith.muli %while3A_60, %mul3A : i32
        %add3A_63 = arith.addi %arg1, %mul3A_62 : i32
        %mul3A_64 = arith.constant 16 : i32
        %mul3A_65 = arith.muli %add3A_63, %mul3A_64 : i32
        "tpu.region"() ({
          %run_scoped3A = tpu.sem_alloc : memref<!tpu.dma_semaphore, #tpu.memory_space<semaphore_mem>>
          %dma_start3A = arith.constant 0 : i32
          %dma_start3A_73 = tpu.memref_slice %arg4[%mul3A_65, %dma_start3A] : memref<4000x80xi32, #tpu.memory_space<hbm>> -> memref<16x80xi32, #tpu.memory_space<hbm>>
          %dma_start3A_74 = arith.constant 0 : i32
          %dma_start3A_75 = tpu.memref_slice %arg4[%mul3A_65, %dma_start3A_74] : memref<4000x80xi32, #tpu.memory_space<hbm>> -> memref<16x80xi32, #tpu.memory_space<hbm>>
          tpu.enqueue_dma source(%dma_start3A_75 : memref<16x80xi32, #tpu.memory_space<hbm>>) target(%arg9 : memref<16x80xi32, #tpu.memory_space<vmem>>) target_semaphore(%run_scoped3A : memref<!tpu.dma_semaphore, #tpu.memory_space<semaphore_mem>>)
          %dma_wait3A = arith.constant 0 : i32
          %dma_wait3A_76 = tpu.memref_slice %arg4[%mul3A_65, %dma_wait3A] : memref<4000x80xi32, #tpu.memory_space<hbm>> -> memref<16x80xi32, #tpu.memory_space<hbm>>
          %dma_wait3A_77 = arith.constant 0 : i32
          %dma_wait3A_78 = tpu.memref_slice %arg4[%mul3A_65, %dma_wait3A_77] : memref<4000x80xi32, #tpu.memory_space<hbm>> -> memref<16x80xi32, #tpu.memory_space<hbm>>
          tpu.wait_dma2 semaphore(%run_scoped3A : memref<!tpu.dma_semaphore, #tpu.memory_space<semaphore_mem>>) src(%dma_wait3A_78 : memref<16x80xi32, #tpu.memory_space<hbm>>) dst(%arg9 : memref<16x80xi32, #tpu.memory_space<vmem>>)
          tpu.yield
        }) : () -> ()
        "tpu.region"() ({
          %run_scoped3A = tpu.sem_alloc : memref<!tpu.dma_semaphore, #tpu.memory_space<semaphore_mem>>
          %dma_start3A = arith.constant 0 : i32
          %dma_start3A_73 = tpu.memref_slice %arg5[%mul3A_65, %dma_start3A] : memref<4000x80xi32, #tpu.memory_space<hbm>> -> memref<16x80xi32, #tpu.memory_space<hbm>>
          %dma_start3A_74 = arith.constant 0 : i32
          %dma_start3A_75 = tpu.memref_slice %arg5[%mul3A_65, %dma_start3A_74] : memref<4000x80xi32, #tpu.memory_space<hbm>> -> memref<16x80xi32, #tpu.memory_space<hbm>>
          tpu.enqueue_dma source(%dma_start3A_75 : memref<16x80xi32, #tpu.memory_space<hbm>>) target(%arg10 : memref<16x80xi32, #tpu.memory_space<vmem>>) target_semaphore(%run_scoped3A : memref<!tpu.dma_semaphore, #tpu.memory_space<semaphore_mem>>)
          %dma_wait3A = arith.constant 0 : i32
          %dma_wait3A_76 = tpu.memref_slice %arg5[%mul3A_65, %dma_wait3A] : memref<4000x80xi32, #tpu.memory_space<hbm>> -> memref<16x80xi32, #tpu.memory_space<hbm>>
          %dma_wait3A_77 = arith.constant 0 : i32
          %dma_wait3A_78 = tpu.memref_slice %arg5[%mul3A_65, %dma_wait3A_77] : memref<4000x80xi32, #tpu.memory_space<hbm>> -> memref<16x80xi32, #tpu.memory_space<hbm>>
          tpu.wait_dma2 semaphore(%run_scoped3A : memref<!tpu.dma_semaphore, #tpu.memory_space<semaphore_mem>>) src(%dma_wait3A_78 : memref<16x80xi32, #tpu.memory_space<hbm>>) dst(%arg10 : memref<16x80xi32, #tpu.memory_space<vmem>>)
          tpu.yield
        }) : () -> ()
        %scan3A = arith.constant 0 : i32
        %scan3A_66 = arith.constant 0 : i32
        %scan3A_67 = arith.constant 16 : i32
        %scan3A_68 = arith.addi %scan3A_66, %scan3A_67 : i32
        %scan3A_69 = arith.constant 1 : i32
        %scan3A_70 = scf.for %scan3A_73 = %scan3A_66 to %scan3A_68 step %scan3A_69 iter_args(%scan3A_74 = %scan3A) -> (i32)  : i32 {
          %dma_start3A = arith.constant 0 : i32
          %dma_start3A_75 = tpu.memref_slice %arg9[%scan3A_73, %dma_start3A] : memref<16x80xi32, #tpu.memory_space<vmem>> -> memref<1x80xi32, #tpu.memory_space<vmem>>
          %dma_start3A_76 = tpu.memref_squeeze %dma_start3A_75 : memref<1x80xi32, #tpu.memory_space<vmem>> -> memref<80xi32, #tpu.memory_space<vmem>>
          %dma_start3A_77 = arith.constant 0 : i32
          %dma_start3A_78 = arith.constant 0 : i32
          %dma_start3A_79 = tpu.memref_slice %arg2[%dma_start3A_77, %dma_start3A_78] : memref<10000x128xf32, #tpu.memory_space<hbm>> -> memref<10000x128xf32, #tpu.memory_space<hbm>>
          tpu.enqueue_indirect_dma source(%dma_start3A_79 : memref<10000x128xf32, #tpu.memory_space<hbm>>) target(%arg11 : memref<80x128xf32, #tpu.memory_space<vmem>>) offsets(%dma_start3A_76 : memref<80xi32, #tpu.memory_space<vmem>>) semaphore(%arg13 : memref<!tpu.dma_semaphore, #tpu.memory_space<semaphore_mem>>)
          %dma_wait3A = arith.constant 0 : i32
          %dma_wait3A_80 = tpu.memref_slice %arg9[%scan3A_73, %dma_wait3A] : memref<16x80xi32, #tpu.memory_space<vmem>> -> memref<1x80xi32, #tpu.memory_space<vmem>>
          %dma_wait3A_81 = tpu.memref_squeeze %dma_wait3A_80 : memref<1x80xi32, #tpu.memory_space<vmem>> -> memref<80xi32, #tpu.memory_space<vmem>>
          %dma_wait3A_82 = arith.constant 0 : i32
          %dma_wait3A_83 = arith.constant 0 : i32
          %dma_wait3A_84 = tpu.memref_slice %arg2[%dma_wait3A_82, %dma_wait3A_83] : memref<10000x128xf32, #tpu.memory_space<hbm>> -> memref<10000x128xf32, #tpu.memory_space<hbm>>
          tpu.wait_indirect_dma semaphore(%arg13 : memref<!tpu.dma_semaphore, #tpu.memory_space<semaphore_mem>>) src(%dma_wait3A_84 : memref<10000x128xf32, #tpu.memory_space<hbm>>) dst(%arg11 : memref<80x128xf32, #tpu.memory_space<vmem>>)
          "tpu.region"() ({
            %run_scoped3A = tpu.sem_alloc : memref<!tpu.dma_semaphore, #tpu.memory_space<semaphore_mem>>
            %dma_start3A_86 = arith.constant 0 : i32
            %dma_start3A_87 = tpu.memref_slice %arg10[%scan3A_73, %dma_start3A_86] : memref<16x80xi32, #tpu.memory_space<vmem>> -> memref<1x80xi32, #tpu.memory_space<vmem>>
            %dma_start3A_88 = tpu.memref_squeeze %dma_start3A_87 : memref<1x80xi32, #tpu.memory_space<vmem>> -> memref<80xi32, #tpu.memory_space<vmem>>
            %dma_start3A_89 = arith.constant 0 : i32
            %dma_start3A_90 = arith.constant 0 : i32
            %dma_start3A_91 = tpu.memref_slice %arg12[%dma_start3A_89, %dma_start3A_90] : memref<10000x128xf32, #tpu.memory_space<vmem_shared>> -> memref<10000x128xf32, #tpu.memory_space<vmem_shared>>
            tpu.enqueue_indirect_dma source(%arg11 : memref<80x128xf32, #tpu.memory_space<vmem>>) target(%dma_start3A_91 : memref<10000x128xf32, #tpu.memory_space<vmem_shared>>) offsets(%dma_start3A_88 : memref<80xi32, #tpu.memory_space<vmem>>) semaphore(%run_scoped3A : memref<!tpu.dma_semaphore, #tpu.memory_space<semaphore_mem>>) {add = true}
            %dma_wait3A_92 = arith.constant 0 : i32
            %dma_wait3A_93 = tpu.memref_slice %arg10[%scan3A_73, %dma_wait3A_92] : memref<16x80xi32, #tpu.memory_space<vmem>> -> memref<1x80xi32, #tpu.memory_space<vmem>>
            %dma_wait3A_94 = tpu.memref_squeeze %dma_wait3A_93 : memref<1x80xi32, #tpu.memory_space<vmem>> -> memref<80xi32, #tpu.memory_space<vmem>>
            %dma_wait3A_95 = arith.constant 0 : i32
            %dma_wait3A_96 = arith.constant 0 : i32
            %dma_wait3A_97 = tpu.memref_slice %arg12[%dma_wait3A_95, %dma_wait3A_96] : memref<10000x128xf32, #tpu.memory_space<vmem_shared>> -> memref<10000x128xf32, #tpu.memory_space<vmem_shared>>
            tpu.wait_indirect_dma semaphore(%run_scoped3A : memref<!tpu.dma_semaphore, #tpu.memory_space<semaphore_mem>>) src(%arg11 : memref<80x128xf32, #tpu.memory_space<vmem>>) dst(%dma_wait3A_97 : memref<10000x128xf32, #tpu.memory_space<vmem_shared>>)
            tpu.yield
          }) : () -> ()
          %scan3A_85 = arith.constant 0 : i32
          scf.yield %scan3A_85 : i32
        }
        %scan3A_71 = arith.constant 16 : i32
        %while3A_72 = arith.constant 0 : i32
        scf.yield %while3A_72 : i32
      }
    } else {
    }
    %eq3A_27 = arith.constant 1 : i32
    %eq3A_28 = arith.cmpi eq, %arg0, %eq3A_27 : i32
    %convert_element_type3A_29 = arith.extui %eq3A_28 : i1 to i32
    %cond3A_30 = arith.constant 0 : i32
    %cond3A_31 = arith.cmpi ne, %convert_element_type3A_29, %cond3A_30 : i32
    scf.if %cond3A_31 {
      %while3A = arith.constant 0 : i32
      %while3A_49 = arith.constant 0 : i32
      %while3A_50 = arith.subi %select_n3A, %while3A : i32
      %while3A_51 = arith.addi %while3A, %while3A_50 : i32
      %while3A_52 = arith.constant 1 : i32
      %while3A_53 = arith.divsi %while3A_50, %while3A_52 : i32
      %while3A_54 = arith.muli %while3A_53, %while3A_52 : i32
      %while3A_55 = arith.addi %while3A, %while3A_54 : i32
      %while3A_56 = arith.constant 1 : i32
      %while3A_57 = scf.for %while3A_60 = %while3A to %while3A_55 step %while3A_56 iter_args(%while3A_61 = %while3A_49) -> (i32)  : i32 {
        %mul3A = arith.constant 16 : i32
        %mul3A_62 = arith.muli %while3A_60, %mul3A : i32
        %add3A_63 = arith.addi %arg1, %mul3A_62 : i32
        %mul3A_64 = arith.constant 16 : i32
        %mul3A_65 = arith.muli %add3A_63, %mul3A_64 : i32
        "tpu.region"() ({
          %run_scoped3A = tpu.sem_alloc : memref<!tpu.dma_semaphore, #tpu.memory_space<semaphore_mem>>
          %dma_start3A = arith.constant 0 : i32
          %dma_start3A_73 = tpu.memref_slice %arg4[%mul3A_65, %dma_start3A] : memref<4000x80xi32, #tpu.memory_space<hbm>> -> memref<16x80xi32, #tpu.memory_space<hbm>>
          %dma_start3A_74 = arith.constant 0 : i32
          %dma_start3A_75 = tpu.memref_slice %arg4[%mul3A_65, %dma_start3A_74] : memref<4000x80xi32, #tpu.memory_space<hbm>> -> memref<16x80xi32, #tpu.memory_space<hbm>>
          tpu.enqueue_dma source(%dma_start3A_75 : memref<16x80xi32, #tpu.memory_space<hbm>>) target(%arg9 : memref<16x80xi32, #tpu.memory_space<vmem>>) target_semaphore(%run_scoped3A : memref<!tpu.dma_semaphore, #tpu.memory_space<semaphore_mem>>)
          %dma_wait3A = arith.constant 0 : i32
          %dma_wait3A_76 = tpu.memref_slice %arg4[%mul3A_65, %dma_wait3A] : memref<4000x80xi32, #tpu.memory_space<hbm>> -> memref<16x80xi32, #tpu.memory_space<hbm>>
          %dma_wait3A_77 = arith.constant 0 : i32
          %dma_wait3A_78 = tpu.memref_slice %arg4[%mul3A_65, %dma_wait3A_77] : memref<4000x80xi32, #tpu.memory_space<hbm>> -> memref<16x80xi32, #tpu.memory_space<hbm>>
          tpu.wait_dma2 semaphore(%run_scoped3A : memref<!tpu.dma_semaphore, #tpu.memory_space<semaphore_mem>>) src(%dma_wait3A_78 : memref<16x80xi32, #tpu.memory_space<hbm>>) dst(%arg9 : memref<16x80xi32, #tpu.memory_space<vmem>>)
          tpu.yield
        }) : () -> ()
        "tpu.region"() ({
          %run_scoped3A = tpu.sem_alloc : memref<!tpu.dma_semaphore, #tpu.memory_space<semaphore_mem>>
          %dma_start3A = arith.constant 0 : i32
          %dma_start3A_73 = tpu.memref_slice %arg5[%mul3A_65, %dma_start3A] : memref<4000x80xi32, #tpu.memory_space<hbm>> -> memref<16x80xi32, #tpu.memory_space<hbm>>
          %dma_start3A_74 = arith.constant 0 : i32
          %dma_start3A_75 = tpu.memref_slice %arg5[%mul3A_65, %dma_start3A_74] : memref<4000x80xi32, #tpu.memory_space<hbm>> -> memref<16x80xi32, #tpu.memory_space<hbm>>
          tpu.enqueue_dma source(%dma_start3A_75 : memref<16x80xi32, #tpu.memory_space<hbm>>) target(%arg10 : memref<16x80xi32, #tpu.memory_space<vmem>>) target_semaphore(%run_scoped3A : memref<!tpu.dma_semaphore, #tpu.memory_space<semaphore_mem>>)
          %dma_wait3A = arith.constant 0 : i32
          %dma_wait3A_76 = tpu.memref_slice %arg5[%mul3A_65, %dma_wait3A] : memref<4000x80xi32, #tpu.memory_space<hbm>> -> memref<16x80xi32, #tpu.memory_space<hbm>>
          %dma_wait3A_77 = arith.constant 0 : i32
          %dma_wait3A_78 = tpu.memref_slice %arg5[%mul3A_65, %dma_wait3A_77] : memref<4000x80xi32, #tpu.memory_space<hbm>> -> memref<16x80xi32, #tpu.memory_space<hbm>>
          tpu.wait_dma2 semaphore(%run_scoped3A : memref<!tpu.dma_semaphore, #tpu.memory_space<semaphore_mem>>) src(%dma_wait3A_78 : memref<16x80xi32, #tpu.memory_space<hbm>>) dst(%arg10 : memref<16x80xi32, #tpu.memory_space<vmem>>)
          tpu.yield
        }) : () -> ()
        %scan3A = arith.constant 0 : i32
        %scan3A_66 = arith.constant 0 : i32
        %scan3A_67 = arith.constant 16 : i32
        %scan3A_68 = arith.addi %scan3A_66, %scan3A_67 : i32
        %scan3A_69 = arith.constant 1 : i32
        %scan3A_70 = scf.for %scan3A_73 = %scan3A_66 to %scan3A_68 step %scan3A_69 iter_args(%scan3A_74 = %scan3A) -> (i32)  : i32 {
          %dma_start3A = arith.constant 0 : i32
          %dma_start3A_75 = tpu.memref_slice %arg9[%scan3A_73, %dma_start3A] : memref<16x80xi32, #tpu.memory_space<vmem>> -> memref<1x80xi32, #tpu.memory_space<vmem>>
          %dma_start3A_76 = tpu.memref_squeeze %dma_start3A_75 : memref<1x80xi32, #tpu.memory_space<vmem>> -> memref<80xi32, #tpu.memory_space<vmem>>
          %dma_start3A_77 = arith.constant 0 : i32
          %dma_start3A_78 = arith.constant 0 : i32
          %dma_start3A_79 = tpu.memref_slice %arg3[%dma_start3A_77, %dma_start3A_78] : memref<10000x128xf32, #tpu.memory_space<hbm>> -> memref<10000x128xf32, #tpu.memory_space<hbm>>
          tpu.enqueue_indirect_dma source(%dma_start3A_79 : memref<10000x128xf32, #tpu.memory_space<hbm>>) target(%arg11 : memref<80x128xf32, #tpu.memory_space<vmem>>) offsets(%dma_start3A_76 : memref<80xi32, #tpu.memory_space<vmem>>) semaphore(%arg13 : memref<!tpu.dma_semaphore, #tpu.memory_space<semaphore_mem>>)
          %dma_wait3A = arith.constant 0 : i32
          %dma_wait3A_80 = tpu.memref_slice %arg9[%scan3A_73, %dma_wait3A] : memref<16x80xi32, #tpu.memory_space<vmem>> -> memref<1x80xi32, #tpu.memory_space<vmem>>
          %dma_wait3A_81 = tpu.memref_squeeze %dma_wait3A_80 : memref<1x80xi32, #tpu.memory_space<vmem>> -> memref<80xi32, #tpu.memory_space<vmem>>
          %dma_wait3A_82 = arith.constant 0 : i32
          %dma_wait3A_83 = arith.constant 0 : i32
          %dma_wait3A_84 = tpu.memref_slice %arg3[%dma_wait3A_82, %dma_wait3A_83] : memref<10000x128xf32, #tpu.memory_space<hbm>> -> memref<10000x128xf32, #tpu.memory_space<hbm>>
          tpu.wait_indirect_dma semaphore(%arg13 : memref<!tpu.dma_semaphore, #tpu.memory_space<semaphore_mem>>) src(%dma_wait3A_84 : memref<10000x128xf32, #tpu.memory_space<hbm>>) dst(%arg11 : memref<80x128xf32, #tpu.memory_space<vmem>>)
          "tpu.region"() ({
            %run_scoped3A = tpu.sem_alloc : memref<!tpu.dma_semaphore, #tpu.memory_space<semaphore_mem>>
            %dma_start3A_86 = arith.constant 0 : i32
            %dma_start3A_87 = tpu.memref_slice %arg10[%scan3A_73, %dma_start3A_86] : memref<16x80xi32, #tpu.memory_space<vmem>> -> memref<1x80xi32, #tpu.memory_space<vmem>>
            %dma_start3A_88 = tpu.memref_squeeze %dma_start3A_87 : memref<1x80xi32, #tpu.memory_space<vmem>> -> memref<80xi32, #tpu.memory_space<vmem>>
            %dma_start3A_89 = arith.constant 0 : i32
            %dma_start3A_90 = arith.constant 0 : i32
            %dma_start3A_91 = tpu.memref_slice %arg12[%dma_start3A_89, %dma_start3A_90] : memref<10000x128xf32, #tpu.memory_space<vmem_shared>> -> memref<10000x128xf32, #tpu.memory_space<vmem_shared>>
            tpu.enqueue_indirect_dma source(%arg11 : memref<80x128xf32, #tpu.memory_space<vmem>>) target(%dma_start3A_91 : memref<10000x128xf32, #tpu.memory_space<vmem_shared>>) offsets(%dma_start3A_88 : memref<80xi32, #tpu.memory_space<vmem>>) semaphore(%run_scoped3A : memref<!tpu.dma_semaphore, #tpu.memory_space<semaphore_mem>>) {add = true}
            %dma_wait3A_92 = arith.constant 0 : i32
            %dma_wait3A_93 = tpu.memref_slice %arg10[%scan3A_73, %dma_wait3A_92] : memref<16x80xi32, #tpu.memory_space<vmem>> -> memref<1x80xi32, #tpu.memory_space<vmem>>
            %dma_wait3A_94 = tpu.memref_squeeze %dma_wait3A_93 : memref<1x80xi32, #tpu.memory_space<vmem>> -> memref<80xi32, #tpu.memory_space<vmem>>
            %dma_wait3A_95 = arith.constant 0 : i32
            %dma_wait3A_96 = arith.constant 0 : i32
            %dma_wait3A_97 = tpu.memref_slice %arg12[%dma_wait3A_95, %dma_wait3A_96] : memref<10000x128xf32, #tpu.memory_space<vmem_shared>> -> memref<10000x128xf32, #tpu.memory_space<vmem_shared>>
            tpu.wait_indirect_dma semaphore(%run_scoped3A : memref<!tpu.dma_semaphore, #tpu.memory_space<semaphore_mem>>) src(%arg11 : memref<80x128xf32, #tpu.memory_space<vmem>>) dst(%dma_wait3A_97 : memref<10000x128xf32, #tpu.memory_space<vmem_shared>>)
            tpu.yield
          }) : () -> ()
          %scan3A_85 = arith.constant 0 : i32
          scf.yield %scan3A_85 : i32
        }
        %scan3A_71 = arith.constant 16 : i32
        %while3A_72 = arith.constant 0 : i32
        scf.yield %while3A_72 : i32
      }
      %while3A_58 = arith.constant 1 : i32
      %while3A_59 = scf.for %while3A_60 = %while3A_55 to %while3A_51 step %while3A_58 iter_args(%while3A_61 = %while3A_57) -> (i32)  : i32 {
        %mul3A = arith.constant 16 : i32
        %mul3A_62 = arith.muli %while3A_60, %mul3A : i32
        %add3A_63 = arith.addi %arg1, %mul3A_62 : i32
        %mul3A_64 = arith.constant 16 : i32
        %mul3A_65 = arith.muli %add3A_63, %mul3A_64 : i32
        "tpu.region"() ({
          %run_scoped3A = tpu.sem_alloc : memref<!tpu.dma_semaphore, #tpu.memory_space<semaphore_mem>>
          %dma_start3A = arith.constant 0 : i32
          %dma_start3A_73 = tpu.memref_slice %arg4[%mul3A_65, %dma_start3A] : memref<4000x80xi32, #tpu.memory_space<hbm>> -> memref<16x80xi32, #tpu.memory_space<hbm>>
          %dma_start3A_74 = arith.constant 0 : i32
          %dma_start3A_75 = tpu.memref_slice %arg4[%mul3A_65, %dma_start3A_74] : memref<4000x80xi32, #tpu.memory_space<hbm>> -> memref<16x80xi32, #tpu.memory_space<hbm>>
          tpu.enqueue_dma source(%dma_start3A_75 : memref<16x80xi32, #tpu.memory_space<hbm>>) target(%arg9 : memref<16x80xi32, #tpu.memory_space<vmem>>) target_semaphore(%run_scoped3A : memref<!tpu.dma_semaphore, #tpu.memory_space<semaphore_mem>>)
          %dma_wait3A = arith.constant 0 : i32
          %dma_wait3A_76 = tpu.memref_slice %arg4[%mul3A_65, %dma_wait3A] : memref<4000x80xi32, #tpu.memory_space<hbm>> -> memref<16x80xi32, #tpu.memory_space<hbm>>
          %dma_wait3A_77 = arith.constant 0 : i32
          %dma_wait3A_78 = tpu.memref_slice %arg4[%mul3A_65, %dma_wait3A_77] : memref<4000x80xi32, #tpu.memory_space<hbm>> -> memref<16x80xi32, #tpu.memory_space<hbm>>
          tpu.wait_dma2 semaphore(%run_scoped3A : memref<!tpu.dma_semaphore, #tpu.memory_space<semaphore_mem>>) src(%dma_wait3A_78 : memref<16x80xi32, #tpu.memory_space<hbm>>) dst(%arg9 : memref<16x80xi32, #tpu.memory_space<vmem>>)
          tpu.yield
        }) : () -> ()
        "tpu.region"() ({
          %run_scoped3A = tpu.sem_alloc : memref<!tpu.dma_semaphore, #tpu.memory_space<semaphore_mem>>
          %dma_start3A = arith.constant 0 : i32
          %dma_start3A_73 = tpu.memref_slice %arg5[%mul3A_65, %dma_start3A] : memref<4000x80xi32, #tpu.memory_space<hbm>> -> memref<16x80xi32, #tpu.memory_space<hbm>>
          %dma_start3A_74 = arith.constant 0 : i32
          %dma_start3A_75 = tpu.memref_slice %arg5[%mul3A_65, %dma_start3A_74] : memref<4000x80xi32, #tpu.memory_space<hbm>> -> memref<16x80xi32, #tpu.memory_space<hbm>>
          tpu.enqueue_dma source(%dma_start3A_75 : memref<16x80xi32, #tpu.memory_space<hbm>>) target(%arg10 : memref<16x80xi32, #tpu.memory_space<vmem>>) target_semaphore(%run_scoped3A : memref<!tpu.dma_semaphore, #tpu.memory_space<semaphore_mem>>)
          %dma_wait3A = arith.constant 0 : i32
          %dma_wait3A_76 = tpu.memref_slice %arg5[%mul3A_65, %dma_wait3A] : memref<4000x80xi32, #tpu.memory_space<hbm>> -> memref<16x80xi32, #tpu.memory_space<hbm>>
          %dma_wait3A_77 = arith.constant 0 : i32
          %dma_wait3A_78 = tpu.memref_slice %arg5[%mul3A_65, %dma_wait3A_77] : memref<4000x80xi32, #tpu.memory_space<hbm>> -> memref<16x80xi32, #tpu.memory_space<hbm>>
          tpu.wait_dma2 semaphore(%run_scoped3A : memref<!tpu.dma_semaphore, #tpu.memory_space<semaphore_mem>>) src(%dma_wait3A_78 : memref<16x80xi32, #tpu.memory_space<hbm>>) dst(%arg10 : memref<16x80xi32, #tpu.memory_space<vmem>>)
          tpu.yield
        }) : () -> ()
        %scan3A = arith.constant 0 : i32
        %scan3A_66 = arith.constant 0 : i32
        %scan3A_67 = arith.constant 16 : i32
        %scan3A_68 = arith.addi %scan3A_66, %scan3A_67 : i32
        %scan3A_69 = arith.constant 1 : i32
        %scan3A_70 = scf.for %scan3A_73 = %scan3A_66 to %scan3A_68 step %scan3A_69 iter_args(%scan3A_74 = %scan3A) -> (i32)  : i32 {
          %dma_start3A = arith.constant 0 : i32
          %dma_start3A_75 = tpu.memref_slice %arg9[%scan3A_73, %dma_start3A] : memref<16x80xi32, #tpu.memory_space<vmem>> -> memref<1x80xi32, #tpu.memory_space<vmem>>
          %dma_start3A_76 = tpu.memref_squeeze %dma_start3A_75 : memref<1x80xi32, #tpu.memory_space<vmem>> -> memref<80xi32, #tpu.memory_space<vmem>>
          %dma_start3A_77 = arith.constant 0 : i32
          %dma_start3A_78 = arith.constant 0 : i32
          %dma_start3A_79 = tpu.memref_slice %arg3[%dma_start3A_77, %dma_start3A_78] : memref<10000x128xf32, #tpu.memory_space<hbm>> -> memref<10000x128xf32, #tpu.memory_space<hbm>>
          tpu.enqueue_indirect_dma source(%dma_start3A_79 : memref<10000x128xf32, #tpu.memory_space<hbm>>) target(%arg11 : memref<80x128xf32, #tpu.memory_space<vmem>>) offsets(%dma_start3A_76 : memref<80xi32, #tpu.memory_space<vmem>>) semaphore(%arg13 : memref<!tpu.dma_semaphore, #tpu.memory_space<semaphore_mem>>)
          %dma_wait3A = arith.constant 0 : i32
          %dma_wait3A_80 = tpu.memref_slice %arg9[%scan3A_73, %dma_wait3A] : memref<16x80xi32, #tpu.memory_space<vmem>> -> memref<1x80xi32, #tpu.memory_space<vmem>>
          %dma_wait3A_81 = tpu.memref_squeeze %dma_wait3A_80 : memref<1x80xi32, #tpu.memory_space<vmem>> -> memref<80xi32, #tpu.memory_space<vmem>>
          %dma_wait3A_82 = arith.constant 0 : i32
          %dma_wait3A_83 = arith.constant 0 : i32
          %dma_wait3A_84 = tpu.memref_slice %arg3[%dma_wait3A_82, %dma_wait3A_83] : memref<10000x128xf32, #tpu.memory_space<hbm>> -> memref<10000x128xf32, #tpu.memory_space<hbm>>
          tpu.wait_indirect_dma semaphore(%arg13 : memref<!tpu.dma_semaphore, #tpu.memory_space<semaphore_mem>>) src(%dma_wait3A_84 : memref<10000x128xf32, #tpu.memory_space<hbm>>) dst(%arg11 : memref<80x128xf32, #tpu.memory_space<vmem>>)
          "tpu.region"() ({
            %run_scoped3A = tpu.sem_alloc : memref<!tpu.dma_semaphore, #tpu.memory_space<semaphore_mem>>
            %dma_start3A_86 = arith.constant 0 : i32
            %dma_start3A_87 = tpu.memref_slice %arg10[%scan3A_73, %dma_start3A_86] : memref<16x80xi32, #tpu.memory_space<vmem>> -> memref<1x80xi32, #tpu.memory_space<vmem>>
            %dma_start3A_88 = tpu.memref_squeeze %dma_start3A_87 : memref<1x80xi32, #tpu.memory_space<vmem>> -> memref<80xi32, #tpu.memory_space<vmem>>
            %dma_start3A_89 = arith.constant 0 : i32
            %dma_start3A_90 = arith.constant 0 : i32
            %dma_start3A_91 = tpu.memref_slice %arg12[%dma_start3A_89, %dma_start3A_90] : memref<10000x128xf32, #tpu.memory_space<vmem_shared>> -> memref<10000x128xf32, #tpu.memory_space<vmem_shared>>
            tpu.enqueue_indirect_dma source(%arg11 : memref<80x128xf32, #tpu.memory_space<vmem>>) target(%dma_start3A_91 : memref<10000x128xf32, #tpu.memory_space<vmem_shared>>) offsets(%dma_start3A_88 : memref<80xi32, #tpu.memory_space<vmem>>) semaphore(%run_scoped3A : memref<!tpu.dma_semaphore, #tpu.memory_space<semaphore_mem>>) {add = true}
            %dma_wait3A_92 = arith.constant 0 : i32
            %dma_wait3A_93 = tpu.memref_slice %arg10[%scan3A_73, %dma_wait3A_92] : memref<16x80xi32, #tpu.memory_space<vmem>> -> memref<1x80xi32, #tpu.memory_space<vmem>>
            %dma_wait3A_94 = tpu.memref_squeeze %dma_wait3A_93 : memref<1x80xi32, #tpu.memory_space<vmem>> -> memref<80xi32, #tpu.memory_space<vmem>>
            %dma_wait3A_95 = arith.constant 0 : i32
            %dma_wait3A_96 = arith.constant 0 : i32
            %dma_wait3A_97 = tpu.memref_slice %arg12[%dma_wait3A_95, %dma_wait3A_96] : memref<10000x128xf32, #tpu.memory_space<vmem_shared>> -> memref<10000x128xf32, #tpu.memory_space<vmem_shared>>
            tpu.wait_indirect_dma semaphore(%run_scoped3A : memref<!tpu.dma_semaphore, #tpu.memory_space<semaphore_mem>>) src(%arg11 : memref<80x128xf32, #tpu.memory_space<vmem>>) dst(%dma_wait3A_97 : memref<10000x128xf32, #tpu.memory_space<vmem_shared>>)
            tpu.yield
          }) : () -> ()
          %scan3A_85 = arith.constant 0 : i32
          scf.yield %scan3A_85 : i32
        }
        %scan3A_71 = arith.constant 16 : i32
        %while3A_72 = arith.constant 0 : i32
        scf.yield %while3A_72 : i32
      }
    } else {
    }
    %barrier3A_32 = arith.constant 0 : index
    tpu.barrier barrier_id(%barrier3A_32)
    %eq3A_33 = arith.constant 0 : i32
    %eq3A_34 = arith.cmpi eq, %arg0, %eq3A_33 : i32
    %lt3A_35 = arith.constant 10 : i32
    %lt3A_36 = arith.cmpi slt, %arg1, %lt3A_35 : i32
    %and3A_37 = arith.andi %eq3A_34, %lt3A_36 : i1
    %convert_element_type3A_38 = arith.extui %and3A_37 : i1 to i32
    %cond3A_39 = arith.constant 0 : i32
    %cond3A_40 = arith.cmpi ne, %convert_element_type3A_38, %cond3A_39 : i32
    scf.if %cond3A_40 {
      %mul3A = arith.constant 1000 : i32
      %mul3A_49 = arith.muli %arg1, %mul3A : i32
      %mul3A_50 = arith.constant 1000 : i32
      %mul3A_51 = arith.muli %arg1, %mul3A_50 : i32
      "tpu.region"() ({
        %run_scoped3A = tpu.sem_alloc : memref<!tpu.dma_semaphore, #tpu.memory_space<semaphore_mem>>
        %dma_start3A = arith.constant 0 : i32
        %dma_start3A_52 = tpu.memref_slice %arg7[%mul3A_51, %dma_start3A] : memref<10000x128xf32, #tpu.memory_space<hbm>> -> memref<1000x128xf32, #tpu.memory_space<hbm>>
        %dma_start3A_53 = arith.constant 0 : i32
        %dma_start3A_54 = tpu.memref_slice %arg12[%mul3A_49, %dma_start3A_53] : memref<10000x128xf32, #tpu.memory_space<vmem_shared>> -> memref<1000x128xf32, #tpu.memory_space<vmem_shared>>
        tpu.enqueue_dma source(%dma_start3A_54 : memref<1000x128xf32, #tpu.memory_space<vmem_shared>>) target(%dma_start3A_52 : memref<1000x128xf32, #tpu.memory_space<hbm>>) target_semaphore(%run_scoped3A : memref<!tpu.dma_semaphore, #tpu.memory_space<semaphore_mem>>)
        %dma_wait3A = arith.constant 0 : i32
        %dma_wait3A_55 = tpu.memref_slice %arg7[%mul3A_51, %dma_wait3A] : memref<10000x128xf32, #tpu.memory_space<hbm>> -> memref<1000x128xf32, #tpu.memory_space<hbm>>
        %dma_wait3A_56 = arith.constant 0 : i32
        %dma_wait3A_57 = tpu.memref_slice %arg12[%mul3A_49, %dma_wait3A_56] : memref<10000x128xf32, #tpu.memory_space<vmem_shared>> -> memref<1000x128xf32, #tpu.memory_space<vmem_shared>>
        tpu.wait_dma2 semaphore(%run_scoped3A : memref<!tpu.dma_semaphore, #tpu.memory_space<semaphore_mem>>) src(%dma_wait3A_57 : memref<1000x128xf32, #tpu.memory_space<vmem_shared>>) dst(%dma_wait3A_55 : memref<1000x128xf32, #tpu.memory_space<hbm>>)
        tpu.yield
      }) : () -> ()
    } else {
    }
    %eq3A_41 = arith.constant 1 : i32
    %eq3A_42 = arith.cmpi eq, %arg0, %eq3A_41 : i32
    %lt3A_43 = arith.constant 10 : i32
    %lt3A_44 = arith.cmpi slt, %arg1, %lt3A_43 : i32
    %and3A_45 = arith.andi %eq3A_42, %lt3A_44 : i1
    %convert_element_type3A_46 = arith.extui %and3A_45 : i1 to i32
    %cond3A_47 = arith.constant 0 : i32
    %cond3A_48 = arith.cmpi ne, %convert_element_type3A_46, %cond3A_47 : i32
    scf.if %cond3A_48 {
      %mul3A = arith.constant 1000 : i32
      %mul3A_49 = arith.muli %arg1, %mul3A : i32
      %mul3A_50 = arith.constant 1000 : i32
      %mul3A_51 = arith.muli %arg1, %mul3A_50 : i32
      "tpu.region"() ({
        %run_scoped3A = tpu.sem_alloc : memref<!tpu.dma_semaphore, #tpu.memory_space<semaphore_mem>>
        %dma_start3A = arith.constant 0 : i32
        %dma_start3A_52 = tpu.memref_slice %arg8[%mul3A_51, %dma_start3A] : memref<10000x128xf32, #tpu.memory_space<hbm>> -> memref<1000x128xf32, #tpu.memory_space<hbm>>
        %dma_start3A_53 = arith.constant 0 : i32
        %dma_start3A_54 = tpu.memref_slice %arg12[%mul3A_49, %dma_start3A_53] : memref<10000x128xf32, #tpu.memory_space<vmem_shared>> -> memref<1000x128xf32, #tpu.memory_space<vmem_shared>>
        tpu.enqueue_dma source(%dma_start3A_54 : memref<1000x128xf32, #tpu.memory_space<vmem_shared>>) target(%dma_start3A_52 : memref<1000x128xf32, #tpu.memory_space<hbm>>) target_semaphore(%run_scoped3A : memref<!tpu.dma_semaphore, #tpu.memory_space<semaphore_mem>>)
        %dma_wait3A = arith.constant 0 : i32
        %dma_wait3A_55 = tpu.memref_slice %arg8[%mul3A_51, %dma_wait3A] : memref<10000x128xf32, #tpu.memory_space<hbm>> -> memref<1000x128xf32, #tpu.memory_space<hbm>>
        %dma_wait3A_56 = arith.constant 0 : i32
        %dma_wait3A_57 = tpu.memref_slice %arg12[%mul3A_49, %dma_wait3A_56] : memref<10000x128xf32, #tpu.memory_space<vmem_shared>> -> memref<1000x128xf32, #tpu.memory_space<vmem_shared>>
        tpu.wait_dma2 semaphore(%run_scoped3A : memref<!tpu.dma_semaphore, #tpu.memory_space<semaphore_mem>>) src(%dma_wait3A_57 : memref<1000x128xf32, #tpu.memory_space<vmem_shared>>) dst(%dma_wait3A_55 : memref<1000x128xf32, #tpu.memory_space<hbm>>)
        tpu.yield
      }) : () -> ()
    } else {
    }
    return
  }
}

#map = affine_map<(d0, d1) -> (0, 0)>
module attributes {stable_mosaic.version = 14 : i64} {
  func.func @k(%arg0: i32, %arg1: i32, %arg2: memref<10000x64xf32, #tpu.memory_space<hbm>>, %arg3: memref<10000x64xf32, #tpu.memory_space<hbm>>, %arg4: memref<4000x80xi32, #tpu.memory_space<hbm>>, %arg5: memref<4000x80xi32, #tpu.memory_space<hbm>>, %arg6: memref<1000x64xf32, #tpu.memory_space<hbm>>, %arg7: memref<10000x64xf32, #tpu.memory_space<hbm>>, %arg8: memref<10000x64xf32, #tpu.memory_space<hbm>>, %arg9: memref<16x80xi32, #tpu.memory_space<vmem>>, %arg10: memref<16x80xi32, #tpu.memory_space<vmem>>, %arg11: memref<80x64xf32, #tpu.memory_space<vmem>>, %arg12: memref<10000x64xf32, #tpu.memory_space<vmem_shared>>, %arg13: memref<!tpu.dma_semaphore, #tpu.memory_space<semaphore_mem>>) attributes {dimension_semantics = [#tpu.dimension_semantics<core_parallel>, #tpu.dimension_semantics<subcore_parallel>], iteration_bounds = array<i64: 2, 16>, scalar_prefetch = 0 : i64, scratch_operands = 5 : i64, tpu.core_type = #tpu.core_type<sc_vector_subcore>, window_params = [{transform_indices = #map}, {transform_indices = #map}, {transform_indices = #map}, {transform_indices = #map}, {transform_indices = #map}, {transform_indices = #map}, {transform_indices = #map}]} {
    %lt3A = arith.constant 10 : i32
    %lt3A_0 = arith.cmpi slt, %arg1, %lt3A : i32
    %convert_element_type3A = arith.extui %lt3A_0 : i1 to i32
    %cond3A = arith.constant 0 : i32
    %cond3A_1 = arith.cmpi ne, %convert_element_type3A, %cond3A : i32
    scf.if %cond3A_1 {
      %mul3A = arith.constant 1000 : i32
      %mul3A_49 = arith.muli %arg1, %mul3A : i32
      "tpu.region"() ({
        %run_scoped3A = tpu.sem_alloc : memref<!tpu.dma_semaphore, #tpu.memory_space<semaphore_mem>>
        %dma_start3A = arith.constant 0 : i32
        %dma_start3A_50 = tpu.memref_slice %arg12[%mul3A_49, %dma_start3A] : memref<10000x64xf32, #tpu.memory_space<vmem_shared>> -> memref<1000x64xf32, #tpu.memory_space<vmem_shared>>
        tpu.enqueue_dma source(%arg6 : memref<1000x64xf32, #tpu.memory_space<hbm>>) target(%dma_start3A_50 : memref<1000x64xf32, #tpu.memory_space<vmem_shared>>) target_semaphore(%run_scoped3A : memref<!tpu.dma_semaphore, #tpu.memory_space<semaphore_mem>>)
        %dma_wait3A = arith.constant 0 : i32
        %dma_wait3A_51 = tpu.memref_slice %arg12[%mul3A_49, %dma_wait3A] : memref<10000x64xf32, #tpu.memory_space<vmem_shared>> -> memref<1000x64xf32, #tpu.memory_space<vmem_shared>>
        tpu.wait_dma2 semaphore(%run_scoped3A : memref<!tpu.dma_semaphore, #tpu.memory_space<semaphore_mem>>) src(%arg6 : memref<1000x64xf32, #tpu.memory_space<hbm>>) dst(%dma_wait3A_51 : memref<1000x64xf32, #tpu.memory_space<vmem_shared>>)
        tpu.yield
      }) : () -> ()
    } else {
    }
    %barrier3A = arith.constant 0 : index
    tpu.barrier barrier_id(%barrier3A)
    %sub3A = arith.constant 250 : i32
    %sub3A_2 = arith.subi %sub3A, %arg1 : i32
    %add3A = arith.constant 16 : i32
    %add3A_3 = arith.addi %sub3A_2, %add3A : i32
    %sub3A_4 = arith.constant 1 : i32
    %sub3A_5 = arith.subi %add3A_3, %sub3A_4 : i32
    %jit3A = arith.constant 16 : i32
    %div3A = arith.divsi %sub3A_5, %jit3A : i32
    %sign3A = arith.constant 0 : i32
    %sign3A_6 = arith.cmpi sgt, %sub3A_5, %sign3A : i32
    %sign3A_7 = arith.extui %sign3A_6 : i1 to i32
    %sign3A_8 = arith.constant 0 : i32
    %sign3A_9 = arith.cmpi slt, %sub3A_5, %sign3A_8 : i32
    %sign3A_10 = arith.extui %sign3A_9 : i1 to i32
    %sign3A_11 = arith.subi %sign3A_7, %sign3A_10 : i32
    %sign3A_12 = arith.constant 0 : i32
    %sign3A_13 = arith.cmpi sgt, %jit3A, %sign3A_12 : i32
    %sign3A_14 = arith.extui %sign3A_13 : i1 to i32
    %sign3A_15 = arith.constant 0 : i32
    %sign3A_16 = arith.cmpi slt, %jit3A, %sign3A_15 : i32
    %sign3A_17 = arith.extui %sign3A_16 : i1 to i32
    %sign3A_18 = arith.subi %sign3A_14, %sign3A_17 : i32
    %ne3A = arith.cmpi ne, %sign3A_11, %sign3A_18 : i32
    %rem3A = arith.remsi %sub3A_5, %jit3A : i32
    %ne3A_19 = arith.constant 0 : i32
    %ne3A_20 = arith.cmpi ne, %rem3A, %ne3A_19 : i32
    %and3A = arith.andi %ne3A, %ne3A_20 : i1
    %sub3A_21 = arith.constant 1 : i32
    %sub3A_22 = arith.subi %div3A, %sub3A_21 : i32
    %select_n3A = arith.select %and3A, %sub3A_22, %div3A : i32
    %eq3A = arith.constant 0 : i32
    %eq3A_23 = arith.cmpi eq, %arg0, %eq3A : i32
    %convert_element_type3A_24 = arith.extui %eq3A_23 : i1 to i32
    %cond3A_25 = arith.constant 0 : i32
    %cond3A_26 = arith.cmpi ne, %convert_element_type3A_24, %cond3A_25 : i32
    scf.if %cond3A_26 {
      %while3A = arith.constant 0 : i32
      %while3A_49 = arith.constant 0 : i32
      %while3A_50 = arith.subi %select_n3A, %while3A : i32
      %while3A_51 = arith.addi %while3A, %while3A_50 : i32
      %while3A_52 = arith.constant 1 : i32
      %while3A_53 = arith.divsi %while3A_50, %while3A_52 : i32
      %while3A_54 = arith.muli %while3A_53, %while3A_52 : i32
      %while3A_55 = arith.addi %while3A, %while3A_54 : i32
      %while3A_56 = arith.constant 1 : i32
      %while3A_57 = scf.for %while3A_60 = %while3A to %while3A_55 step %while3A_56 iter_args(%while3A_61 = %while3A_49) -> (i32)  : i32 {
        %mul3A = arith.constant 16 : i32
        %mul3A_62 = arith.muli %while3A_60, %mul3A : i32
        %add3A_63 = arith.addi %arg1, %mul3A_62 : i32
        %mul3A_64 = arith.constant 16 : i32
        %mul3A_65 = arith.muli %add3A_63, %mul3A_64 : i32
        "tpu.region"() ({
          %run_scoped3A = tpu.sem_alloc : memref<!tpu.dma_semaphore, #tpu.memory_space<semaphore_mem>>
          %dma_start3A = arith.constant 0 : i32
          %dma_start3A_73 = tpu.memref_slice %arg4[%mul3A_65, %dma_start3A] : memref<4000x80xi32, #tpu.memory_space<hbm>> -> memref<16x80xi32, #tpu.memory_space<hbm>>
          %dma_start3A_74 = arith.constant 0 : i32
          %dma_start3A_75 = tpu.memref_slice %arg4[%mul3A_65, %dma_start3A_74] : memref<4000x80xi32, #tpu.memory_space<hbm>> -> memref<16x80xi32, #tpu.memory_space<hbm>>
          tpu.enqueue_dma source(%dma_start3A_75 : memref<16x80xi32, #tpu.memory_space<hbm>>) target(%arg9 : memref<16x80xi32, #tpu.memory_space<vmem>>) target_semaphore(%run_scoped3A : memref<!tpu.dma_semaphore, #tpu.memory_space<semaphore_mem>>)
          %dma_wait3A = arith.constant 0 : i32
          %dma_wait3A_76 = tpu.memref_slice %arg4[%mul3A_65, %dma_wait3A] : memref<4000x80xi32, #tpu.memory_space<hbm>> -> memref<16x80xi32, #tpu.memory_space<hbm>>
          %dma_wait3A_77 = arith.constant 0 : i32
          %dma_wait3A_78 = tpu.memref_slice %arg4[%mul3A_65, %dma_wait3A_77] : memref<4000x80xi32, #tpu.memory_space<hbm>> -> memref<16x80xi32, #tpu.memory_space<hbm>>
          tpu.wait_dma2 semaphore(%run_scoped3A : memref<!tpu.dma_semaphore, #tpu.memory_space<semaphore_mem>>) src(%dma_wait3A_78 : memref<16x80xi32, #tpu.memory_space<hbm>>) dst(%arg9 : memref<16x80xi32, #tpu.memory_space<vmem>>)
          tpu.yield
        }) : () -> ()
        "tpu.region"() ({
          %run_scoped3A = tpu.sem_alloc : memref<!tpu.dma_semaphore, #tpu.memory_space<semaphore_mem>>
          %dma_start3A = arith.constant 0 : i32
          %dma_start3A_73 = tpu.memref_slice %arg5[%mul3A_65, %dma_start3A] : memref<4000x80xi32, #tpu.memory_space<hbm>> -> memref<16x80xi32, #tpu.memory_space<hbm>>
          %dma_start3A_74 = arith.constant 0 : i32
          %dma_start3A_75 = tpu.memref_slice %arg5[%mul3A_65, %dma_start3A_74] : memref<4000x80xi32, #tpu.memory_space<hbm>> -> memref<16x80xi32, #tpu.memory_space<hbm>>
          tpu.enqueue_dma source(%dma_start3A_75 : memref<16x80xi32, #tpu.memory_space<hbm>>) target(%arg10 : memref<16x80xi32, #tpu.memory_space<vmem>>) target_semaphore(%run_scoped3A : memref<!tpu.dma_semaphore, #tpu.memory_space<semaphore_mem>>)
          %dma_wait3A = arith.constant 0 : i32
          %dma_wait3A_76 = tpu.memref_slice %arg5[%mul3A_65, %dma_wait3A] : memref<4000x80xi32, #tpu.memory_space<hbm>> -> memref<16x80xi32, #tpu.memory_space<hbm>>
          %dma_wait3A_77 = arith.constant 0 : i32
          %dma_wait3A_78 = tpu.memref_slice %arg5[%mul3A_65, %dma_wait3A_77] : memref<4000x80xi32, #tpu.memory_space<hbm>> -> memref<16x80xi32, #tpu.memory_space<hbm>>
          tpu.wait_dma2 semaphore(%run_scoped3A : memref<!tpu.dma_semaphore, #tpu.memory_space<semaphore_mem>>) src(%dma_wait3A_78 : memref<16x80xi32, #tpu.memory_space<hbm>>) dst(%arg10 : memref<16x80xi32, #tpu.memory_space<vmem>>)
          tpu.yield
        }) : () -> ()
        %scan3A = arith.constant 0 : i32
        %scan3A_66 = arith.constant 0 : i32
        %scan3A_67 = arith.constant 16 : i32
        %scan3A_68 = arith.addi %scan3A_66, %scan3A_67 : i32
        %scan3A_69 = arith.constant 1 : i32
        %scan3A_70 = scf.for %scan3A_73 = %scan3A_66 to %scan3A_68 step %scan3A_69 iter_args(%scan3A_74 = %scan3A) -> (i32)  : i32 {
          %dma_start3A = arith.constant 0 : i32
          %dma_start3A_75 = tpu.memref_slice %arg9[%scan3A_73, %dma_start3A] : memref<16x80xi32, #tpu.memory_space<vmem>> -> memref<1x80xi32, #tpu.memory_space<vmem>>
          %dma_start3A_76 = tpu.memref_squeeze %dma_start3A_75 : memref<1x80xi32, #tpu.memory_space<vmem>> -> memref<80xi32, #tpu.memory_space<vmem>>
          %dma_start3A_77 = arith.constant 0 : i32
          %dma_start3A_78 = arith.constant 0 : i32
          %dma_start3A_79 = tpu.memref_slice %arg2[%dma_start3A_77, %dma_start3A_78] : memref<10000x64xf32, #tpu.memory_space<hbm>> -> memref<10000x64xf32, #tpu.memory_space<hbm>>
          tpu.enqueue_indirect_dma source(%dma_start3A_79 : memref<10000x64xf32, #tpu.memory_space<hbm>>) target(%arg11 : memref<80x64xf32, #tpu.memory_space<vmem>>) offsets(%dma_start3A_76 : memref<80xi32, #tpu.memory_space<vmem>>) semaphore(%arg13 : memref<!tpu.dma_semaphore, #tpu.memory_space<semaphore_mem>>)
          %dma_wait3A = arith.constant 0 : i32
          %dma_wait3A_80 = tpu.memref_slice %arg9[%scan3A_73, %dma_wait3A] : memref<16x80xi32, #tpu.memory_space<vmem>> -> memref<1x80xi32, #tpu.memory_space<vmem>>
          %dma_wait3A_81 = tpu.memref_squeeze %dma_wait3A_80 : memref<1x80xi32, #tpu.memory_space<vmem>> -> memref<80xi32, #tpu.memory_space<vmem>>
          %dma_wait3A_82 = arith.constant 0 : i32
          %dma_wait3A_83 = arith.constant 0 : i32
          %dma_wait3A_84 = tpu.memref_slice %arg2[%dma_wait3A_82, %dma_wait3A_83] : memref<10000x64xf32, #tpu.memory_space<hbm>> -> memref<10000x64xf32, #tpu.memory_space<hbm>>
          tpu.wait_indirect_dma semaphore(%arg13 : memref<!tpu.dma_semaphore, #tpu.memory_space<semaphore_mem>>) src(%dma_wait3A_84 : memref<10000x64xf32, #tpu.memory_space<hbm>>) dst(%arg11 : memref<80x64xf32, #tpu.memory_space<vmem>>)
          "tpu.region"() ({
            %run_scoped3A = tpu.sem_alloc : memref<!tpu.dma_semaphore, #tpu.memory_space<semaphore_mem>>
            %dma_start3A_86 = arith.constant 0 : i32
            %dma_start3A_87 = tpu.memref_slice %arg10[%scan3A_73, %dma_start3A_86] : memref<16x80xi32, #tpu.memory_space<vmem>> -> memref<1x80xi32, #tpu.memory_space<vmem>>
            %dma_start3A_88 = tpu.memref_squeeze %dma_start3A_87 : memref<1x80xi32, #tpu.memory_space<vmem>> -> memref<80xi32, #tpu.memory_space<vmem>>
            %dma_start3A_89 = arith.constant 0 : i32
            %dma_start3A_90 = arith.constant 0 : i32
            %dma_start3A_91 = tpu.memref_slice %arg12[%dma_start3A_89, %dma_start3A_90] : memref<10000x64xf32, #tpu.memory_space<vmem_shared>> -> memref<10000x64xf32, #tpu.memory_space<vmem_shared>>
            tpu.enqueue_indirect_dma source(%arg11 : memref<80x64xf32, #tpu.memory_space<vmem>>) target(%dma_start3A_91 : memref<10000x64xf32, #tpu.memory_space<vmem_shared>>) offsets(%dma_start3A_88 : memref<80xi32, #tpu.memory_space<vmem>>) semaphore(%run_scoped3A : memref<!tpu.dma_semaphore, #tpu.memory_space<semaphore_mem>>) {add = true}
            %dma_wait3A_92 = arith.constant 0 : i32
            %dma_wait3A_93 = tpu.memref_slice %arg10[%scan3A_73, %dma_wait3A_92] : memref<16x80xi32, #tpu.memory_space<vmem>> -> memref<1x80xi32, #tpu.memory_space<vmem>>
            %dma_wait3A_94 = tpu.memref_squeeze %dma_wait3A_93 : memref<1x80xi32, #tpu.memory_space<vmem>> -> memref<80xi32, #tpu.memory_space<vmem>>
            %dma_wait3A_95 = arith.constant 0 : i32
            %dma_wait3A_96 = arith.constant 0 : i32
            %dma_wait3A_97 = tpu.memref_slice %arg12[%dma_wait3A_95, %dma_wait3A_96] : memref<10000x64xf32, #tpu.memory_space<vmem_shared>> -> memref<10000x64xf32, #tpu.memory_space<vmem_shared>>
            tpu.wait_indirect_dma semaphore(%run_scoped3A : memref<!tpu.dma_semaphore, #tpu.memory_space<semaphore_mem>>) src(%arg11 : memref<80x64xf32, #tpu.memory_space<vmem>>) dst(%dma_wait3A_97 : memref<10000x64xf32, #tpu.memory_space<vmem_shared>>)
            tpu.yield
          }) : () -> ()
          %scan3A_85 = arith.constant 0 : i32
          scf.yield %scan3A_85 : i32
        }
        %scan3A_71 = arith.constant 16 : i32
        %while3A_72 = arith.constant 0 : i32
        scf.yield %while3A_72 : i32
      }
      %while3A_58 = arith.constant 1 : i32
      %while3A_59 = scf.for %while3A_60 = %while3A_55 to %while3A_51 step %while3A_58 iter_args(%while3A_61 = %while3A_57) -> (i32)  : i32 {
        %mul3A = arith.constant 16 : i32
        %mul3A_62 = arith.muli %while3A_60, %mul3A : i32
        %add3A_63 = arith.addi %arg1, %mul3A_62 : i32
        %mul3A_64 = arith.constant 16 : i32
        %mul3A_65 = arith.muli %add3A_63, %mul3A_64 : i32
        "tpu.region"() ({
          %run_scoped3A = tpu.sem_alloc : memref<!tpu.dma_semaphore, #tpu.memory_space<semaphore_mem>>
          %dma_start3A = arith.constant 0 : i32
          %dma_start3A_73 = tpu.memref_slice %arg4[%mul3A_65, %dma_start3A] : memref<4000x80xi32, #tpu.memory_space<hbm>> -> memref<16x80xi32, #tpu.memory_space<hbm>>
          %dma_start3A_74 = arith.constant 0 : i32
          %dma_start3A_75 = tpu.memref_slice %arg4[%mul3A_65, %dma_start3A_74] : memref<4000x80xi32, #tpu.memory_space<hbm>> -> memref<16x80xi32, #tpu.memory_space<hbm>>
          tpu.enqueue_dma source(%dma_start3A_75 : memref<16x80xi32, #tpu.memory_space<hbm>>) target(%arg9 : memref<16x80xi32, #tpu.memory_space<vmem>>) target_semaphore(%run_scoped3A : memref<!tpu.dma_semaphore, #tpu.memory_space<semaphore_mem>>)
          %dma_wait3A = arith.constant 0 : i32
          %dma_wait3A_76 = tpu.memref_slice %arg4[%mul3A_65, %dma_wait3A] : memref<4000x80xi32, #tpu.memory_space<hbm>> -> memref<16x80xi32, #tpu.memory_space<hbm>>
          %dma_wait3A_77 = arith.constant 0 : i32
          %dma_wait3A_78 = tpu.memref_slice %arg4[%mul3A_65, %dma_wait3A_77] : memref<4000x80xi32, #tpu.memory_space<hbm>> -> memref<16x80xi32, #tpu.memory_space<hbm>>
          tpu.wait_dma2 semaphore(%run_scoped3A : memref<!tpu.dma_semaphore, #tpu.memory_space<semaphore_mem>>) src(%dma_wait3A_78 : memref<16x80xi32, #tpu.memory_space<hbm>>) dst(%arg9 : memref<16x80xi32, #tpu.memory_space<vmem>>)
          tpu.yield
        }) : () -> ()
        "tpu.region"() ({
          %run_scoped3A = tpu.sem_alloc : memref<!tpu.dma_semaphore, #tpu.memory_space<semaphore_mem>>
          %dma_start3A = arith.constant 0 : i32
          %dma_start3A_73 = tpu.memref_slice %arg5[%mul3A_65, %dma_start3A] : memref<4000x80xi32, #tpu.memory_space<hbm>> -> memref<16x80xi32, #tpu.memory_space<hbm>>
          %dma_start3A_74 = arith.constant 0 : i32
          %dma_start3A_75 = tpu.memref_slice %arg5[%mul3A_65, %dma_start3A_74] : memref<4000x80xi32, #tpu.memory_space<hbm>> -> memref<16x80xi32, #tpu.memory_space<hbm>>
          tpu.enqueue_dma source(%dma_start3A_75 : memref<16x80xi32, #tpu.memory_space<hbm>>) target(%arg10 : memref<16x80xi32, #tpu.memory_space<vmem>>) target_semaphore(%run_scoped3A : memref<!tpu.dma_semaphore, #tpu.memory_space<semaphore_mem>>)
          %dma_wait3A = arith.constant 0 : i32
          %dma_wait3A_76 = tpu.memref_slice %arg5[%mul3A_65, %dma_wait3A] : memref<4000x80xi32, #tpu.memory_space<hbm>> -> memref<16x80xi32, #tpu.memory_space<hbm>>
          %dma_wait3A_77 = arith.constant 0 : i32
          %dma_wait3A_78 = tpu.memref_slice %arg5[%mul3A_65, %dma_wait3A_77] : memref<4000x80xi32, #tpu.memory_space<hbm>> -> memref<16x80xi32, #tpu.memory_space<hbm>>
          tpu.wait_dma2 semaphore(%run_scoped3A : memref<!tpu.dma_semaphore, #tpu.memory_space<semaphore_mem>>) src(%dma_wait3A_78 : memref<16x80xi32, #tpu.memory_space<hbm>>) dst(%arg10 : memref<16x80xi32, #tpu.memory_space<vmem>>)
          tpu.yield
        }) : () -> ()
        %scan3A = arith.constant 0 : i32
        %scan3A_66 = arith.constant 0 : i32
        %scan3A_67 = arith.constant 16 : i32
        %scan3A_68 = arith.addi %scan3A_66, %scan3A_67 : i32
        %scan3A_69 = arith.constant 1 : i32
        %scan3A_70 = scf.for %scan3A_73 = %scan3A_66 to %scan3A_68 step %scan3A_69 iter_args(%scan3A_74 = %scan3A) -> (i32)  : i32 {
          %dma_start3A = arith.constant 0 : i32
          %dma_start3A_75 = tpu.memref_slice %arg9[%scan3A_73, %dma_start3A] : memref<16x80xi32, #tpu.memory_space<vmem>> -> memref<1x80xi32, #tpu.memory_space<vmem>>
          %dma_start3A_76 = tpu.memref_squeeze %dma_start3A_75 : memref<1x80xi32, #tpu.memory_space<vmem>> -> memref<80xi32, #tpu.memory_space<vmem>>
          %dma_start3A_77 = arith.constant 0 : i32
          %dma_start3A_78 = arith.constant 0 : i32
          %dma_start3A_79 = tpu.memref_slice %arg2[%dma_start3A_77, %dma_start3A_78] : memref<10000x64xf32, #tpu.memory_space<hbm>> -> memref<10000x64xf32, #tpu.memory_space<hbm>>
          tpu.enqueue_indirect_dma source(%dma_start3A_79 : memref<10000x64xf32, #tpu.memory_space<hbm>>) target(%arg11 : memref<80x64xf32, #tpu.memory_space<vmem>>) offsets(%dma_start3A_76 : memref<80xi32, #tpu.memory_space<vmem>>) semaphore(%arg13 : memref<!tpu.dma_semaphore, #tpu.memory_space<semaphore_mem>>)
          %dma_wait3A = arith.constant 0 : i32
          %dma_wait3A_80 = tpu.memref_slice %arg9[%scan3A_73, %dma_wait3A] : memref<16x80xi32, #tpu.memory_space<vmem>> -> memref<1x80xi32, #tpu.memory_space<vmem>>
          %dma_wait3A_81 = tpu.memref_squeeze %dma_wait3A_80 : memref<1x80xi32, #tpu.memory_space<vmem>> -> memref<80xi32, #tpu.memory_space<vmem>>
          %dma_wait3A_82 = arith.constant 0 : i32
          %dma_wait3A_83 = arith.constant 0 : i32
          %dma_wait3A_84 = tpu.memref_slice %arg2[%dma_wait3A_82, %dma_wait3A_83] : memref<10000x64xf32, #tpu.memory_space<hbm>> -> memref<10000x64xf32, #tpu.memory_space<hbm>>
          tpu.wait_indirect_dma semaphore(%arg13 : memref<!tpu.dma_semaphore, #tpu.memory_space<semaphore_mem>>) src(%dma_wait3A_84 : memref<10000x64xf32, #tpu.memory_space<hbm>>) dst(%arg11 : memref<80x64xf32, #tpu.memory_space<vmem>>)
          "tpu.region"() ({
            %run_scoped3A = tpu.sem_alloc : memref<!tpu.dma_semaphore, #tpu.memory_space<semaphore_mem>>
            %dma_start3A_86 = arith.constant 0 : i32
            %dma_start3A_87 = tpu.memref_slice %arg10[%scan3A_73, %dma_start3A_86] : memref<16x80xi32, #tpu.memory_space<vmem>> -> memref<1x80xi32, #tpu.memory_space<vmem>>
            %dma_start3A_88 = tpu.memref_squeeze %dma_start3A_87 : memref<1x80xi32, #tpu.memory_space<vmem>> -> memref<80xi32, #tpu.memory_space<vmem>>
            %dma_start3A_89 = arith.constant 0 : i32
            %dma_start3A_90 = arith.constant 0 : i32
            %dma_start3A_91 = tpu.memref_slice %arg12[%dma_start3A_89, %dma_start3A_90] : memref<10000x64xf32, #tpu.memory_space<vmem_shared>> -> memref<10000x64xf32, #tpu.memory_space<vmem_shared>>
            tpu.enqueue_indirect_dma source(%arg11 : memref<80x64xf32, #tpu.memory_space<vmem>>) target(%dma_start3A_91 : memref<10000x64xf32, #tpu.memory_space<vmem_shared>>) offsets(%dma_start3A_88 : memref<80xi32, #tpu.memory_space<vmem>>) semaphore(%run_scoped3A : memref<!tpu.dma_semaphore, #tpu.memory_space<semaphore_mem>>) {add = true}
            %dma_wait3A_92 = arith.constant 0 : i32
            %dma_wait3A_93 = tpu.memref_slice %arg10[%scan3A_73, %dma_wait3A_92] : memref<16x80xi32, #tpu.memory_space<vmem>> -> memref<1x80xi32, #tpu.memory_space<vmem>>
            %dma_wait3A_94 = tpu.memref_squeeze %dma_wait3A_93 : memref<1x80xi32, #tpu.memory_space<vmem>> -> memref<80xi32, #tpu.memory_space<vmem>>
            %dma_wait3A_95 = arith.constant 0 : i32
            %dma_wait3A_96 = arith.constant 0 : i32
            %dma_wait3A_97 = tpu.memref_slice %arg12[%dma_wait3A_95, %dma_wait3A_96] : memref<10000x64xf32, #tpu.memory_space<vmem_shared>> -> memref<10000x64xf32, #tpu.memory_space<vmem_shared>>
            tpu.wait_indirect_dma semaphore(%run_scoped3A : memref<!tpu.dma_semaphore, #tpu.memory_space<semaphore_mem>>) src(%arg11 : memref<80x64xf32, #tpu.memory_space<vmem>>) dst(%dma_wait3A_97 : memref<10000x64xf32, #tpu.memory_space<vmem_shared>>)
            tpu.yield
          }) : () -> ()
          %scan3A_85 = arith.constant 0 : i32
          scf.yield %scan3A_85 : i32
        }
        %scan3A_71 = arith.constant 16 : i32
        %while3A_72 = arith.constant 0 : i32
        scf.yield %while3A_72 : i32
      }
    } else {
    }
    %eq3A_27 = arith.constant 1 : i32
    %eq3A_28 = arith.cmpi eq, %arg0, %eq3A_27 : i32
    %convert_element_type3A_29 = arith.extui %eq3A_28 : i1 to i32
    %cond3A_30 = arith.constant 0 : i32
    %cond3A_31 = arith.cmpi ne, %convert_element_type3A_29, %cond3A_30 : i32
    scf.if %cond3A_31 {
      %while3A = arith.constant 0 : i32
      %while3A_49 = arith.constant 0 : i32
      %while3A_50 = arith.subi %select_n3A, %while3A : i32
      %while3A_51 = arith.addi %while3A, %while3A_50 : i32
      %while3A_52 = arith.constant 1 : i32
      %while3A_53 = arith.divsi %while3A_50, %while3A_52 : i32
      %while3A_54 = arith.muli %while3A_53, %while3A_52 : i32
      %while3A_55 = arith.addi %while3A, %while3A_54 : i32
      %while3A_56 = arith.constant 1 : i32
      %while3A_57 = scf.for %while3A_60 = %while3A to %while3A_55 step %while3A_56 iter_args(%while3A_61 = %while3A_49) -> (i32)  : i32 {
        %mul3A = arith.constant 16 : i32
        %mul3A_62 = arith.muli %while3A_60, %mul3A : i32
        %add3A_63 = arith.addi %arg1, %mul3A_62 : i32
        %mul3A_64 = arith.constant 16 : i32
        %mul3A_65 = arith.muli %add3A_63, %mul3A_64 : i32
        "tpu.region"() ({
          %run_scoped3A = tpu.sem_alloc : memref<!tpu.dma_semaphore, #tpu.memory_space<semaphore_mem>>
          %dma_start3A = arith.constant 0 : i32
          %dma_start3A_73 = tpu.memref_slice %arg4[%mul3A_65, %dma_start3A] : memref<4000x80xi32, #tpu.memory_space<hbm>> -> memref<16x80xi32, #tpu.memory_space<hbm>>
          %dma_start3A_74 = arith.constant 0 : i32
          %dma_start3A_75 = tpu.memref_slice %arg4[%mul3A_65, %dma_start3A_74] : memref<4000x80xi32, #tpu.memory_space<hbm>> -> memref<16x80xi32, #tpu.memory_space<hbm>>
          tpu.enqueue_dma source(%dma_start3A_75 : memref<16x80xi32, #tpu.memory_space<hbm>>) target(%arg9 : memref<16x80xi32, #tpu.memory_space<vmem>>) target_semaphore(%run_scoped3A : memref<!tpu.dma_semaphore, #tpu.memory_space<semaphore_mem>>)
          %dma_wait3A = arith.constant 0 : i32
          %dma_wait3A_76 = tpu.memref_slice %arg4[%mul3A_65, %dma_wait3A] : memref<4000x80xi32, #tpu.memory_space<hbm>> -> memref<16x80xi32, #tpu.memory_space<hbm>>
          %dma_wait3A_77 = arith.constant 0 : i32
          %dma_wait3A_78 = tpu.memref_slice %arg4[%mul3A_65, %dma_wait3A_77] : memref<4000x80xi32, #tpu.memory_space<hbm>> -> memref<16x80xi32, #tpu.memory_space<hbm>>
          tpu.wait_dma2 semaphore(%run_scoped3A : memref<!tpu.dma_semaphore, #tpu.memory_space<semaphore_mem>>) src(%dma_wait3A_78 : memref<16x80xi32, #tpu.memory_space<hbm>>) dst(%arg9 : memref<16x80xi32, #tpu.memory_space<vmem>>)
          tpu.yield
        }) : () -> ()
        "tpu.region"() ({
          %run_scoped3A = tpu.sem_alloc : memref<!tpu.dma_semaphore, #tpu.memory_space<semaphore_mem>>
          %dma_start3A = arith.constant 0 : i32
          %dma_start3A_73 = tpu.memref_slice %arg5[%mul3A_65, %dma_start3A] : memref<4000x80xi32, #tpu.memory_space<hbm>> -> memref<16x80xi32, #tpu.memory_space<hbm>>
          %dma_start3A_74 = arith.constant 0 : i32
          %dma_start3A_75 = tpu.memref_slice %arg5[%mul3A_65, %dma_start3A_74] : memref<4000x80xi32, #tpu.memory_space<hbm>> -> memref<16x80xi32, #tpu.memory_space<hbm>>
          tpu.enqueue_dma source(%dma_start3A_75 : memref<16x80xi32, #tpu.memory_space<hbm>>) target(%arg10 : memref<16x80xi32, #tpu.memory_space<vmem>>) target_semaphore(%run_scoped3A : memref<!tpu.dma_semaphore, #tpu.memory_space<semaphore_mem>>)
          %dma_wait3A = arith.constant 0 : i32
          %dma_wait3A_76 = tpu.memref_slice %arg5[%mul3A_65, %dma_wait3A] : memref<4000x80xi32, #tpu.memory_space<hbm>> -> memref<16x80xi32, #tpu.memory_space<hbm>>
          %dma_wait3A_77 = arith.constant 0 : i32
          %dma_wait3A_78 = tpu.memref_slice %arg5[%mul3A_65, %dma_wait3A_77] : memref<4000x80xi32, #tpu.memory_space<hbm>> -> memref<16x80xi32, #tpu.memory_space<hbm>>
          tpu.wait_dma2 semaphore(%run_scoped3A : memref<!tpu.dma_semaphore, #tpu.memory_space<semaphore_mem>>) src(%dma_wait3A_78 : memref<16x80xi32, #tpu.memory_space<hbm>>) dst(%arg10 : memref<16x80xi32, #tpu.memory_space<vmem>>)
          tpu.yield
        }) : () -> ()
        %scan3A = arith.constant 0 : i32
        %scan3A_66 = arith.constant 0 : i32
        %scan3A_67 = arith.constant 16 : i32
        %scan3A_68 = arith.addi %scan3A_66, %scan3A_67 : i32
        %scan3A_69 = arith.constant 1 : i32
        %scan3A_70 = scf.for %scan3A_73 = %scan3A_66 to %scan3A_68 step %scan3A_69 iter_args(%scan3A_74 = %scan3A) -> (i32)  : i32 {
          %dma_start3A = arith.constant 0 : i32
          %dma_start3A_75 = tpu.memref_slice %arg9[%scan3A_73, %dma_start3A] : memref<16x80xi32, #tpu.memory_space<vmem>> -> memref<1x80xi32, #tpu.memory_space<vmem>>
          %dma_start3A_76 = tpu.memref_squeeze %dma_start3A_75 : memref<1x80xi32, #tpu.memory_space<vmem>> -> memref<80xi32, #tpu.memory_space<vmem>>
          %dma_start3A_77 = arith.constant 0 : i32
          %dma_start3A_78 = arith.constant 0 : i32
          %dma_start3A_79 = tpu.memref_slice %arg3[%dma_start3A_77, %dma_start3A_78] : memref<10000x64xf32, #tpu.memory_space<hbm>> -> memref<10000x64xf32, #tpu.memory_space<hbm>>
          tpu.enqueue_indirect_dma source(%dma_start3A_79 : memref<10000x64xf32, #tpu.memory_space<hbm>>) target(%arg11 : memref<80x64xf32, #tpu.memory_space<vmem>>) offsets(%dma_start3A_76 : memref<80xi32, #tpu.memory_space<vmem>>) semaphore(%arg13 : memref<!tpu.dma_semaphore, #tpu.memory_space<semaphore_mem>>)
          %dma_wait3A = arith.constant 0 : i32
          %dma_wait3A_80 = tpu.memref_slice %arg9[%scan3A_73, %dma_wait3A] : memref<16x80xi32, #tpu.memory_space<vmem>> -> memref<1x80xi32, #tpu.memory_space<vmem>>
          %dma_wait3A_81 = tpu.memref_squeeze %dma_wait3A_80 : memref<1x80xi32, #tpu.memory_space<vmem>> -> memref<80xi32, #tpu.memory_space<vmem>>
          %dma_wait3A_82 = arith.constant 0 : i32
          %dma_wait3A_83 = arith.constant 0 : i32
          %dma_wait3A_84 = tpu.memref_slice %arg3[%dma_wait3A_82, %dma_wait3A_83] : memref<10000x64xf32, #tpu.memory_space<hbm>> -> memref<10000x64xf32, #tpu.memory_space<hbm>>
          tpu.wait_indirect_dma semaphore(%arg13 : memref<!tpu.dma_semaphore, #tpu.memory_space<semaphore_mem>>) src(%dma_wait3A_84 : memref<10000x64xf32, #tpu.memory_space<hbm>>) dst(%arg11 : memref<80x64xf32, #tpu.memory_space<vmem>>)
          "tpu.region"() ({
            %run_scoped3A = tpu.sem_alloc : memref<!tpu.dma_semaphore, #tpu.memory_space<semaphore_mem>>
            %dma_start3A_86 = arith.constant 0 : i32
            %dma_start3A_87 = tpu.memref_slice %arg10[%scan3A_73, %dma_start3A_86] : memref<16x80xi32, #tpu.memory_space<vmem>> -> memref<1x80xi32, #tpu.memory_space<vmem>>
            %dma_start3A_88 = tpu.memref_squeeze %dma_start3A_87 : memref<1x80xi32, #tpu.memory_space<vmem>> -> memref<80xi32, #tpu.memory_space<vmem>>
            %dma_start3A_89 = arith.constant 0 : i32
            %dma_start3A_90 = arith.constant 0 : i32
            %dma_start3A_91 = tpu.memref_slice %arg12[%dma_start3A_89, %dma_start3A_90] : memref<10000x64xf32, #tpu.memory_space<vmem_shared>> -> memref<10000x64xf32, #tpu.memory_space<vmem_shared>>
            tpu.enqueue_indirect_dma source(%arg11 : memref<80x64xf32, #tpu.memory_space<vmem>>) target(%dma_start3A_91 : memref<10000x64xf32, #tpu.memory_space<vmem_shared>>) offsets(%dma_start3A_88 : memref<80xi32, #tpu.memory_space<vmem>>) semaphore(%run_scoped3A : memref<!tpu.dma_semaphore, #tpu.memory_space<semaphore_mem>>) {add = true}
            %dma_wait3A_92 = arith.constant 0 : i32
            %dma_wait3A_93 = tpu.memref_slice %arg10[%scan3A_73, %dma_wait3A_92] : memref<16x80xi32, #tpu.memory_space<vmem>> -> memref<1x80xi32, #tpu.memory_space<vmem>>
            %dma_wait3A_94 = tpu.memref_squeeze %dma_wait3A_93 : memref<1x80xi32, #tpu.memory_space<vmem>> -> memref<80xi32, #tpu.memory_space<vmem>>
            %dma_wait3A_95 = arith.constant 0 : i32
            %dma_wait3A_96 = arith.constant 0 : i32
            %dma_wait3A_97 = tpu.memref_slice %arg12[%dma_wait3A_95, %dma_wait3A_96] : memref<10000x64xf32, #tpu.memory_space<vmem_shared>> -> memref<10000x64xf32, #tpu.memory_space<vmem_shared>>
            tpu.wait_indirect_dma semaphore(%run_scoped3A : memref<!tpu.dma_semaphore, #tpu.memory_space<semaphore_mem>>) src(%arg11 : memref<80x64xf32, #tpu.memory_space<vmem>>) dst(%dma_wait3A_97 : memref<10000x64xf32, #tpu.memory_space<vmem_shared>>)
            tpu.yield
          }) : () -> ()
          %scan3A_85 = arith.constant 0 : i32
          scf.yield %scan3A_85 : i32
        }
        %scan3A_71 = arith.constant 16 : i32
        %while3A_72 = arith.constant 0 : i32
        scf.yield %while3A_72 : i32
      }
      %while3A_58 = arith.constant 1 : i32
      %while3A_59 = scf.for %while3A_60 = %while3A_55 to %while3A_51 step %while3A_58 iter_args(%while3A_61 = %while3A_57) -> (i32)  : i32 {
        %mul3A = arith.constant 16 : i32
        %mul3A_62 = arith.muli %while3A_60, %mul3A : i32
        %add3A_63 = arith.addi %arg1, %mul3A_62 : i32
        %mul3A_64 = arith.constant 16 : i32
        %mul3A_65 = arith.muli %add3A_63, %mul3A_64 : i32
        "tpu.region"() ({
          %run_scoped3A = tpu.sem_alloc : memref<!tpu.dma_semaphore, #tpu.memory_space<semaphore_mem>>
          %dma_start3A = arith.constant 0 : i32
          %dma_start3A_73 = tpu.memref_slice %arg4[%mul3A_65, %dma_start3A] : memref<4000x80xi32, #tpu.memory_space<hbm>> -> memref<16x80xi32, #tpu.memory_space<hbm>>
          %dma_start3A_74 = arith.constant 0 : i32
          %dma_start3A_75 = tpu.memref_slice %arg4[%mul3A_65, %dma_start3A_74] : memref<4000x80xi32, #tpu.memory_space<hbm>> -> memref<16x80xi32, #tpu.memory_space<hbm>>
          tpu.enqueue_dma source(%dma_start3A_75 : memref<16x80xi32, #tpu.memory_space<hbm>>) target(%arg9 : memref<16x80xi32, #tpu.memory_space<vmem>>) target_semaphore(%run_scoped3A : memref<!tpu.dma_semaphore, #tpu.memory_space<semaphore_mem>>)
          %dma_wait3A = arith.constant 0 : i32
          %dma_wait3A_76 = tpu.memref_slice %arg4[%mul3A_65, %dma_wait3A] : memref<4000x80xi32, #tpu.memory_space<hbm>> -> memref<16x80xi32, #tpu.memory_space<hbm>>
          %dma_wait3A_77 = arith.constant 0 : i32
          %dma_wait3A_78 = tpu.memref_slice %arg4[%mul3A_65, %dma_wait3A_77] : memref<4000x80xi32, #tpu.memory_space<hbm>> -> memref<16x80xi32, #tpu.memory_space<hbm>>
          tpu.wait_dma2 semaphore(%run_scoped3A : memref<!tpu.dma_semaphore, #tpu.memory_space<semaphore_mem>>) src(%dma_wait3A_78 : memref<16x80xi32, #tpu.memory_space<hbm>>) dst(%arg9 : memref<16x80xi32, #tpu.memory_space<vmem>>)
          tpu.yield
        }) : () -> ()
        "tpu.region"() ({
          %run_scoped3A = tpu.sem_alloc : memref<!tpu.dma_semaphore, #tpu.memory_space<semaphore_mem>>
          %dma_start3A = arith.constant 0 : i32
          %dma_start3A_73 = tpu.memref_slice %arg5[%mul3A_65, %dma_start3A] : memref<4000x80xi32, #tpu.memory_space<hbm>> -> memref<16x80xi32, #tpu.memory_space<hbm>>
          %dma_start3A_74 = arith.constant 0 : i32
          %dma_start3A_75 = tpu.memref_slice %arg5[%mul3A_65, %dma_start3A_74] : memref<4000x80xi32, #tpu.memory_space<hbm>> -> memref<16x80xi32, #tpu.memory_space<hbm>>
          tpu.enqueue_dma source(%dma_start3A_75 : memref<16x80xi32, #tpu.memory_space<hbm>>) target(%arg10 : memref<16x80xi32, #tpu.memory_space<vmem>>) target_semaphore(%run_scoped3A : memref<!tpu.dma_semaphore, #tpu.memory_space<semaphore_mem>>)
          %dma_wait3A = arith.constant 0 : i32
          %dma_wait3A_76 = tpu.memref_slice %arg5[%mul3A_65, %dma_wait3A] : memref<4000x80xi32, #tpu.memory_space<hbm>> -> memref<16x80xi32, #tpu.memory_space<hbm>>
          %dma_wait3A_77 = arith.constant 0 : i32
          %dma_wait3A_78 = tpu.memref_slice %arg5[%mul3A_65, %dma_wait3A_77] : memref<4000x80xi32, #tpu.memory_space<hbm>> -> memref<16x80xi32, #tpu.memory_space<hbm>>
          tpu.wait_dma2 semaphore(%run_scoped3A : memref<!tpu.dma_semaphore, #tpu.memory_space<semaphore_mem>>) src(%dma_wait3A_78 : memref<16x80xi32, #tpu.memory_space<hbm>>) dst(%arg10 : memref<16x80xi32, #tpu.memory_space<vmem>>)
          tpu.yield
        }) : () -> ()
        %scan3A = arith.constant 0 : i32
        %scan3A_66 = arith.constant 0 : i32
        %scan3A_67 = arith.constant 16 : i32
        %scan3A_68 = arith.addi %scan3A_66, %scan3A_67 : i32
        %scan3A_69 = arith.constant 1 : i32
        %scan3A_70 = scf.for %scan3A_73 = %scan3A_66 to %scan3A_68 step %scan3A_69 iter_args(%scan3A_74 = %scan3A) -> (i32)  : i32 {
          %dma_start3A = arith.constant 0 : i32
          %dma_start3A_75 = tpu.memref_slice %arg9[%scan3A_73, %dma_start3A] : memref<16x80xi32, #tpu.memory_space<vmem>> -> memref<1x80xi32, #tpu.memory_space<vmem>>
          %dma_start3A_76 = tpu.memref_squeeze %dma_start3A_75 : memref<1x80xi32, #tpu.memory_space<vmem>> -> memref<80xi32, #tpu.memory_space<vmem>>
          %dma_start3A_77 = arith.constant 0 : i32
          %dma_start3A_78 = arith.constant 0 : i32
          %dma_start3A_79 = tpu.memref_slice %arg3[%dma_start3A_77, %dma_start3A_78] : memref<10000x64xf32, #tpu.memory_space<hbm>> -> memref<10000x64xf32, #tpu.memory_space<hbm>>
          tpu.enqueue_indirect_dma source(%dma_start3A_79 : memref<10000x64xf32, #tpu.memory_space<hbm>>) target(%arg11 : memref<80x64xf32, #tpu.memory_space<vmem>>) offsets(%dma_start3A_76 : memref<80xi32, #tpu.memory_space<vmem>>) semaphore(%arg13 : memref<!tpu.dma_semaphore, #tpu.memory_space<semaphore_mem>>)
          %dma_wait3A = arith.constant 0 : i32
          %dma_wait3A_80 = tpu.memref_slice %arg9[%scan3A_73, %dma_wait3A] : memref<16x80xi32, #tpu.memory_space<vmem>> -> memref<1x80xi32, #tpu.memory_space<vmem>>
          %dma_wait3A_81 = tpu.memref_squeeze %dma_wait3A_80 : memref<1x80xi32, #tpu.memory_space<vmem>> -> memref<80xi32, #tpu.memory_space<vmem>>
          %dma_wait3A_82 = arith.constant 0 : i32
          %dma_wait3A_83 = arith.constant 0 : i32
          %dma_wait3A_84 = tpu.memref_slice %arg3[%dma_wait3A_82, %dma_wait3A_83] : memref<10000x64xf32, #tpu.memory_space<hbm>> -> memref<10000x64xf32, #tpu.memory_space<hbm>>
          tpu.wait_indirect_dma semaphore(%arg13 : memref<!tpu.dma_semaphore, #tpu.memory_space<semaphore_mem>>) src(%dma_wait3A_84 : memref<10000x64xf32, #tpu.memory_space<hbm>>) dst(%arg11 : memref<80x64xf32, #tpu.memory_space<vmem>>)
          "tpu.region"() ({
            %run_scoped3A = tpu.sem_alloc : memref<!tpu.dma_semaphore, #tpu.memory_space<semaphore_mem>>
            %dma_start3A_86 = arith.constant 0 : i32
            %dma_start3A_87 = tpu.memref_slice %arg10[%scan3A_73, %dma_start3A_86] : memref<16x80xi32, #tpu.memory_space<vmem>> -> memref<1x80xi32, #tpu.memory_space<vmem>>
            %dma_start3A_88 = tpu.memref_squeeze %dma_start3A_87 : memref<1x80xi32, #tpu.memory_space<vmem>> -> memref<80xi32, #tpu.memory_space<vmem>>
            %dma_start3A_89 = arith.constant 0 : i32
            %dma_start3A_90 = arith.constant 0 : i32
            %dma_start3A_91 = tpu.memref_slice %arg12[%dma_start3A_89, %dma_start3A_90] : memref<10000x64xf32, #tpu.memory_space<vmem_shared>> -> memref<10000x64xf32, #tpu.memory_space<vmem_shared>>
            tpu.enqueue_indirect_dma source(%arg11 : memref<80x64xf32, #tpu.memory_space<vmem>>) target(%dma_start3A_91 : memref<10000x64xf32, #tpu.memory_space<vmem_shared>>) offsets(%dma_start3A_88 : memref<80xi32, #tpu.memory_space<vmem>>) semaphore(%run_scoped3A : memref<!tpu.dma_semaphore, #tpu.memory_space<semaphore_mem>>) {add = true}
            %dma_wait3A_92 = arith.constant 0 : i32
            %dma_wait3A_93 = tpu.memref_slice %arg10[%scan3A_73, %dma_wait3A_92] : memref<16x80xi32, #tpu.memory_space<vmem>> -> memref<1x80xi32, #tpu.memory_space<vmem>>
            %dma_wait3A_94 = tpu.memref_squeeze %dma_wait3A_93 : memref<1x80xi32, #tpu.memory_space<vmem>> -> memref<80xi32, #tpu.memory_space<vmem>>
            %dma_wait3A_95 = arith.constant 0 : i32
            %dma_wait3A_96 = arith.constant 0 : i32
            %dma_wait3A_97 = tpu.memref_slice %arg12[%dma_wait3A_95, %dma_wait3A_96] : memref<10000x64xf32, #tpu.memory_space<vmem_shared>> -> memref<10000x64xf32, #tpu.memory_space<vmem_shared>>
            tpu.wait_indirect_dma semaphore(%run_scoped3A : memref<!tpu.dma_semaphore, #tpu.memory_space<semaphore_mem>>) src(%arg11 : memref<80x64xf32, #tpu.memory_space<vmem>>) dst(%dma_wait3A_97 : memref<10000x64xf32, #tpu.memory_space<vmem_shared>>)
            tpu.yield
          }) : () -> ()
          %scan3A_85 = arith.constant 0 : i32
          scf.yield %scan3A_85 : i32
        }
        %scan3A_71 = arith.constant 16 : i32
        %while3A_72 = arith.constant 0 : i32
        scf.yield %while3A_72 : i32
      }
    } else {
    }
    %barrier3A_32 = arith.constant 0 : index
    tpu.barrier barrier_id(%barrier3A_32)
    %eq3A_33 = arith.constant 0 : i32
    %eq3A_34 = arith.cmpi eq, %arg0, %eq3A_33 : i32
    %lt3A_35 = arith.constant 10 : i32
    %lt3A_36 = arith.cmpi slt, %arg1, %lt3A_35 : i32
    %and3A_37 = arith.andi %eq3A_34, %lt3A_36 : i1
    %convert_element_type3A_38 = arith.extui %and3A_37 : i1 to i32
    %cond3A_39 = arith.constant 0 : i32
    %cond3A_40 = arith.cmpi ne, %convert_element_type3A_38, %cond3A_39 : i32
    scf.if %cond3A_40 {
      %mul3A = arith.constant 1000 : i32
      %mul3A_49 = arith.muli %arg1, %mul3A : i32
      %mul3A_50 = arith.constant 1000 : i32
      %mul3A_51 = arith.muli %arg1, %mul3A_50 : i32
      "tpu.region"() ({
        %run_scoped3A = tpu.sem_alloc : memref<!tpu.dma_semaphore, #tpu.memory_space<semaphore_mem>>
        %dma_start3A = arith.constant 0 : i32
        %dma_start3A_52 = tpu.memref_slice %arg7[%mul3A_51, %dma_start3A] : memref<10000x64xf32, #tpu.memory_space<hbm>> -> memref<1000x64xf32, #tpu.memory_space<hbm>>
        %dma_start3A_53 = arith.constant 0 : i32
        %dma_start3A_54 = tpu.memref_slice %arg12[%mul3A_49, %dma_start3A_53] : memref<10000x64xf32, #tpu.memory_space<vmem_shared>> -> memref<1000x64xf32, #tpu.memory_space<vmem_shared>>
        tpu.enqueue_dma source(%dma_start3A_54 : memref<1000x64xf32, #tpu.memory_space<vmem_shared>>) target(%dma_start3A_52 : memref<1000x64xf32, #tpu.memory_space<hbm>>) target_semaphore(%run_scoped3A : memref<!tpu.dma_semaphore, #tpu.memory_space<semaphore_mem>>)
        %dma_wait3A = arith.constant 0 : i32
        %dma_wait3A_55 = tpu.memref_slice %arg7[%mul3A_51, %dma_wait3A] : memref<10000x64xf32, #tpu.memory_space<hbm>> -> memref<1000x64xf32, #tpu.memory_space<hbm>>
        %dma_wait3A_56 = arith.constant 0 : i32
        %dma_wait3A_57 = tpu.memref_slice %arg12[%mul3A_49, %dma_wait3A_56] : memref<10000x64xf32, #tpu.memory_space<vmem_shared>> -> memref<1000x64xf32, #tpu.memory_space<vmem_shared>>
        tpu.wait_dma2 semaphore(%run_scoped3A : memref<!tpu.dma_semaphore, #tpu.memory_space<semaphore_mem>>) src(%dma_wait3A_57 : memref<1000x64xf32, #tpu.memory_space<vmem_shared>>) dst(%dma_wait3A_55 : memref<1000x64xf32, #tpu.memory_space<hbm>>)
        tpu.yield
      }) : () -> ()
    } else {
    }
    %eq3A_41 = arith.constant 1 : i32
    %eq3A_42 = arith.cmpi eq, %arg0, %eq3A_41 : i32
    %lt3A_43 = arith.constant 10 : i32
    %lt3A_44 = arith.cmpi slt, %arg1, %lt3A_43 : i32
    %and3A_45 = arith.andi %eq3A_42, %lt3A_44 : i1
    %convert_element_type3A_46 = arith.extui %and3A_45 : i1 to i32
    %cond3A_47 = arith.constant 0 : i32
    %cond3A_48 = arith.cmpi ne, %convert_element_type3A_46, %cond3A_47 : i32
    scf.if %cond3A_48 {
      %mul3A = arith.constant 1000 : i32
      %mul3A_49 = arith.muli %arg1, %mul3A : i32
      %mul3A_50 = arith.constant 1000 : i32
      %mul3A_51 = arith.muli %arg1, %mul3A_50 : i32
      "tpu.region"() ({
        %run_scoped3A = tpu.sem_alloc : memref<!tpu.dma_semaphore, #tpu.memory_space<semaphore_mem>>
        %dma_start3A = arith.constant 0 : i32
        %dma_start3A_52 = tpu.memref_slice %arg8[%mul3A_51, %dma_start3A] : memref<10000x64xf32, #tpu.memory_space<hbm>> -> memref<1000x64xf32, #tpu.memory_space<hbm>>
        %dma_start3A_53 = arith.constant 0 : i32
        %dma_start3A_54 = tpu.memref_slice %arg12[%mul3A_49, %dma_start3A_53] : memref<10000x64xf32, #tpu.memory_space<vmem_shared>> -> memref<1000x64xf32, #tpu.memory_space<vmem_shared>>
        tpu.enqueue_dma source(%dma_start3A_54 : memref<1000x64xf32, #tpu.memory_space<vmem_shared>>) target(%dma_start3A_52 : memref<1000x64xf32, #tpu.memory_space<hbm>>) target_semaphore(%run_scoped3A : memref<!tpu.dma_semaphore, #tpu.memory_space<semaphore_mem>>)
        %dma_wait3A = arith.constant 0 : i32
        %dma_wait3A_55 = tpu.memref_slice %arg8[%mul3A_51, %dma_wait3A] : memref<10000x64xf32, #tpu.memory_space<hbm>> -> memref<1000x64xf32, #tpu.memory_space<hbm>>
        %dma_wait3A_56 = arith.constant 0 : i32
        %dma_wait3A_57 = tpu.memref_slice %arg12[%mul3A_49, %dma_wait3A_56] : memref<10000x64xf32, #tpu.memory_space<vmem_shared>> -> memref<1000x64xf32, #tpu.memory_space<vmem_shared>>
        tpu.wait_dma2 semaphore(%run_scoped3A : memref<!tpu.dma_semaphore, #tpu.memory_space<semaphore_mem>>) src(%dma_wait3A_57 : memref<1000x64xf32, #tpu.memory_space<vmem_shared>>) dst(%dma_wait3A_55 : memref<1000x64xf32, #tpu.memory_space<hbm>>)
        tpu.yield
      }) : () -> ()
    } else {
    }
    return
  }
}

module attributes {stable_mosaic.version = 14 : i64} {
  func.func @body(%arg0: memref<10000x128xf32, #tpu.memory_space<vmem>>, %arg1: memref<2x10000xf32, #tpu.memory_space<vmem>>, %arg2: memref<2x10000xf32, #tpu.memory_space<vmem>>, %arg3: memref<10000x64xf32, #tpu.memory_space<vmem>>, %arg4: memref<10000x64xf32, #tpu.memory_space<vmem>>, %arg5: memref<10000x1xf32, #tpu.memory_space<vmem>>, %arg6: memref<10000x1xf32, #tpu.memory_space<vmem>>) attributes {dimension_semantics = [], scalar_prefetch = 0 : i64, scratch_operands = 0 : i64, tpu.core_type = #tpu.core_type<tc>} {
    %get3A = arith.constant 0 : index
    %get3A_0 = arith.constant 0 : index
    %get3A_1 = vector.load %arg1[%get3A, %get3A_0] : memref<2x10000xf32, #tpu.memory_space<vmem>>, vector<1x10000xf32>
    %get3A_2 = vector.shape_cast %get3A_1 : vector<1x10000xf32> to vector<10000xf32>
    %get3A_3 = arith.constant 1 : index
    %get3A_4 = arith.constant 0 : index
    %get3A_5 = vector.load %arg1[%get3A_3, %get3A_4] : memref<2x10000xf32, #tpu.memory_space<vmem>>, vector<1x10000xf32>
    %get3A_6 = vector.shape_cast %get3A_5 : vector<1x10000xf32> to vector<10000xf32>
    %add3A = arith.addf %get3A_2, %get3A_6 : vector<10000xf32>
    %max3A = arith.constant 1.000000e+00 : f32
    %max3A_7 = vector.broadcast %max3A : f32 to vector<10000xf32>
    %max3A_8 = arith.maximumf %add3A, %max3A_7 : vector<10000xf32>
    %get3A_9 = arith.constant 0 : index
    %get3A_10 = arith.constant 0 : index
    %get3A_11 = vector.load %arg2[%get3A_9, %get3A_10] : memref<2x10000xf32, #tpu.memory_space<vmem>>, vector<1x10000xf32>
    %get3A_12 = vector.shape_cast %get3A_11 : vector<1x10000xf32> to vector<10000xf32>
    %get3A_13 = arith.constant 1 : index
    %get3A_14 = arith.constant 0 : index
    %get3A_15 = vector.load %arg2[%get3A_13, %get3A_14] : memref<2x10000xf32, #tpu.memory_space<vmem>>, vector<1x10000xf32>
    %get3A_16 = vector.shape_cast %get3A_15 : vector<1x10000xf32> to vector<10000xf32>
    %add3A_17 = arith.addf %get3A_12, %get3A_16 : vector<10000xf32>
    %max3A_18 = arith.constant 1.000000e+00 : f32
    %max3A_19 = vector.broadcast %max3A_18 : f32 to vector<10000xf32>
    %max3A_20 = arith.maximumf %add3A_17, %max3A_19 : vector<10000xf32>
    %rsqrt3A = math.rsqrt %max3A_8 : vector<10000xf32>
    %reshape3A = vector.shape_cast %rsqrt3A : vector<10000xf32> to vector<10000x1xf32>
    %rsqrt3A_21 = math.rsqrt %max3A_20 : vector<10000xf32>
    %reshape3A_22 = vector.shape_cast %rsqrt3A_21 : vector<10000xf32> to vector<10000x1xf32>
    %swap3A = arith.constant 0 : index
    %swap3A_23 = arith.constant 0 : index
    %swap3A_24 = vector.load %arg5[%swap3A, %swap3A_23] : memref<10000x1xf32, #tpu.memory_space<vmem>>, vector<10000x1xf32>
    tpu.vector_store %arg5[%swap3A, %swap3A_23], %reshape3A {strides = array<i32>} : memref<10000x1xf32, #tpu.memory_space<vmem>>, vector<10000x1xf32>,
    %swap3A_25 = arith.constant 0 : index
    %swap3A_26 = arith.constant 0 : index
    %swap3A_27 = vector.load %arg6[%swap3A_25, %swap3A_26] : memref<10000x1xf32, #tpu.memory_space<vmem>>, vector<10000x1xf32>
    tpu.vector_store %arg6[%swap3A_25, %swap3A_26], %reshape3A_22 {strides = array<i32>} : memref<10000x1xf32, #tpu.memory_space<vmem>>, vector<10000x1xf32>,
    %get3A_28 = arith.constant 0 : index
    %get3A_29 = arith.constant 0 : index
    %get3A_30 = vector.load %arg0[%get3A_28, %get3A_29] : memref<10000x128xf32, #tpu.memory_space<vmem>>, vector<10000x128xf32>
    %mul3A = vector.broadcast %reshape3A : vector<10000x1xf32> to vector<10000x128xf32>
    %mul3A_31 = arith.mulf %get3A_30, %mul3A : vector<10000x128xf32>
    %slice3A = vector.extract_strided_slice %mul3A_31 {offsets = [0, 0], sizes = [10000, 64], strides = [1, 1]} : vector<10000x128xf32> to vector<10000x64xf32>
    %swap3A_32 = arith.constant 0 : index
    %swap3A_33 = arith.constant 0 : index
    %swap3A_34 = vector.load %arg3[%swap3A_32, %swap3A_33] : memref<10000x64xf32, #tpu.memory_space<vmem>>, vector<10000x64xf32>
    tpu.vector_store %arg3[%swap3A_32, %swap3A_33], %slice3A {strides = array<i32>} : memref<10000x64xf32, #tpu.memory_space<vmem>>, vector<10000x64xf32>,
    %slice3A_35 = vector.extract_strided_slice %mul3A_31 {offsets = [0, 64], sizes = [10000, 64], strides = [1, 1]} : vector<10000x128xf32> to vector<10000x64xf32>
    %swap3A_36 = arith.constant 0 : index
    %swap3A_37 = arith.constant 0 : index
    %swap3A_38 = vector.load %arg4[%swap3A_36, %swap3A_37] : memref<10000x64xf32, #tpu.memory_space<vmem>>, vector<10000x64xf32>
    tpu.vector_store %arg4[%swap3A_36, %swap3A_37], %slice3A_35 {strides = array<i32>} : memref<10000x64xf32, #tpu.memory_space<vmem>>, vector<10000x64xf32>,
    return
  }
}

module attributes {stable_mosaic.version = 14 : i64} {
  func.func @body(%arg0: memref<10000x64xf32, #tpu.memory_space<vmem>>, %arg1: memref<10000x64xf32, #tpu.memory_space<vmem>>, %arg2: memref<10000x1xf32, #tpu.memory_space<vmem>>, %arg3: memref<10000x1xf32, #tpu.memory_space<vmem>>, %arg4: memref<128x256xf32, #tpu.memory_space<vmem>>, %arg5: memref<1x256xf32, #tpu.memory_space<vmem>>, %arg6: memref<1x256xf32, #tpu.memory_space<vmem>>, %arg7: memref<1x256xf32, #tpu.memory_space<vmem>>, %arg8: memref<256x256xf32, #tpu.memory_space<vmem>>, %arg9: memref<10000x128xf32, #tpu.memory_space<vmem>>, %arg10: memref<10000x128xf32, #tpu.memory_space<vmem>>) attributes {dimension_semantics = [], scalar_prefetch = 0 : i64, scratch_operands = 0 : i64, tpu.core_type = #tpu.core_type<tc>} {
    %get3A = arith.constant 0 : index
    %get3A_0 = arith.constant 0 : index
    %get3A_1 = vector.load %arg0[%get3A, %get3A_0] : memref<10000x64xf32, #tpu.memory_space<vmem>>, vector<10000x64xf32>
    %get3A_2 = arith.constant 0 : index
    %get3A_3 = arith.constant 0 : index
    %get3A_4 = vector.load %arg1[%get3A_2, %get3A_3] : memref<10000x64xf32, #tpu.memory_space<vmem>>, vector<10000x64xf32>
    %concatenate3A = tpu.concatenate %get3A_1, %get3A_4 in 1 : vector<10000x64xf32>, vector<10000x64xf32> -> vector<10000x128xf32>
    %get3A_5 = arith.constant 0 : index
    %get3A_6 = arith.constant 0 : index
    %get3A_7 = vector.load %arg4[%get3A_5, %get3A_6] : memref<128x256xf32, #tpu.memory_space<vmem>>, vector<128x256xf32>
    %dot_general3A = arith.constant dense<0.000000e+00> : vector<10000x256xf32>
    %dot_general3A_8 = tpu.matmul %concatenate3A, %get3A_7, %dot_general3A {dimension_numbers = #tpu.dot_dimension_numbers<[1], [0], [0], [1], [0, 0, 1, 1], [], []>, transpose_lhs_hint = false} : vector<10000x128xf32>, vector<128x256xf32>, vector<10000x256xf32> -> vector<10000x256xf32>
    %get3A_9 = arith.constant 0 : index
    %get3A_10 = arith.constant 0 : index
    %get3A_11 = vector.load %arg2[%get3A_9, %get3A_10] : memref<10000x1xf32, #tpu.memory_space<vmem>>, vector<10000x1xf32>
    %mul3A = vector.broadcast %get3A_11 : vector<10000x1xf32> to vector<10000x256xf32>
    %mul3A_12 = arith.mulf %dot_general3A_8, %mul3A : vector<10000x256xf32>
    %get3A_13 = arith.constant 0 : index
    %get3A_14 = arith.constant 0 : index
    %get3A_15 = vector.load %arg5[%get3A_13, %get3A_14] : memref<1x256xf32, #tpu.memory_space<vmem>>, vector<1x256xf32>
    %add3A = vector.broadcast %get3A_15 : vector<1x256xf32> to vector<10000x256xf32>
    %add3A_16 = arith.addf %mul3A_12, %add3A : vector<10000x256xf32>
    %reduce_sum3A = arith.constant dense<0.000000e+00> : vector<256xf32>
    %reduce_sum3A_17 = vector.multi_reduction <add>, %add3A_16, %reduce_sum3A [0] : vector<10000x256xf32> to vector<256xf32>
    %broadcast_in_dim3A = vector.shape_cast %reduce_sum3A_17 : vector<256xf32> to vector<1x256xf32>
    %div3A = arith.constant 1.000000e+04 : f32
    %div3A_18 = vector.broadcast %div3A : f32 to vector<1x256xf32>
    %div3A_19 = arith.divf %broadcast_in_dim3A, %div3A_18 : vector<1x256xf32>
    %sub3A = vector.broadcast %div3A_19 : vector<1x256xf32> to vector<10000x256xf32>
    %sub3A_20 = arith.subf %add3A_16, %sub3A : vector<10000x256xf32>
    %integer_pow3A = arith.mulf %sub3A_20, %sub3A_20 : vector<10000x256xf32>
    %reduce_sum3A_21 = arith.constant dense<0.000000e+00> : vector<256xf32>
    %reduce_sum3A_22 = vector.multi_reduction <add>, %integer_pow3A, %reduce_sum3A_21 [0] : vector<10000x256xf32> to vector<256xf32>
    %broadcast_in_dim3A_23 = vector.shape_cast %reduce_sum3A_22 : vector<256xf32> to vector<1x256xf32>
    %div3A_24 = arith.constant 1.000000e+04 : f32
    %div3A_25 = vector.broadcast %div3A_24 : f32 to vector<1x256xf32>
    %div3A_26 = arith.divf %broadcast_in_dim3A_23, %div3A_25 : vector<1x256xf32>
    %sub3A_27 = vector.broadcast %div3A_19 : vector<1x256xf32> to vector<10000x256xf32>
    %sub3A_28 = arith.subf %add3A_16, %sub3A_27 : vector<10000x256xf32>
    %add3A_29 = arith.constant 9.99999974E-6 : f32
    %add3A_30 = vector.broadcast %add3A_29 : f32 to vector<1x256xf32>
    %add3A_31 = arith.addf %div3A_26, %add3A_30 : vector<1x256xf32>
    %rsqrt3A = math.rsqrt %add3A_31 : vector<1x256xf32>
    %mul3A_32 = vector.broadcast %rsqrt3A : vector<1x256xf32> to vector<10000x256xf32>
    %mul3A_33 = arith.mulf %sub3A_28, %mul3A_32 : vector<10000x256xf32>
    %get3A_34 = arith.constant 0 : index
    %get3A_35 = arith.constant 0 : index
    %get3A_36 = vector.load %arg6[%get3A_34, %get3A_35] : memref<1x256xf32, #tpu.memory_space<vmem>>, vector<1x256xf32>
    %mul3A_37 = vector.broadcast %get3A_36 : vector<1x256xf32> to vector<10000x256xf32>
    %mul3A_38 = arith.mulf %mul3A_33, %mul3A_37 : vector<10000x256xf32>
    %get3A_39 = arith.constant 0 : index
    %get3A_40 = arith.constant 0 : index
    %get3A_41 = vector.load %arg7[%get3A_39, %get3A_40] : memref<1x256xf32, #tpu.memory_space<vmem>>, vector<1x256xf32>
    %add3A_42 = vector.broadcast %get3A_41 : vector<1x256xf32> to vector<10000x256xf32>
    %add3A_43 = arith.addf %mul3A_38, %add3A_42 : vector<10000x256xf32>
    %max3A = arith.constant 0.000000e+00 : f32
    %max3A_44 = vector.broadcast %max3A : f32 to vector<10000x256xf32>
    %max3A_45 = arith.maximumf %add3A_43, %max3A_44 : vector<10000x256xf32>
    %get3A_46 = arith.constant 0 : index
    %get3A_47 = arith.constant 0 : index
    %get3A_48 = vector.load %arg3[%get3A_46, %get3A_47] : memref<10000x1xf32, #tpu.memory_space<vmem>>, vector<10000x1xf32>
    %mul3A_49 = vector.broadcast %get3A_48 : vector<10000x1xf32> to vector<10000x256xf32>
    %mul3A_50 = arith.mulf %max3A_45, %mul3A_49 : vector<10000x256xf32>
    %get3A_51 = arith.constant 0 : index
    %get3A_52 = arith.constant 0 : index
    %get3A_53 = vector.load %arg8[%get3A_51, %get3A_52] : memref<256x256xf32, #tpu.memory_space<vmem>>, vector<256x256xf32>
    %dot_general3A_54 = arith.constant dense<0.000000e+00> : vector<10000x256xf32>
    %dot_general3A_55 = tpu.matmul %mul3A_50, %get3A_53, %dot_general3A_54 {dimension_numbers = #tpu.dot_dimension_numbers<[1], [0], [0], [1], [0, 0, 1, 1], [], []>, transpose_lhs_hint = false} : vector<10000x256xf32>, vector<256x256xf32>, vector<10000x256xf32> -> vector<10000x256xf32>
    %slice3A = vector.extract_strided_slice %dot_general3A_55 {offsets = [0, 0], sizes = [10000, 128], strides = [1, 1]} : vector<10000x256xf32> to vector<10000x128xf32>
    %swap3A = arith.constant 0 : index
    %swap3A_56 = arith.constant 0 : index
    %swap3A_57 = vector.load %arg9[%swap3A, %swap3A_56] : memref<10000x128xf32, #tpu.memory_space<vmem>>, vector<10000x128xf32>
    tpu.vector_store %arg9[%swap3A, %swap3A_56], %slice3A {strides = array<i32>} : memref<10000x128xf32, #tpu.memory_space<vmem>>, vector<10000x128xf32>,
    %slice3A_58 = vector.extract_strided_slice %dot_general3A_55 {offsets = [0, 128], sizes = [10000, 128], strides = [1, 1]} : vector<10000x256xf32> to vector<10000x128xf32>
    %swap3A_59 = arith.constant 0 : index
    %swap3A_60 = arith.constant 0 : index
    %swap3A_61 = vector.load %arg10[%swap3A_59, %swap3A_60] : memref<10000x128xf32, #tpu.memory_space<vmem>>, vector<10000x128xf32>
    tpu.vector_store %arg10[%swap3A_59, %swap3A_60], %slice3A_58 {strides = array<i32>} : memref<10000x128xf32, #tpu.memory_space<vmem>>, vector<10000x128xf32>,
    return
  }
}

module attributes {stable_mosaic.version = 14 : i64} {
  func.func @body(%arg0: memref<10000x128xf32, #tpu.memory_space<vmem>>, %arg1: memref<10000x128xf32, #tpu.memory_space<vmem>>, %arg2: memref<10000x1xf32, #tpu.memory_space<vmem>>, %arg3: memref<10000x1xf32, #tpu.memory_space<vmem>>, %arg4: memref<1x256xf32, #tpu.memory_space<vmem>>, %arg5: memref<1x256xf32, #tpu.memory_space<vmem>>, %arg6: memref<1x256xf32, #tpu.memory_space<vmem>>, %arg7: memref<256x64xf32, #tpu.memory_space<vmem>>, %arg8: memref<10000x32xf32, #tpu.memory_space<vmem>>, %arg9: memref<10000x32xf32, #tpu.memory_space<vmem>>) attributes {dimension_semantics = [], scalar_prefetch = 0 : i64, scratch_operands = 0 : i64, tpu.core_type = #tpu.core_type<tc>} {
    %get3A = arith.constant 0 : index
    %get3A_0 = arith.constant 0 : index
    %get3A_1 = vector.load %arg0[%get3A, %get3A_0] : memref<10000x128xf32, #tpu.memory_space<vmem>>, vector<10000x128xf32>
    %get3A_2 = arith.constant 0 : index
    %get3A_3 = arith.constant 0 : index
    %get3A_4 = vector.load %arg1[%get3A_2, %get3A_3] : memref<10000x128xf32, #tpu.memory_space<vmem>>, vector<10000x128xf32>
    %concatenate3A = tpu.concatenate %get3A_1, %get3A_4 in 1 : vector<10000x128xf32>, vector<10000x128xf32> -> vector<10000x256xf32>
    %get3A_5 = arith.constant 0 : index
    %get3A_6 = arith.constant 0 : index
    %get3A_7 = vector.load %arg2[%get3A_5, %get3A_6] : memref<10000x1xf32, #tpu.memory_space<vmem>>, vector<10000x1xf32>
    %mul3A = vector.broadcast %get3A_7 : vector<10000x1xf32> to vector<10000x256xf32>
    %mul3A_8 = arith.mulf %concatenate3A, %mul3A : vector<10000x256xf32>
    %get3A_9 = arith.constant 0 : index
    %get3A_10 = arith.constant 0 : index
    %get3A_11 = vector.load %arg4[%get3A_9, %get3A_10] : memref<1x256xf32, #tpu.memory_space<vmem>>, vector<1x256xf32>
    %add3A = vector.broadcast %get3A_11 : vector<1x256xf32> to vector<10000x256xf32>
    %add3A_12 = arith.addf %mul3A_8, %add3A : vector<10000x256xf32>
    %reduce_sum3A = arith.constant dense<0.000000e+00> : vector<256xf32>
    %reduce_sum3A_13 = vector.multi_reduction <add>, %add3A_12, %reduce_sum3A [0] : vector<10000x256xf32> to vector<256xf32>
    %broadcast_in_dim3A = vector.shape_cast %reduce_sum3A_13 : vector<256xf32> to vector<1x256xf32>
    %div3A = arith.constant 1.000000e+04 : f32
    %div3A_14 = vector.broadcast %div3A : f32 to vector<1x256xf32>
    %div3A_15 = arith.divf %broadcast_in_dim3A, %div3A_14 : vector<1x256xf32>
    %sub3A = vector.broadcast %div3A_15 : vector<1x256xf32> to vector<10000x256xf32>
    %sub3A_16 = arith.subf %add3A_12, %sub3A : vector<10000x256xf32>
    %integer_pow3A = arith.mulf %sub3A_16, %sub3A_16 : vector<10000x256xf32>
    %reduce_sum3A_17 = arith.constant dense<0.000000e+00> : vector<256xf32>
    %reduce_sum3A_18 = vector.multi_reduction <add>, %integer_pow3A, %reduce_sum3A_17 [0] : vector<10000x256xf32> to vector<256xf32>
    %broadcast_in_dim3A_19 = vector.shape_cast %reduce_sum3A_18 : vector<256xf32> to vector<1x256xf32>
    %div3A_20 = arith.constant 1.000000e+04 : f32
    %div3A_21 = vector.broadcast %div3A_20 : f32 to vector<1x256xf32>
    %div3A_22 = arith.divf %broadcast_in_dim3A_19, %div3A_21 : vector<1x256xf32>
    %sub3A_23 = vector.broadcast %div3A_15 : vector<1x256xf32> to vector<10000x256xf32>
    %sub3A_24 = arith.subf %add3A_12, %sub3A_23 : vector<10000x256xf32>
    %add3A_25 = arith.constant 9.99999974E-6 : f32
    %add3A_26 = vector.broadcast %add3A_25 : f32 to vector<1x256xf32>
    %add3A_27 = arith.addf %div3A_22, %add3A_26 : vector<1x256xf32>
    %rsqrt3A = math.rsqrt %add3A_27 : vector<1x256xf32>
    %mul3A_28 = vector.broadcast %rsqrt3A : vector<1x256xf32> to vector<10000x256xf32>
    %mul3A_29 = arith.mulf %sub3A_24, %mul3A_28 : vector<10000x256xf32>
    %get3A_30 = arith.constant 0 : index
    %get3A_31 = arith.constant 0 : index
    %get3A_32 = vector.load %arg5[%get3A_30, %get3A_31] : memref<1x256xf32, #tpu.memory_space<vmem>>, vector<1x256xf32>
    %mul3A_33 = vector.broadcast %get3A_32 : vector<1x256xf32> to vector<10000x256xf32>
    %mul3A_34 = arith.mulf %mul3A_29, %mul3A_33 : vector<10000x256xf32>
    %get3A_35 = arith.constant 0 : index
    %get3A_36 = arith.constant 0 : index
    %get3A_37 = vector.load %arg6[%get3A_35, %get3A_36] : memref<1x256xf32, #tpu.memory_space<vmem>>, vector<1x256xf32>
    %add3A_38 = vector.broadcast %get3A_37 : vector<1x256xf32> to vector<10000x256xf32>
    %add3A_39 = arith.addf %mul3A_34, %add3A_38 : vector<10000x256xf32>
    %max3A = arith.constant 0.000000e+00 : f32
    %max3A_40 = vector.broadcast %max3A : f32 to vector<10000x256xf32>
    %max3A_41 = arith.maximumf %add3A_39, %max3A_40 : vector<10000x256xf32>
    %get3A_42 = arith.constant 0 : index
    %get3A_43 = arith.constant 0 : index
    %get3A_44 = vector.load %arg3[%get3A_42, %get3A_43] : memref<10000x1xf32, #tpu.memory_space<vmem>>, vector<10000x1xf32>
    %mul3A_45 = vector.broadcast %get3A_44 : vector<10000x1xf32> to vector<10000x256xf32>
    %mul3A_46 = arith.mulf %max3A_41, %mul3A_45 : vector<10000x256xf32>
    %get3A_47 = arith.constant 0 : index
    %get3A_48 = arith.constant 0 : index
    %get3A_49 = vector.load %arg7[%get3A_47, %get3A_48] : memref<256x64xf32, #tpu.memory_space<vmem>>, vector<256x64xf32>
    %dot_general3A = arith.constant dense<0.000000e+00> : vector<10000x64xf32>
    %dot_general3A_50 = tpu.matmul %mul3A_46, %get3A_49, %dot_general3A {dimension_numbers = #tpu.dot_dimension_numbers<[1], [0], [0], [1], [0, 0, 1, 1], [], []>, transpose_lhs_hint = false} : vector<10000x256xf32>, vector<256x64xf32>, vector<10000x64xf32> -> vector<10000x64xf32>
    %slice3A = vector.extract_strided_slice %dot_general3A_50 {offsets = [0, 0], sizes = [10000, 32], strides = [1, 1]} : vector<10000x64xf32> to vector<10000x32xf32>
    %swap3A = arith.constant 0 : index
    %swap3A_51 = arith.constant 0 : index
    %swap3A_52 = vector.load %arg8[%swap3A, %swap3A_51] : memref<10000x32xf32, #tpu.memory_space<vmem>>, vector<10000x32xf32>
    tpu.vector_store %arg8[%swap3A, %swap3A_51], %slice3A {strides = array<i32>} : memref<10000x32xf32, #tpu.memory_space<vmem>>, vector<10000x32xf32>,
    %slice3A_53 = vector.extract_strided_slice %dot_general3A_50 {offsets = [0, 32], sizes = [10000, 32], strides = [1, 1]} : vector<10000x64xf32> to vector<10000x32xf32>
    %swap3A_54 = arith.constant 0 : index
    %swap3A_55 = arith.constant 0 : index
    %swap3A_56 = vector.load %arg9[%swap3A_54, %swap3A_55] : memref<10000x32xf32, #tpu.memory_space<vmem>>, vector<10000x32xf32>
    tpu.vector_store %arg9[%swap3A_54, %swap3A_55], %slice3A_53 {strides = array<i32>} : memref<10000x32xf32, #tpu.memory_space<vmem>>, vector<10000x32xf32>,
    return
  }
}

module attributes {stable_mosaic.version = 14 : i64} {
  func.func @body(%arg0: memref<10000x32xf32, #tpu.memory_space<vmem>>, %arg1: memref<10000x32xf32, #tpu.memory_space<vmem>>, %arg2: memref<10000x1xf32, #tpu.memory_space<vmem>>, %arg3: memref<1x64xf32, #tpu.memory_space<vmem>>, %arg4: memref<10000x64xf32, #tpu.memory_space<vmem>>) attributes {dimension_semantics = [], scalar_prefetch = 0 : i64, scratch_operands = 0 : i64, tpu.core_type = #tpu.core_type<tc>} {
    %get3A = arith.constant 0 : index
    %get3A_0 = arith.constant 0 : index
    %get3A_1 = vector.load %arg0[%get3A, %get3A_0] : memref<10000x32xf32, #tpu.memory_space<vmem>>, vector<10000x32xf32>
    %get3A_2 = arith.constant 0 : index
    %get3A_3 = arith.constant 0 : index
    %get3A_4 = vector.load %arg1[%get3A_2, %get3A_3] : memref<10000x32xf32, #tpu.memory_space<vmem>>, vector<10000x32xf32>
    %concatenate3A = tpu.concatenate %get3A_1, %get3A_4 in 1 : vector<10000x32xf32>, vector<10000x32xf32> -> vector<10000x64xf32>
    %get3A_5 = arith.constant 0 : index
    %get3A_6 = arith.constant 0 : index
    %get3A_7 = vector.load %arg2[%get3A_5, %get3A_6] : memref<10000x1xf32, #tpu.memory_space<vmem>>, vector<10000x1xf32>
    %mul3A = vector.broadcast %get3A_7 : vector<10000x1xf32> to vector<10000x64xf32>
    %mul3A_8 = arith.mulf %concatenate3A, %mul3A : vector<10000x64xf32>
    %get3A_9 = arith.constant 0 : index
    %get3A_10 = arith.constant 0 : index
    %get3A_11 = vector.load %arg3[%get3A_9, %get3A_10] : memref<1x64xf32, #tpu.memory_space<vmem>>, vector<1x64xf32>
    %add3A = vector.broadcast %get3A_11 : vector<1x64xf32> to vector<10000x64xf32>
    %add3A_12 = arith.addf %mul3A_8, %add3A : vector<10000x64xf32>
    %swap3A = arith.constant 0 : index
    %swap3A_13 = arith.constant 0 : index
    %swap3A_14 = vector.load %arg4[%swap3A, %swap3A_13] : memref<10000x64xf32, #tpu.memory_space<vmem>>, vector<10000x64xf32>
    tpu.vector_store %arg4[%swap3A, %swap3A_13], %add3A_12 {strides = array<i32>} : memref<10000x64xf32, #tpu.memory_space<vmem>>, vector<10000x64xf32>,
    return
  }
}

</mosaic_0001>

<sc_bundles>
// kernel: kernel.10.cloned.1.call-start
scs
__scs_entry_jumppad:
0x0: {  	(pc) =	sbr.rel $0x88, $3  }
0x1: {  	(tag) =	ssettag $0x0;
	lr =	simm.s32 $0x1  }
0x2: {  	[smem:$0x3F95] =	sst lr;
	_ =	strace $0xD0000000  }
0x3: {  	_ = 	snop  }
0x4: {  	_ = 	snop  }
0x5: {  	_ = 	snop  }
0x6: {  	_ = 	snop  }
0x7: {  	_ = 	snop  }
__scs_overlays_trampoline_lowered:
0x8: {  	[smem:$0x3FA4] =	sst s0  }
0x9: {  	[smem:$0x3FA5] =	sst s1  }
0xa: {  	[smem:$0x3FA6] =	sst s2  }
0xb: {  	[smem:$0x3FA7] =	sst s3  }
0xc: {  	[smem:$0x3FA8] =	sst s4  }
0xd: {  	[smem:$0x3FA9] =	sst s5  }
0xe: {  	[smem:$0x3FAA] =	sst s6  }
0xf: {  	[smem:$0x3FAB] =	sst s7  }
0x10: {  	[smem:$0x3FAC] =	sst s8  }
0x11: {  	[smem:$0x3FAD] =	sst s9;
	s0 =	simm.s32 @!p0 $0x0  }
0x12: {  	s1 =	sld [smem:$0x3F93];
	s0 =	simm.s32 @p0 $0x1  }
0x13: {  	[smem:$0x3FAE] =	sst s0;
	s0 =	simm.s32 @!p1 $0x0  }
0x14: {  	s2 =	sld [smem:$0x3F92];
	s0 =	simm.s32 @p1 $0x1  }
0x15: {  	[smem:$0x3FAF] =	sst s0;
	s0 =	simm.s32 @!p2 $0x0  }
0x16: {  	s3 =	sld [smem:$0x3FDB];
	s0 =	simm.s32 @p2 $0x1  }
0x17: {  	s4 =	simm.s32 $0x1BF5;
	[smem:$0x3FB1] =	sst s0  }
0x18: {  	s0 =	sld [smem:$0x3F94];
	_ =	swait.ge [sflag:s4], $0x0  }
0x19: {  	s7 =	sld [smem:$0x3F95]  }
0x1a: {  	s8 =	sadd.s32 $0xFFFFE003, lr  }
0x1b: {  	s9 =	sadd.s32 $0xFFFFFEF7, lr;
	s5 =	simm.s32 $0xFFFFFFFF;
	p2 =	slt.u32 s8, $0xFFFFF086  }
0x1c: {  	p1 =	slt.u32 s9, $0xF7A;
	s5 =	simm.s32 @!p2 $0x0  }
0x1d: {  	s5 =	simm.s32 @p1 $0x1;
	p0 =	seq.s32 s7, s2  }
0x1e: {  	s7 =	smul.u32 @!p0 $0xF7A, s2;
	p2 =	seq.s32 @!p0 s5, $0x0  }
0x1f: {  	s9 =	smul.u32 $0xF7A, s1;
	s8 =	simm.s32 @!p0 $0x1BF5;
	p2 =	por !p2, p0  }
0x20: {  	[sflag:s8] =	ssyncset.s32 @!p0 $0xFFFFF086;
	s6 =	sadd.s32 @!p0 s3, s7;
	s7 =	simm.s32 @!p0 $0x108  }
0x21: {  	s3 =	sadd.s32 s3, s9;
	s6 =	sadd.s32 @!p0 $0x88, s6;
	s7 =	simm.s32 @p2 $0x1082  }
0x22: {  	[simem:s7], [sflag:s8] =	dma.local @!p0 [hbm:s6], $0xF7A  }
0x23: {  	s9 =	sor.u32 $0xD0000000, s2;
	s6 =	simm.s32 $0x108;
	_ =	swait.ge @!p0 [sflag:s8], $0x0  }
0x24: {  	s3 =	sadd.s32 $0x88, s3;
	s6 =	simm.s32 @!p1 $0x1082;
	[sflag:s4] =	ssyncset.s32 $0xFFFFF086  }
0x25: {  	[simem:s6], [sflag:s4] =	dma.local [hbm:s3], $0xF7A  }
0x26: {  	[smem:$0x3F95] =	sst s1;
	(tag) =	ssettag s2;
	_ =	strace s9  }
0x27: {  	s1 =	sld [smem:$0x3FA5]  }
0x28: {  	s2 =	sld [smem:$0x3FA6]  }
0x29: {  	s4 =	sld [smem:$0x3FA8]  }
0x2a: {  	p0 =	seq.s32 s5, $0x0;
	s5 =	sld [smem:$0x3FA9]  }
0x2b: {  	s6 =	sld [smem:$0x3FAA]  }
0x2c: {  	s7 =	sld [smem:$0x3FAB]  }
0x2d: {  	s3 =	simm.s32 $0x108;
	s8 =	sld [smem:$0x3FAC]  }
0x2e: {  	s3 =	simm.s32 @!p0 $0x1082;
	s9 =	sld [smem:$0x3FAD]  }
0x2f: {  	lr =	sadd.s32 s0, s3;
	s0 =	sld [smem:$0x3FA4]  }
0x30: {  	s3 =	sld [smem:$0x3FA7]  }
0x31: {  	[smem:$0x3FB0] =	sst s10  }
0x32: {  	s10 =	sld [smem:$0x3FAE];
	_ =	sdelay $0x3  }
0x33: {  	p0 =	seq.s32 s10, $0x1;
	s10 =	sld [smem:$0x3FB0];
	_ =	sdelay $0x3  }
0x34: {  	[smem:$0x3FB0] =	sst s10  }
0x35: {  	s10 =	sld [smem:$0x3FAF];
	_ =	sdelay $0x3  }
0x36: {  	p1 =	seq.s32 s10, $0x1;
	s10 =	sld [smem:$0x3FB0];
	_ =	sdelay $0x3  }
0x37: {  	[smem:$0x3FB0] =	sst s10  }
0x38: {  	s10 =	sld [smem:$0x3FB1]  }
0x39: {  	_ = 	snop;
	(pc) =	sbr.ind lr, $3  }
0x3a: {  	_ = 	snop  }
0x3b: {  	_ = 	snop  }
0x3c: {  	p2 =	seq.s32 s10, $0x1;
	s10 =	sld [smem:$0x3FB0]  }
0x3d: {  	_ =	shalt  }
0x3e: {  	_ =	shalt  }
0x3f: {  	_ =	shalt  }
0x40: {  	_ =	shalt  }
0x41: {  	_ =	shalt  }
0x42: {  	_ =	shalt  }
0x43: {  	_ =	shalt  }
0x44: {  	_ =	shalt  }
0x45: {  	_ =	shalt  }
0x46: {  	_ =	shalt  }
0x47: {  	_ =	shalt  }
0x48: {  	_ =	shalt  }
0x49: {  	_ =	shalt  }
0x4a: {  	_ =	shalt  }
0x4b: {  	_ =	shalt  }
0x4c: {  	_ =	shalt  }
0x4d: {  	_ =	shalt  }
0x4e: {  	_ =	shalt  }
0x4f: {  	_ =	shalt  }
0x50: {  	_ =	shalt  }
0x51: {  	_ =	shalt  }
0x52: {  	_ =	shalt  }
0x53: {  	_ =	shalt  }
0x54: {  	_ =	shalt  }
0x55: {  	_ =	shalt  }
0x56: {  	_ =	shalt  }
0x57: {  	_ =	shalt  }
0x58: {  	_ =	shalt  }
0x59: {  	_ =	shalt  }
0x5a: {  	_ =	shalt  }
0x5b: {  	_ =	shalt  }
0x5c: {  	_ =	shalt  }
0x5d: {  	_ =	shalt  }
0x5e: {  	_ =	shalt  }
0x5f: {  	_ =	shalt  }
0x60: {  	_ =	shalt  }
0x61: {  	_ =	shalt  }
0x62: {  	_ =	shalt  }
0x63: {  	_ =	shalt  }
0x64: {  	_ =	shalt  }
0x65: {  	_ =	shalt  }
0x66: {  	_ =	shalt  }
0x67: {  	_ =	shalt  }
0x68: {  	_ =	shalt  }
0x69: {  	_ =	shalt  }
0x6a: {  	_ =	shalt  }
0x6b: {  	_ =	shalt  }
0x6c: {  	_ =	shalt  }
0x6d: {  	_ =	shalt  }
0x6e: {  	_ =	shalt  }
0x6f: {  	_ =	shalt  }
0x70: {  	_ =	shalt  }
0x71: {  	_ =	shalt  }
0x72: {  	_ =	shalt  }
0x73: {  	_ =	shalt  }
0x74: {  	_ =	shalt  }
0x75: {  	_ =	shalt  }
0x76: {  	_ =	shalt  }
0x77: {  	_ =	shalt  }
0x78: {  	_ =	shalt  }
0x79: {  	_ =	shalt  }
0x7a: {  	_ =	shalt  }
0x7b: {  	_ =	shalt  }
0x7c: {  	_ =	shalt  }
0x7d: {  	_ =	shalt  }
0x7e: {  	_ =	shalt  }
0x7f: {  	_ =	shalt  }
0x80: {  	_ =	shalt  }
0x81: {  	_ =	shalt  }
0x82: {  	_ =	shalt  }
0x83: {  	_ =	shalt  }
0x84: {  	_ =	shalt  }
0x85: {  	_ =	shalt  }
0x86: {  	_ =	shalt  }
0x87: {  	_ =	shalt  }
.Lfunc_end0:
.L_simem_size_0:
called_computation_lowered:
.L_overlay_start_0:
0x88: {  	s2 =	sld [smem:$0x3FD9]  }
0x89: {  	s3 =	sld [smem:$0x3FFE];
	_ =	sdelay $0x1  }
0x8a: {  	s1 =	srdreg.scid  }
0x8b: {  	s0 =	sand.u32 $0x1, s1  }
0x8c: {  	s17 =	sshll.u32 s0, $0xA;
	s2 =	sadd.s32 s3, s2  }
0x8d: {  	s2 =	sadd.s32 s2, s17  }
0x8e: {  	[smem:$0x3FBC] =	sst s2  }
0x8f: {  	_ = 	snop  }
0x90: {  	s2 =	sld [smem:$0x3FD0];
	(tm) =	ssettm $0x1  }
0x91: {  	s18 =	sld [smem:$0x3FFB];
	_ =	sdelay $0x3  }
0x92: {  	_ =	strace s18  }
0x93: {  	s3 =	sld [smem:$0x3FFC];
	_ =	sdelay $0x3  }
0x94: {  	_ =	strace s3  }
0x95: {  	s3 =	sld [smem:$0x3FFD];
	_ =	sdelay $0x3  }
0x96: {  	_ =	strace s3  }
0x97: {  	_ =	strace $0x8FFFFFFF  }
0x98: {  	s19 =	sld [smem:$0x3FDB];
	_ =	sdelay $0x1  }
0x99: {  	s4 =	simm.s32 $_scs_section_size  }
0x9a: {  	s5 =	simm.s32 $_size__tile_overlayer_lowered;
	s6 =	simm.s32 $_tile_overlayer_lowered  }
0x9b: {  	s22 =	simm.s32 $0x1BFF;
	s21 =	sshll.u32 s6, $0x1;
	s3 =	sadd.s32 s4, s19  }
0x9c: {  	s7 =	simm.s32 $0x0;
	s20 =	sshll.u32 s5, $0x1;
	s5 =	sadd.s32 s21, s3  }
0x9d: {  	[timem:s7], [sflag:s22] =	dma.local [hbm:s5], s20  }
0x9e: {  	_ =	swait.ge [sflag:s22], s20  }
0x9f: {  	s4 =	ssub.s32 $0x0, s20;
	[sflag:s22] =	ssyncset.done $0x0  }
0xa0: {  	[sflag:s22] =	ssyncadd.s32 s4;
	_ =	sdelay $0x1  }
0xa1: {  	s23 =	simm.s32 $0x1B8B  }
0xa2: {  	_ =	swait.ge [sflag:s23], $0x1  }
0xa3: {  	[sflag:s23] =	ssyncset.done $0x0  }
0xa4: {  	s25 =	simm.s32 $0x1B8E;
	s24 =	sld [smem:$0x3FFE];
	[sflag:s23] =	ssyncadd.s32 $0xFFFFFFFF  }
0xa5: {  	s26 =	simm.s32 $execute0_lowered;
	[smem:$0x3FD2] =	sst s25  }
0xa6: {  	s5 =	sshll.u32 s26, $0x1;
	_ =	strace $0x80000046;
	[dreg:$0x1] =	wrdreg $0xFFFFFFFF  }
0xa7: {  	s28 =	simm.s32 $_size_execute0_lowered;
	s3 =	sadd.s32 s3, s5;
	[dreg:$0x0] =	wrdreg $0x0  }
0xa8: {  	s5 =	sshll.u32 s28, $0x1;
	[dreg:$0x2] =	wrdreg s3  }
0xa9: {  	[dreg:$0x3] =	wrdreg s5  }
0xaa: {  	[dreg:$0x4] =	wrdreg $0xC0  }
0xab: {  	_ =	task [dreg:s7], $0x5FFFF  }
0xac: {  	[dreg:$0x1] =	wrdreg $0xFFFFFFFF  }
0xad: {  	[dreg:$0x0] =	wrdreg $0x60  }
0xae: {  	[dreg:$0x2] =	wrdreg s24  }
0xaf: {  	[dreg:$0x3] =	wrdreg s2  }
0xb0: {  	[dreg:$0x4] =	wrdreg $0xA000  }
0xb1: {  	[dreg:$0x5] =	wrdreg $0x31100  }
0xb2: {  	[dreg:$0x6] =	wrdreg $0x9  }
0xb3: {  	_ =	task.clear_ibuf [dreg:s7], $0x7FFFF;
	_ =	strace $0x90000046  }
0xb4: {  	s29 =	simm.s32 $0x9;
	_ =	strace $0x80000048  }
0xb5: {  	_ =	swait.ge [sflag:s29], $0x1  }
0xb6: {  	[sflag:s29] =	ssyncadd.s32 $0xFFFFFFFF  }
0xb7: {  	_ =	strace $0x90000048  }
0xb8: {  	_ =	sfence  }
0xb9: {  	s30 =	sld [smem:$0x0];
	_ =	sdelay $0x2  }
0xba: {  	s31 =	sshll.u32 s1, $0xD;
	s1 =	sshrl.u32 s1, $0x2  }
0xbb: {  	s3 =	sand.u32 $0x4000, s31;
	s1 =	sadd.s32 s1, s30  }
0xbc: {  	s0 =	sor.u32 s3, s0;
	s1 =	sshll.u32 s1, $0x11  }
0xbd: {  	s0 =	sor.u32 s1, s0  }
0xbe: {  	s0 =	sadd.s32 $0x8F2B, s0  }
0xbf: {  	[sflag:s0] =	ssyncadd.remote.s32 $0x1  }
0xc0: {  	_ =	sfence.sel $0xFFFF  }
0xc1: {  	[dreg:$0x0] =	wrdreg $0xFFFFFFFF;
	(pc) =	sbr.abs _section_cstart, $3  }
0xc2: {  	[dreg:$0x1] =	wrdreg $0xFFFFFFFF  }
0xc3: {  	_ =	task.clear_ibuf [dreg:s7], $0x2FFFF;
	_ =	strace $0x9FFFFFFF  }
0xc4: {  	(tm) =	ssettm $0x7FFFFFFF  }
0xc5: {  	_ =	shalt  }
tec
execute0_lowered:
.L_overlay_start_1:
0x0: {  	(tag) =	ssettag $0x1  }
0x1: {  	s0 =	rddreg [dreg:$0x0]  }
0x2: {  	s1 =	rddreg [dreg:$0x1]  }
0x3: {  	s2 =	rddreg [dreg:$0x2]  }
0x4: {  	s3 =	rddreg [dreg:$0x3]  }
0x5: {  	s14 =	stileid.u32;
	s5 =	srdreg.scid  }
0x6: {  	s4 =	simm.s32 $0x0;
	s15 =	simm.s32 $0x1;
	s19 =	simm.s32 $0x50  }
0x7: {  	s20 =	simm.s32 $0xA0;
	s21 =	simm.s32 $0xF0;
	s28 =	simm.s32 $0x2D0  }
0x8: {  	s29 =	simm.s32 $0x320;
	s30 =	simm.s32 $0x370;
	s31 =	simm.s32 $0x3C0  }
0x9: {  	s7 =	smul.u32 $0x3E80, s14;
	s8 =	sand.u32 $0x1, s5;
	[smem:$0x7FF] =	sst s4  }
0xa: {  	s5 =	sadd.s32 $0xEA00, s0;
	s6 =	sadd.s32 $0x4C00, s0;
	s13 =	sadd.s32 $0x1D800, s0  }
0xb: {  	s22 =	sshll.u32 s14, $0x1;
	s23 =	smul.u32 $0xA00, s14;
	p0 =	sgt.u32 s14, $0x9  }
0xc: {  	s9 =	smul.u32 $0x27100, s8;
	_ =	strace $0x80000047;
	s11 =	ssub.s32 $0x2, s8  }
0xd: {  	[dreg:$0x5] =	wrdreg s13;
	s24 =	sor.u32 s22, s8;
	s8 =	smul.u32 $0x500, s8  }
0xe: {  	s22 =	simm.s32 $0x140;
	s10 =	sshrl.u32 s7, $0x3;
	s12 =	sshrl.u32 s11, $0x1  }
0xf: {  	s9 =	sadd.s32 s7, s9;
	s10 =	sadd.s32 s10, s0;
	s11 =	ssub.s32 s11, s12  }
0x10: {  	s12 =	sadd.s32 s7, s2;
	s7 =	sadd.s32 s7, s3;
	s26 =	sadd.s32 s8, s23  }
0x11: {  	s23 =	simm.s32 $0x190;
	s9 =	sshrl.u32 s9, $0x3;
	s10 =	sadd.s32 $0x18800, s10  }
0x12: {  	s25 =	smax.u32 s11, $0x1;
	[dreg:$0xb] =	wrdreg s26;
	s12 =	sshrl.u32 @!p0 s12, $0x3  }
0x13: {  	s13 =	sshrl.u32 @!p0 s7, $0x3;
	s26 =	simm.s32 $0x280;
	s7 =	simm.s32 $0x4B0  }
0x14: {  	s0 =	sadd.s32 s9, s0;
	[dreg:$0x6] =	wrdreg s10;
	s1 =	sadd.s32 s1, s9  }
0x15: {  	[dreg:$0x9] =	wrdreg s25;
	s25 =	simm.s32 $0x230;
	s0 =	sadd.s32 $0x1DA00, s0  }
0x16: {  	s9 =	simm.s32 $0x0;
	[dreg:$0x8] =	wrdreg s0;
	s0 =	ssub.s32 $0x119, s24  }
0x17: {  	[dreg:$0x7] =	wrdreg s1;
	s1 =	simm.s32 $0x460;
	s0 =	sshrl.u32 s0, $0x5  }
0x18: {  	s24 =	simm.s32 $0x1E0;
	[dreg:$0xa] =	wrdreg s0;
	s0 =	sshll.u32 @!p0 s14, $0x6  }
0x19: {  	s14 =	simm.s32 $0x500;
	s16 =	sor.u32 @!p0 $0x1C01, s0;
	s0 =	simm.s32 $0x410  }
.LBB2_1:
0x1a: {  	s8 =	rddreg [dreg:$0x5]  }
0x1b: {  	[tilespmem:s14], [sflag:$0x1] =	stream.linear.gather [hbm4b:s8+s4], $0x500, $0x38;
	[tilespmem:$0x5820] =	vst v63  }
0x1c: {  	_ =	swait.ge [sflag:s15], $0x500  }
0x1d: {  	[sflag:s15] =	ssyncset.done $0x0  }
0x1e: {  	s8 =	simm.s32 @!p0 $0x1;
	s10 =	rddreg [dreg:$0x6];
	[sflag:s15] =	ssyncadd.s32 $0xFFFFFB00  }
0x1f: {  	[spmem:s12], [sflag:s16] =	dma.local @!p0 [hbm:s10], $0x7D0  }
0x20: {  	_ =	swait.ge @!p0 [sflag:s8], $0x7D0  }
0x21: {  	[sflag:s8] =	ssyncset.done @!p0 $0x0  }
0x22: {  	[sflag:s8] =	ssyncadd.s32 @!p0 $0xFFFFF830  }
0x23: {  	[spmem:s13], [sflag:s16] =	dma.local @!p0 [hbm:s10], $0x7D0  }
0x24: {  	_ =	swait.ge @!p0 [sflag:s8], $0x7D0  }
0x25: {  	[sflag:s8] =	ssyncset.done @!p0 $0x0  }
0x26: {  	[sflag:s8] =	ssyncadd.s32 @!p0 $0xFFFFF830  }
0x27: {  	[bflag:$0x0] =	sbarrier.arrive $0xFFFF  }
0x28: {  	s11 =	rddreg [dreg:$0xa]  }
0x29: {  	p2 =	sne.s32 s11, $0x1  }
.Ltmp0:
0x2a: {  	_ = 	snop;
	(pc) =	sbr.rel @!p2 .LBB2_6-.Ltmp0, $4  }
0x2b: {  	_ = 	snop  }
0x2c: {  	s18 =	rddreg [dreg:$0xb]  }
0x2d: {  	p1 =	por $0x0, $0x0;
	s17 =	sshrl.u32 s18, $0x3  }
0x2e: {  	p3 =	por $0x0, $0x0;
	s10 =	sadd.s32 $0xFFFFFFFF, s11;
	s11 =	smov.u32 s17  }
0x2f: {  	s8 =	sadd.s32 s5, s17  }
0x30: {  	[tilespmem:s4], [sflag:$0x1] =	stream.linear.gather [hbm4b:s8+s4], $0x500, $0x38;
	[tilespmem:$0x5820] =	vst v63  }
0x31: {  	_ =	swait.ge [sflag:s15], $0x500  }
0x32: {  	[sflag:s15] =	ssyncset.done $0x0  }
0x33: {  	[sflag:s15] =	ssyncadd.s32 $0xFFFFFB00  }
0x34: {  	[spmem:s2] =	stream.indirect.scatter.add.f32 [tilespmem:s14], [sflag:$0x1], $0x10, s4, s19, $0xb8;
	[tilespmem:$0x5820] =	vst v63  }
0x35: {  	_ =	swait.ge [sflag:s15], $0x500  }
0x36: {  	[sflag:s15] =	ssyncset.done $0x0  }
0x37: {  	[sflag:s15] =	ssyncadd.s32 $0xFFFFFB00  }
0x38: {  	[spmem:s2] =	stream.indirect.scatter.add.f32 [tilespmem:s14], [sflag:$0x1], $0x10, s19, s19, $0xb8;
	[tilespmem:$0x5820] =	vst v63  }
0x39: {  	_ =	swait.ge [sflag:s15], $0x500  }
0x3a: {  	[sflag:s15] =	ssyncset.done $0x0  }
0x3b: {  	[sflag:s15] =	ssyncadd.s32 $0xFFFFFB00  }
0x3c: {  	[spmem:s2] =	stream.indirect.scatter.add.f32 [tilespmem:s14], [sflag:$0x1], $0x10, s20, s19, $0xb8;
	[tilespmem:$0x5820] =	vst v63  }
0x3d: {  	_ =	swait.ge [sflag:s15], $0x500  }
0x3e: {  	[sflag:s15] =	ssyncset.done $0x0  }
0x3f: {  	[sflag:s15] =	ssyncadd.s32 $0xFFFFFB00  }
0x40: {  	[spmem:s2] =	stream.indirect.scatter.add.f32 [tilespmem:s14], [sflag:$0x1], $0x10, s21, s19, $0xb8;
	[tilespmem:$0x5820] =	vst v63  }
0x41: {  	_ =	swait.ge [sflag:s15], $0x500  }
0x42: {  	[sflag:s15] =	ssyncset.done $0x0  }
0x43: {  	[sflag:s15] =	ssyncadd.s32 $0xFFFFFB00  }
0x44: {  	[spmem:s2] =	stream.indirect.scatter.add.f32 [tilespmem:s14], [sflag:$0x1], $0x10, s22, s19, $0xb8;
	[tilespmem:$0x5820] =	vst v63  }
0x45: {  	_ =	swait.ge [sflag:s15], $0x500  }
0x46: {  	[sflag:s15] =	ssyncset.done $0x0  }
0x47: {  	[sflag:s15] =	ssyncadd.s32 $0xFFFFFB00  }
0x48: {  	[spmem:s2] =	stream.indirect.scatter.add.f32 [tilespmem:s14], [sflag:$0x1], $0x10, s23, s19, $0xb8;
	[tilespmem:$0x5820] =	vst v63  }
0x49: {  	_ =	swait.ge [sflag:s15], $0x500  }
0x4a: {  	[sflag:s15] =	ssyncset.done $0x0  }
0x4b: {  	[sflag:s15] =	ssyncadd.s32 $0xFFFFFB00  }
0x4c: {  	[spmem:s2] =	stream.indirect.scatter.add.f32 [tilespmem:s14], [sflag:$0x1], $0x10, s24, s19, $0xb8;
	[tilespmem:$0x5820] =	vst v63  }
0x4d: {  	_ =	swait.ge [sflag:s15], $0x500  }
0x4e: {  	[sflag:s15] =	ssyncset.done $0x0  }
0x4f: {  	[sflag:s15] =	ssyncadd.s32 $0xFFFFFB00  }
0x50: {  	[spmem:s2] =	stream.indirect.scatter.add.f32 [tilespmem:s14], [sflag:$0x1], $0x10, s25, s19, $0xb8;
	[tilespmem:$0x5820] =	vst v63  }
0x51: {  	_ =	swait.ge [sflag:s15], $0x500  }
0x52: {  	[sflag:s15] =	ssyncset.done $0x0  }
0x53: {  	[sflag:s15] =	ssyncadd.s32 $0xFFFFFB00  }
0x54: {  	[spmem:s2] =	stream.indirect.scatter.add.f32 [tilespmem:s14], [sflag:$0x1], $0x10, s26, s19, $0xb8;
	[tilespmem:$0x5820] =	vst v63  }
0x55: {  	_ =	swait.ge [sflag:s15], $0x500  }
0x56: {  	[sflag:s15] =	ssyncset.done $0x0  }
0x57: {  	[sflag:s15] =	ssyncadd.s32 $0xFFFFFB00  }
0x58: {  	[spmem:s2] =	stream.indirect.scatter.add.f32 [tilespmem:s14], [sflag:$0x1], $0x10, s28, s19, $0xb8;
	[tilespmem:$0x5820] =	vst v63  }
0x59: {  	_ =	swait.ge [sflag:s15], $0x500  }
0x5a: {  	[sflag:s15] =	ssyncset.done $0x0  }
0x5b: {  	[sflag:s15] =	ssyncadd.s32 $0xFFFFFB00  }
0x5c: {  	[spmem:s2] =	stream.indirect.scatter.add.f32 [tilespmem:s14], [sflag:$0x1], $0x10, s29, s19, $0xb8;
	[tilespmem:$0x5820] =	vst v63  }
0x5d: {  	_ =	swait.ge [sflag:s15], $0x500  }
0x5e: {  	[sflag:s15] =	ssyncset.done $0x0  }
0x5f: {  	[sflag:s15] =	ssyncadd.s32 $0xFFFFFB00  }
0x60: {  	[spmem:s2] =	stream.indirect.scatter.add.f32 [tilespmem:s14], [sflag:$0x1], $0x10, s30, s19, $0xb8;
	[tilespmem:$0x5820] =	vst v63  }
0x61: {  	_ =	swait.ge [sflag:s15], $0x500  }
0x62: {  	[sflag:s15] =	ssyncset.done $0x0  }
0x63: {  	[sflag:s15] =	ssyncadd.s32 $0xFFFFFB00  }
0x64: {  	[spmem:s2] =	stream.indirect.scatter.add.f32 [tilespmem:s14], [sflag:$0x1], $0x10, s31, s19, $0xb8;
	[tilespmem:$0x5820] =	vst v63  }
0x65: {  	_ =	swait.ge [sflag:s15], $0x500  }
0x66: {  	[sflag:s15] =	ssyncset.done $0x0  }
0x67: {  	[sflag:s15] =	ssyncadd.s32 $0xFFFFFB00  }
0x68: {  	[spmem:s2] =	stream.indirect.scatter.add.f32 [tilespmem:s14], [sflag:$0x1], $0x10, s0, s19, $0xb8;
	[tilespmem:$0x5820] =	vst v63  }
0x69: {  	_ =	swait.ge [sflag:s15], $0x500  }
0x6a: {  	[sflag:s15] =	ssyncset.done $0x0  }
0x6b: {  	[sflag:s15] =	ssyncadd.s32 $0xFFFFFB00  }
0x6c: {  	[spmem:s2] =	stream.indirect.scatter.add.f32 [tilespmem:s14], [sflag:$0x1], $0x10, s1, s19, $0xb8;
	[tilespmem:$0x5820] =	vst v63  }
0x6d: {  	_ =	swait.ge [sflag:s15], $0x500  }
0x6e: {  	[sflag:s15] =	ssyncset.done $0x0  }
0x6f: {  	p4 =	sne.s32 s10, $0x1;
	[sflag:s15] =	ssyncadd.s32 $0xFFFFFB00  }
0x70: {  	[spmem:s2] =	stream.indirect.scatter.add.f32 [tilespmem:s14], [sflag:$0x1], $0x10, s7, s19, $0xb8;
	[tilespmem:$0x5820] =	vst v63  }
.Ltmp1:
0x71: {  	_ = 	snop;
	(pc) =	sbr.rel @!p4 .LBB2_3-.Ltmp1, $4  }
0x72: {  	_ =	swait.ge [sflag:s15], $0x500  }
0x73: {  	s11 =	rddreg [dreg:$0xb]  }
0x74: {  	s18 =	smov.u32 s12;
	p3 =	por $0x1, $0x1;
	s12 =	sadd.s32 $0xA000, s11  }
0x75: {  	s8 =	sadd.s32 $0xFFFFFFFF, s10;
	[sflag:s15] =	ssyncset.done $0x0;
	s11 =	sshrl.u32 s12, $0x3  }
.LBB2_4:
0x76: {  	p4 =	sne.s32 s8, $0x1;
	s11 =	sadd.s32 s5, s11;
	[sflag:s15] =	ssyncadd.s32 $0xFFFFFB00  }
0x77: {  	[tilespmem:s4], [sflag:$0x1] =	stream.linear.gather [hbm4b:s11+s4], $0x500, $0x38;
	[tilespmem:$0x5820] =	vst v63  }
0x78: {  	s8 =	sadd.s32 $0xFFFFFFFF, s8;
	_ =	swait.ge [sflag:s15], $0x500  }
0x79: {  	[sflag:s15] =	ssyncset.done $0x0  }
0x7a: {  	[sflag:s15] =	ssyncadd.s32 $0xFFFFFB00  }
0x7b: {  	[spmem:s2] =	stream.indirect.scatter.add.f32 [tilespmem:s14], [sflag:$0x1], $0x10, s4, s19, $0xb8;
	[tilespmem:$0x5820] =	vst v63  }
0x7c: {  	_ =	swait.ge [sflag:s15], $0x500  }
0x7d: {  	[sflag:s15] =	ssyncset.done $0x0  }
0x7e: {  	[sflag:s15] =	ssyncadd.s32 $0xFFFFFB00  }
0x7f: {  	[spmem:s2] =	stream.indirect.scatter.add.f32 [tilespmem:s14], [sflag:$0x1], $0x10, s19, s19, $0xb8;
	[tilespmem:$0x5820] =	vst v63  }
0x80: {  	_ =	swait.ge [sflag:s15], $0x500  }
0x81: {  	[sflag:s15] =	ssyncset.done $0x0  }
0x82: {  	[sflag:s15] =	ssyncadd.s32 $0xFFFFFB00  }
0x83: {  	[spmem:s2] =	stream.indirect.scatter.add.f32 [tilespmem:s14], [sflag:$0x1], $0x10, s20, s19, $0xb8;
	[tilespmem:$0x5820] =	vst v63  }
0x84: {  	_ =	swait.ge [sflag:s15], $0x500  }
0x85: {  	[sflag:s15] =	ssyncset.done $0x0  }
0x86: {  	[sflag:s15] =	ssyncadd.s32 $0xFFFFFB00  }
0x87: {  	[spmem:s2] =	stream.indirect.scatter.add.f32 [tilespmem:s14], [sflag:$0x1], $0x10, s21, s19, $0xb8;
	[tilespmem:$0x5820] =	vst v63  }
0x88: {  	_ =	swait.ge [sflag:s15], $0x500  }
0x89: {  	[sflag:s15] =	ssyncset.done $0x0  }
0x8a: {  	[sflag:s15] =	ssyncadd.s32 $0xFFFFFB00  }
0x8b: {  	[spmem:s2] =	stream.indirect.scatter.add.f32 [tilespmem:s14], [sflag:$0x1], $0x10, s22, s19, $0xb8;
	[tilespmem:$0x5820] =	vst v63  }
0x8c: {  	_ =	swait.ge [sflag:s15], $0x500  }
0x8d: {  	[sflag:s15] =	ssyncset.done $0x0  }
0x8e: {  	[sflag:s15] =	ssyncadd.s32 $0xFFFFFB00  }
0x8f: {  	[spmem:s2] =	stream.indirect.scatter.add.f32 [tilespmem:s14], [sflag:$0x1], $0x10, s23, s19, $0xb8;
	[tilespmem:$0x5820] =	vst v63  }
0x90: {  	_ =	swait.ge [sflag:s15], $0x500  }
0x91: {  	[sflag:s15] =	ssyncset.done $0x0  }
0x92: {  	[sflag:s15] =	ssyncadd.s32 $0xFFFFFB00  }
0x93: {  	[spmem:s2] =	stream.indirect.scatter.add.f32 [tilespmem:s14], [sflag:$0x1], $0x10, s24, s19, $0xb8;
	[tilespmem:$0x5820] =	vst v63  }
0x94: {  	_ =	swait.ge [sflag:s15], $0x500  }
0x95: {  	[sflag:s15] =	ssyncset.done $0x0  }
0x96: {  	[sflag:s15] =	ssyncadd.s32 $0xFFFFFB00  }
0x97: {  	[spmem:s2] =	stream.indirect.scatter.add.f32 [tilespmem:s14], [sflag:$0x1], $0x10, s25, s19, $0xb8;
	[tilespmem:$0x5820] =	vst v63  }
0x98: {  	_ =	swait.ge [sflag:s15], $0x500  }
0x99: {  	[sflag:s15] =	ssyncset.done $0x0  }
0x9a: {  	[sflag:s15] =	ssyncadd.s32 $0xFFFFFB00  }
0x9b: {  	[spmem:s2] =	stream.indirect.scatter.add.f32 [tilespmem:s14], [sflag:$0x1], $0x10, s26, s19, $0xb8;
	[tilespmem:$0x5820] =	vst v63  }
0x9c: {  	_ =	swait.ge [sflag:s15], $0x500  }
0x9d: {  	[sflag:s15] =	ssyncset.done $0x0  }
0x9e: {  	[sflag:s15] =	ssyncadd.s32 $0xFFFFFB00  }
0x9f: {  	[spmem:s2] =	stream.indirect.scatter.add.f32 [tilespmem:s14], [sflag:$0x1], $0x10, s28, s19, $0xb8;
	[tilespmem:$0x5820] =	vst v63  }
0xa0: {  	_ =	swait.ge [sflag:s15], $0x500  }
0xa1: {  	[sflag:s15] =	ssyncset.done $0x0  }
0xa2: {  	[sflag:s15] =	ssyncadd.s32 $0xFFFFFB00  }
0xa3: {  	[spmem:s2] =	stream.indirect.scatter.add.f32 [tilespmem:s14], [sflag:$0x1], $0x10, s29, s19, $0xb8;
	[tilespmem:$0x5820] =	vst v63  }
0xa4: {  	_ =	swait.ge [sflag:s15], $0x500  }
0xa5: {  	[sflag:s15] =	ssyncset.done $0x0  }
0xa6: {  	[sflag:s15] =	ssyncadd.s32 $0xFFFFFB00  }
0xa7: {  	[spmem:s2] =	stream.indirect.scatter.add.f32 [tilespmem:s14], [sflag:$0x1], $0x10, s30, s19, $0xb8;
	[tilespmem:$0x5820] =	vst v63  }
0xa8: {  	_ =	swait.ge [sflag:s15], $0x500  }
0xa9: {  	[sflag:s15] =	ssyncset.done $0x0  }
0xaa: {  	[sflag:s15] =	ssyncadd.s32 $0xFFFFFB00  }
0xab: {  	[spmem:s2] =	stream.indirect.scatter.add.f32 [tilespmem:s14], [sflag:$0x1], $0x10, s31, s19, $0xb8;
	[tilespmem:$0x5820] =	vst v63  }
0xac: {  	_ =	swait.ge [sflag:s15], $0x500  }
0xad: {  	[sflag:s15] =	ssyncset.done $0x0  }
0xae: {  	[sflag:s15] =	ssyncadd.s32 $0xFFFFFB00  }
0xaf: {  	[spmem:s2] =	stream.indirect.scatter.add.f32 [tilespmem:s14], [sflag:$0x1], $0x10, s0, s19, $0xb8;
	[tilespmem:$0x5820] =	vst v63  }
0xb0: {  	_ =	swait.ge [sflag:s15], $0x500  }
0xb1: {  	[sflag:s15] =	ssyncset.done $0x0  }
0xb2: {  	[sflag:s15] =	ssyncadd.s32 $0xFFFFFB00  }
0xb3: {  	[spmem:s2] =	stream.indirect.scatter.add.f32 [tilespmem:s14], [sflag:$0x1], $0x10, s1, s19, $0xb8;
	[tilespmem:$0x5820] =	vst v63  }
0xb4: {  	_ =	swait.ge [sflag:s15], $0x500  }
.Ltmp2:
0xb5: {  	[sflag:s15] =	ssyncset.done $0x0;
	(pc) =	sbr.rel @p4 .LBB2_4-.Ltmp2, $4  }
0xb6: {  	[sflag:s15] =	ssyncadd.s32 $0xFFFFFB00  }
0xb7: {  	[spmem:s2] =	stream.indirect.scatter.add.f32 [tilespmem:s14], [sflag:$0x1], $0x10, s7, s19, $0xb8;
	[tilespmem:$0x5820] =	vst v63  }
0xb8: {  	s12 =	sadd.s32 $0xA000, s12;
	_ =	swait.ge [sflag:s15], $0x500  }
0xb9: {  	s11 =	sshrl.u32 s12, $0x3;
	[sflag:s15] =	ssyncset.done $0x0  }
0xba: {  	s12 =	smov.u32 s18  }
.LBB2_6:
0xbb: {  	s8 =	sadd.s32 s5, s11;
	[sflag:s15] =	ssyncadd.s32 @p3 $0xFFFFFB00  }
0xbc: {  	[tilespmem:s4], [sflag:$0x1] =	stream.linear.gather [hbm4b:s8+s4], $0x500, $0x38;
	[tilespmem:$0x5820] =	vst v63  }
0xbd: {  	_ =	swait.ge [sflag:s15], $0x500  }
0xbe: {  	[sflag:s15] =	ssyncset.done $0x0  }
0xbf: {  	[sflag:s15] =	ssyncadd.s32 $0xFFFFFB00  }
0xc0: {  	[spmem:s2] =	stream.indirect.scatter.add.f32 [tilespmem:s14], [sflag:$0x1], $0x10, s4, s19, $0xb8;
	[tilespmem:$0x5820] =	vst v63  }
0xc1: {  	_ =	swait.ge [sflag:s15], $0x500  }
0xc2: {  	[sflag:s15] =	ssyncset.done $0x0  }
0xc3: {  	[sflag:s15] =	ssyncadd.s32 $0xFFFFFB00  }
0xc4: {  	[spmem:s2] =	stream.indirect.scatter.add.f32 [tilespmem:s14], [sflag:$0x1], $0x10, s19, s19, $0xb8;
	[tilespmem:$0x5820] =	vst v63  }
0xc5: {  	_ =	swait.ge [sflag:s15], $0x500  }
0xc6: {  	[sflag:s15] =	ssyncset.done $0x0  }
0xc7: {  	[sflag:s15] =	ssyncadd.s32 $0xFFFFFB00  }
0xc8: {  	[spmem:s2] =	stream.indirect.scatter.add.f32 [tilespmem:s14], [sflag:$0x1], $0x10, s20, s19, $0xb8;
	[tilespmem:$0x5820] =	vst v63  }
0xc9: {  	_ =	swait.ge [sflag:s15], $0x500  }
0xca: {  	[sflag:s15] =	ssyncset.done $0x0  }
0xcb: {  	[sflag:s15] =	ssyncadd.s32 $0xFFFFFB00  }
0xcc: {  	[spmem:s2] =	stream.indirect.scatter.add.f32 [tilespmem:s14], [sflag:$0x1], $0x10, s21, s19, $0xb8;
	[tilespmem:$0x5820] =	vst v63  }
0xcd: {  	_ =	swait.ge [sflag:s15], $0x500  }
0xce: {  	[sflag:s15] =	ssyncset.done $0x0  }
0xcf: {  	[sflag:s15] =	ssyncadd.s32 $0xFFFFFB00  }
0xd0: {  	[spmem:s2] =	stream.indirect.scatter.add.f32 [tilespmem:s14], [sflag:$0x1], $0x10, s22, s19, $0xb8;
	[tilespmem:$0x5820] =	vst v63  }
0xd1: {  	_ =	swait.ge [sflag:s15], $0x500  }
0xd2: {  	[sflag:s15] =	ssyncset.done $0x0  }
0xd3: {  	[sflag:s15] =	ssyncadd.s32 $0xFFFFFB00  }
0xd4: {  	[spmem:s2] =	stream.indirect.scatter.add.f32 [tilespmem:s14], [sflag:$0x1], $0x10, s23, s19, $0xb8;
	[tilespmem:$0x5820] =	vst v63  }
0xd5: {  	_ =	swait.ge [sflag:s15], $0x500  }
0xd6: {  	[sflag:s15] =	ssyncset.done $0x0  }
0xd7: {  	[sflag:s15] =	ssyncadd.s32 $0xFFFFFB00  }
0xd8: {  	[spmem:s2] =	stream.indirect.scatter.add.f32 [tilespmem:s14], [sflag:$0x1], $0x10, s24, s19, $0xb8;
	[tilespmem:$0x5820] =	vst v63  }
0xd9: {  	_ =	swait.ge [sflag:s15], $0x500  }
0xda: {  	[sflag:s15] =	ssyncset.done $0x0  }
0xdb: {  	[sflag:s15] =	ssyncadd.s32 $0xFFFFFB00  }
0xdc: {  	[spmem:s2] =	stream.indirect.scatter.add.f32 [tilespmem:s14], [sflag:$0x1], $0x10, s25, s19, $0xb8;
	[tilespmem:$0x5820] =	vst v63  }
0xdd: {  	_ =	swait.ge [sflag:s15], $0x500  }
0xde: {  	[sflag:s15] =	ssyncset.done $0x0  }
0xdf: {  	[sflag:s15] =	ssyncadd.s32 $0xFFFFFB00  }
0xe0: {  	[spmem:s2] =	stream.indirect.scatter.add.f32 [tilespmem:s14], [sflag:$0x1], $0x10, s26, s19, $0xb8;
	[tilespmem:$0x5820] =	vst v63  }
0xe1: {  	_ =	swait.ge [sflag:s15], $0x500  }
0xe2: {  	[sflag:s15] =	ssyncset.done $0x0  }
0xe3: {  	[sflag:s15] =	ssyncadd.s32 $0xFFFFFB00  }
0xe4: {  	[spmem:s2] =	stream.indirect.scatter.add.f32 [tilespmem:s14], [sflag:$0x1], $0x10, s28, s19, $0xb8;
	[tilespmem:$0x5820] =	vst v63  }
0xe5: {  	_ =	swait.ge [sflag:s15], $0x500  }
0xe6: {  	[sflag:s15] =	ssyncset.done $0x0  }
0xe7: {  	[sflag:s15] =	ssyncadd.s32 $0xFFFFFB00  }
0xe8: {  	[spmem:s2] =	stream.indirect.scatter.add.f32 [tilespmem:s14], [sflag:$0x1], $0x10, s29, s19, $0xb8;
	[tilespmem:$0x5820] =	vst v63  }
0xe9: {  	_ =	swait.ge [sflag:s15], $0x500  }
0xea: {  	[sflag:s15] =	ssyncset.done $0x0  }
0xeb: {  	[sflag:s15] =	ssyncadd.s32 $0xFFFFFB00  }
0xec: {  	[spmem:s2] =	stream.indirect.scatter.add.f32 [tilespmem:s14], [sflag:$0x1], $0x10, s30, s19, $0xb8;
	[tilespmem:$0x5820] =	vst v63  }
0xed: {  	_ =	swait.ge [sflag:s15], $0x500  }
0xee: {  	[sflag:s15] =	ssyncset.done $0x0  }
0xef: {  	[sflag:s15] =	ssyncadd.s32 $0xFFFFFB00  }
0xf0: {  	[spmem:s2] =	stream.indirect.scatter.add.f32 [tilespmem:s14], [sflag:$0x1], $0x10, s31, s19, $0xb8;
	[tilespmem:$0x5820] =	vst v63  }
0xf1: {  	_ =	swait.ge [sflag:s15], $0x500  }
0xf2: {  	[sflag:s15] =	ssyncset.done $0x0  }
0xf3: {  	[sflag:s15] =	ssyncadd.s32 $0xFFFFFB00  }
0xf4: {  	[spmem:s2] =	stream.indirect.scatter.add.f32 [tilespmem:s14], [sflag:$0x1], $0x10, s0, s19, $0xb8;
	[tilespmem:$0x5820] =	vst v63  }
0xf5: {  	_ =	swait.ge [sflag:s15], $0x500  }
0xf6: {  	[sflag:s15] =	ssyncset.done $0x0  }
0xf7: {  	[sflag:s15] =	ssyncadd.s32 $0xFFFFFB00  }
0xf8: {  	[spmem:s2] =	stream.indirect.scatter.add.f32 [tilespmem:s14], [sflag:$0x1], $0x10, s1, s19, $0xb8;
	[tilespmem:$0x5820] =	vst v63  }
0xf9: {  	_ =	swait.ge [sflag:s15], $0x500  }
0xfa: {  	[sflag:s15] =	ssyncset.done $0x0  }
.Ltmp3:
0xfb: {  	[sflag:s15] =	ssyncadd.s32 $0xFFFFFB00;
	(pc) =	sbr.rel @!p2 .LBB2_9-.Ltmp3, $4  }
0xfc: {  	[spmem:s2] =	stream.indirect.scatter.add.f32 [tilespmem:s14], [sflag:$0x1], $0x10, s7, s19, $0xb8;
	[tilespmem:$0x5820] =	vst v63  }
0xfd: {  	_ =	swait.ge [sflag:s15], $0x500  }
0xfe: {  	[sflag:s15] =	ssyncset.done $0x0  }
0xff: {  	[sflag:s15] =	ssyncadd.s32 $0xFFFFFB00  }
0x100: {  	s8 =	sadd.s32 s6, s17  }
0x101: {  	[tilespmem:s4], [sflag:$0x1] =	stream.linear.gather [hbm4b:s8+s4], $0x500, $0x38;
	[tilespmem:$0x5820] =	vst v63  }
0x102: {  	_ =	swait.ge [sflag:s15], $0x500  }
0x103: {  	[sflag:s15] =	ssyncset.done $0x0  }
0x104: {  	[sflag:s15] =	ssyncadd.s32 $0xFFFFFB00  }
0x105: {  	[spmem:s3] =	stream.indirect.scatter.add.f32 [tilespmem:s14], [sflag:$0x1], $0x10, s4, s19, $0xb8;
	[tilespmem:$0x5820] =	vst v63  }
0x106: {  	_ =	swait.ge [sflag:s15], $0x500  }
0x107: {  	[sflag:s15] =	ssyncset.done $0x0  }
0x108: {  	[sflag:s15] =	ssyncadd.s32 $0xFFFFFB00  }
0x109: {  	[spmem:s3] =	stream.indirect.scatter.add.f32 [tilespmem:s14], [sflag:$0x1], $0x10, s19, s19, $0xb8;
	[tilespmem:$0x5820] =	vst v63  }
0x10a: {  	_ =	swait.ge [sflag:s15], $0x500  }
0x10b: {  	[sflag:s15] =	ssyncset.done $0x0  }
0x10c: {  	[sflag:s15] =	ssyncadd.s32 $0xFFFFFB00  }
0x10d: {  	[spmem:s3] =	stream.indirect.scatter.add.f32 [tilespmem:s14], [sflag:$0x1], $0x10, s20, s19, $0xb8;
	[tilespmem:$0x5820] =	vst v63  }
0x10e: {  	_ =	swait.ge [sflag:s15], $0x500  }
0x10f: {  	[sflag:s15] =	ssyncset.done $0x0  }
0x110: {  	[sflag:s15] =	ssyncadd.s32 $0xFFFFFB00  }
0x111: {  	[spmem:s3] =	stream.indirect.scatter.add.f32 [tilespmem:s14], [sflag:$0x1], $0x10, s21, s19, $0xb8;
	[tilespmem:$0x5820] =	vst v63  }
0x112: {  	_ =	swait.ge [sflag:s15], $0x500  }
0x113: {  	[sflag:s15] =	ssyncset.done $0x0  }
0x114: {  	[sflag:s15] =	ssyncadd.s32 $0xFFFFFB00  }
0x115: {  	[spmem:s3] =	stream.indirect.scatter.add.f32 [tilespmem:s14], [sflag:$0x1], $0x10, s22, s19, $0xb8;
	[tilespmem:$0x5820] =	vst v63  }
0x116: {  	_ =	swait.ge [sflag:s15], $0x500  }
0x117: {  	[sflag:s15] =	ssyncset.done $0x0  }
0x118: {  	[sflag:s15] =	ssyncadd.s32 $0xFFFFFB00  }
0x119: {  	[spmem:s3] =	stream.indirect.scatter.add.f32 [tilespmem:s14], [sflag:$0x1], $0x10, s23, s19, $0xb8;
	[tilespmem:$0x5820] =	vst v63  }
0x11a: {  	_ =	swait.ge [sflag:s15], $0x500  }
0x11b: {  	[sflag:s15] =	ssyncset.done $0x0  }
0x11c: {  	[sflag:s15] =	ssyncadd.s32 $0xFFFFFB00  }
0x11d: {  	[spmem:s3] =	stream.indirect.scatter.add.f32 [tilespmem:s14], [sflag:$0x1], $0x10, s24, s19, $0xb8;
	[tilespmem:$0x5820] =	vst v63  }
0x11e: {  	_ =	swait.ge [sflag:s15], $0x500  }
0x11f: {  	[sflag:s15] =	ssyncset.done $0x0  }
0x120: {  	[sflag:s15] =	ssyncadd.s32 $0xFFFFFB00  }
0x121: {  	[spmem:s3] =	stream.indirect.scatter.add.f32 [tilespmem:s14], [sflag:$0x1], $0x10, s25, s19, $0xb8;
	[tilespmem:$0x5820] =	vst v63  }
0x122: {  	_ =	swait.ge [sflag:s15], $0x500  }
0x123: {  	[sflag:s15] =	ssyncset.done $0x0  }
0x124: {  	[sflag:s15] =	ssyncadd.s32 $0xFFFFFB00  }
0x125: {  	[spmem:s3] =	stream.indirect.scatter.add.f32 [tilespmem:s14], [sflag:$0x1], $0x10, s26, s19, $0xb8;
	[tilespmem:$0x5820] =	vst v63  }
0x126: {  	_ =	swait.ge [sflag:s15], $0x500  }
0x127: {  	[sflag:s15] =	ssyncset.done $0x0  }
0x128: {  	[sflag:s15] =	ssyncadd.s32 $0xFFFFFB00  }
0x129: {  	[spmem:s3] =	stream.indirect.scatter.add.f32 [tilespmem:s14], [sflag:$0x1], $0x10, s28, s19, $0xb8;
	[tilespmem:$0x5820] =	vst v63  }
0x12a: {  	_ =	swait.ge [sflag:s15], $0x500  }
0x12b: {  	[sflag:s15] =	ssyncset.done $0x0  }
0x12c: {  	[sflag:s15] =	ssyncadd.s32 $0xFFFFFB00  }
0x12d: {  	[spmem:s3] =	stream.indirect.scatter.add.f32 [tilespmem:s14], [sflag:$0x1], $0x10, s29, s19, $0xb8;
	[tilespmem:$0x5820] =	vst v63  }
0x12e: {  	_ =	swait.ge [sflag:s15], $0x500  }
0x12f: {  	[sflag:s15] =	ssyncset.done $0x0  }
0x130: {  	[sflag:s15] =	ssyncadd.s32 $0xFFFFFB00  }
0x131: {  	[spmem:s3] =	stream.indirect.scatter.add.f32 [tilespmem:s14], [sflag:$0x1], $0x10, s30, s19, $0xb8;
	[tilespmem:$0x5820] =	vst v63  }
0x132: {  	_ =	swait.ge [sflag:s15], $0x500  }
0x133: {  	[sflag:s15] =	ssyncset.done $0x0  }
0x134: {  	[sflag:s15] =	ssyncadd.s32 $0xFFFFFB00  }
0x135: {  	[spmem:s3] =	stream.indirect.scatter.add.f32 [tilespmem:s14], [sflag:$0x1], $0x10, s31, s19, $0xb8;
	[tilespmem:$0x5820] =	vst v63  }
0x136: {  	_ =	swait.ge [sflag:s15], $0x500  }
0x137: {  	[sflag:s15] =	ssyncset.done $0x0  }
0x138: {  	[sflag:s15] =	ssyncadd.s32 $0xFFFFFB00  }
0x139: {  	[spmem:s3] =	stream.indirect.scatter.add.f32 [tilespmem:s14], [sflag:$0x1], $0x10, s0, s19, $0xb8;
	[tilespmem:$0x5820] =	vst v63  }
0x13a: {  	_ =	swait.ge [sflag:s15], $0x500  }
0x13b: {  	[sflag:s15] =	ssyncset.done $0x0  }
0x13c: {  	[sflag:s15] =	ssyncadd.s32 $0xFFFFFB00  }
0x13d: {  	[spmem:s3] =	stream.indirect.scatter.add.f32 [tilespmem:s14], [sflag:$0x1], $0x10, s1, s19, $0xb8;
	[tilespmem:$0x5820] =	vst v63  }
0x13e: {  	_ =	swait.ge [sflag:s15], $0x500  }
0x13f: {  	[sflag:s15] =	ssyncset.done $0x0  }
0x140: {  	p2 =	sne.s32 s10, $0x1;
	[sflag:s15] =	ssyncadd.s32 $0xFFFFFB00  }
0x141: {  	[spmem:s3] =	stream.indirect.scatter.add.f32 [tilespmem:s14], [sflag:$0x1], $0x10, s7, s19, $0xb8;
	[tilespmem:$0x5820] =	vst v63  }
.Ltmp4:
0x142: {  	_ = 	snop;
	(pc) =	sbr.rel @!p2 .LBB2_9-.Ltmp4, $4  }
0x143: {  	_ =	swait.ge [sflag:s15], $0x500  }
0x144: {  	s18 =	rddreg [dreg:$0xb]  }
0x145: {  	s8 =	sadd.s32 $0xFFFFFFFF, s10;
	s10 =	sadd.s32 $0xA000, s18  }
0x146: {  	p1 =	por $0x1, $0x1;
	[sflag:s15] =	ssyncset.done $0x0;
	s17 =	sshrl.u32 s10, $0x3  }
.LBB2_8:
0x147: {  	p2 =	sne.s32 s8, $0x1;
	s11 =	sadd.s32 s6, s17;
	[sflag:s15] =	ssyncadd.s32 $0xFFFFFB00  }
0x148: {  	[tilespmem:s4], [sflag:$0x1] =	stream.linear.gather [hbm4b:s11+s4], $0x500, $0x38;
	[tilespmem:$0x5820] =	vst v63  }
0x149: {  	s8 =	sadd.s32 $0xFFFFFFFF, s8;
	_ =	swait.ge [sflag:s15], $0x500  }
0x14a: {  	[sflag:s15] =	ssyncset.done $0x0  }
0x14b: {  	[sflag:s15] =	ssyncadd.s32 $0xFFFFFB00  }
0x14c: {  	[spmem:s3] =	stream.indirect.scatter.add.f32 [tilespmem:s14], [sflag:$0x1], $0x10, s4, s19, $0xb8;
	[tilespmem:$0x5820] =	vst v63  }
0x14d: {  	_ =	swait.ge [sflag:s15], $0x500  }
0x14e: {  	[sflag:s15] =	ssyncset.done $0x0  }
0x14f: {  	[sflag:s15] =	ssyncadd.s32 $0xFFFFFB00  }
0x150: {  	[spmem:s3] =	stream.indirect.scatter.add.f32 [tilespmem:s14], [sflag:$0x1], $0x10, s19, s19, $0xb8;
	[tilespmem:$0x5820] =	vst v63  }
0x151: {  	_ =	swait.ge [sflag:s15], $0x500  }
0x152: {  	[sflag:s15] =	ssyncset.done $0x0  }
0x153: {  	[sflag:s15] =	ssyncadd.s32 $0xFFFFFB00  }
0x154: {  	[spmem:s3] =	stream.indirect.scatter.add.f32 [tilespmem:s14], [sflag:$0x1], $0x10, s20, s19, $0xb8;
	[tilespmem:$0x5820] =	vst v63  }
0x155: {  	_ =	swait.ge [sflag:s15], $0x500  }
0x156: {  	[sflag:s15] =	ssyncset.done $0x0  }
0x157: {  	[sflag:s15] =	ssyncadd.s32 $0xFFFFFB00  }
0x158: {  	[spmem:s3] =	stream.indirect.scatter.add.f32 [tilespmem:s14], [sflag:$0x1], $0x10, s21, s19, $0xb8;
	[tilespmem:$0x5820] =	vst v63  }
0x159: {  	_ =	swait.ge [sflag:s15], $0x500  }
0x15a: {  	[sflag:s15] =	ssyncset.done $0x0  }
0x15b: {  	[sflag:s15] =	ssyncadd.s32 $0xFFFFFB00  }
0x15c: {  	[spmem:s3] =	stream.indirect.scatter.add.f32 [tilespmem:s14], [sflag:$0x1], $0x10, s22, s19, $0xb8;
	[tilespmem:$0x5820] =	vst v63  }
0x15d: {  	_ =	swait.ge [sflag:s15], $0x500  }
0x15e: {  	[sflag:s15] =	ssyncset.done $0x0  }
0x15f: {  	[sflag:s15] =	ssyncadd.s32 $0xFFFFFB00  }
0x160: {  	[spmem:s3] =	stream.indirect.scatter.add.f32 [tilespmem:s14], [sflag:$0x1], $0x10, s23, s19, $0xb8;
	[tilespmem:$0x5820] =	vst v63  }
0x161: {  	_ =	swait.ge [sflag:s15], $0x500  }
0x162: {  	[sflag:s15] =	ssyncset.done $0x0  }
0x163: {  	[sflag:s15] =	ssyncadd.s32 $0xFFFFFB00  }
0x164: {  	[spmem:s3] =	stream.indirect.scatter.add.f32 [tilespmem:s14], [sflag:$0x1], $0x10, s24, s19, $0xb8;
	[tilespmem:$0x5820] =	vst v63  }
0x165: {  	_ =	swait.ge [sflag:s15], $0x500  }
0x166: {  	[sflag:s15] =	ssyncset.done $0x0  }
0x167: {  	[sflag:s15] =	ssyncadd.s32 $0xFFFFFB00  }
0x168: {  	[spmem:s3] =	stream.indirect.scatter.add.f32 [tilespmem:s14], [sflag:$0x1], $0x10, s25, s19, $0xb8;
	[tilespmem:$0x5820] =	vst v63  }
0x169: {  	_ =	swait.ge [sflag:s15], $0x500  }
0x16a: {  	[sflag:s15] =	ssyncset.done $0x0  }
0x16b: {  	[sflag:s15] =	ssyncadd.s32 $0xFFFFFB00  }
0x16c: {  	[spmem:s3] =	stream.indirect.scatter.add.f32 [tilespmem:s14], [sflag:$0x1], $0x10, s26, s19, $0xb8;
	[tilespmem:$0x5820] =	vst v63  }
0x16d: {  	_ =	swait.ge [sflag:s15], $0x500  }
0x16e: {  	[sflag:s15] =	ssyncset.done $0x0  }
0x16f: {  	[sflag:s15] =	ssyncadd.s32 $0xFFFFFB00  }
0x170: {  	[spmem:s3] =	stream.indirect.scatter.add.f32 [tilespmem:s14], [sflag:$0x1], $0x10, s28, s19, $0xb8;
	[tilespmem:$0x5820] =	vst v63  }
0x171: {  	_ =	swait.ge [sflag:s15], $0x500  }
0x172: {  	[sflag:s15] =	ssyncset.done $0x0  }
0x173: {  	[sflag:s15] =	ssyncadd.s32 $0xFFFFFB00  }
0x174: {  	[spmem:s3] =	stream.indirect.scatter.add.f32 [tilespmem:s14], [sflag:$0x1], $0x10, s29, s19, $0xb8;
	[tilespmem:$0x5820] =	vst v63  }
0x175: {  	_ =	swait.ge [sflag:s15], $0x500  }
0x176: {  	[sflag:s15] =	ssyncset.done $0x0  }
0x177: {  	[sflag:s15] =	ssyncadd.s32 $0xFFFFFB00  }
0x178: {  	[spmem:s3] =	stream.indirect.scatter.add.f32 [tilespmem:s14], [sflag:$0x1], $0x10, s30, s19, $0xb8;
	[tilespmem:$0x5820] =	vst v63  }
0x179: {  	_ =	swait.ge [sflag:s15], $0x500  }
0x17a: {  	[sflag:s15] =	ssyncset.done $0x0  }
0x17b: {  	[sflag:s15] =	ssyncadd.s32 $0xFFFFFB00  }
0x17c: {  	[spmem:s3] =	stream.indirect.scatter.add.f32 [tilespmem:s14], [sflag:$0x1], $0x10, s31, s19, $0xb8;
	[tilespmem:$0x5820] =	vst v63  }
0x17d: {  	_ =	swait.ge [sflag:s15], $0x500  }
0x17e: {  	[sflag:s15] =	ssyncset.done $0x0  }
0x17f: {  	[sflag:s15] =	ssyncadd.s32 $0xFFFFFB00  }
0x180: {  	[spmem:s3] =	stream.indirect.scatter.add.f32 [tilespmem:s14], [sflag:$0x1], $0x10, s0, s19, $0xb8;
	[tilespmem:$0x5820] =	vst v63  }
0x181: {  	_ =	swait.ge [sflag:s15], $0x500  }
0x182: {  	[sflag:s15] =	ssyncset.done $0x0  }
0x183: {  	[sflag:s15] =	ssyncadd.s32 $0xFFFFFB00  }
0x184: {  	[spmem:s3] =	stream.indirect.scatter.add.f32 [tilespmem:s14], [sflag:$0x1], $0x10, s1, s19, $0xb8;
	[tilespmem:$0x5820] =	vst v63  }
0x185: {  	_ =	swait.ge [sflag:s15], $0x500  }
.Ltmp5:
0x186: {  	[sflag:s15] =	ssyncset.done $0x0;
	(pc) =	sbr.rel @p2 .LBB2_8-.Ltmp5, $4  }
0x187: {  	[sflag:s15] =	ssyncadd.s32 $0xFFFFFB00  }
0x188: {  	[spmem:s3] =	stream.indirect.scatter.add.f32 [tilespmem:s14], [sflag:$0x1], $0x10, s7, s19, $0xb8;
	[tilespmem:$0x5820] =	vst v63  }
0x189: {  	s10 =	sadd.s32 $0xA000, s10;
	_ =	swait.ge [sflag:s15], $0x500  }
0x18a: {  	s17 =	sshrl.u32 s10, $0x3;
	[sflag:s15] =	ssyncset.done $0x0  }
.LBB2_9:
0x18b: {  	s8 =	sadd.s32 s6, s17;
	[sflag:s15] =	ssyncadd.s32 @p1 $0xFFFFFB00  }
0x18c: {  	[tilespmem:s4], [sflag:$0x1] =	stream.linear.gather [hbm4b:s8+s4], $0x500, $0x38;
	[tilespmem:$0x5820] =	vst v63  }
0x18d: {  	_ =	swait.ge [sflag:s15], $0x500  }
0x18e: {  	[sflag:s15] =	ssyncset.done $0x0  }
0x18f: {  	[sflag:s15] =	ssyncadd.s32 $0xFFFFFB00  }
0x190: {  	[spmem:s3] =	stream.indirect.scatter.add.f32 [tilespmem:s14], [sflag:$0x1], $0x10, s4, s19, $0xb8;
	[tilespmem:$0x5820] =	vst v63  }
0x191: {  	_ =	swait.ge [sflag:s15], $0x500  }
0x192: {  	[sflag:s15] =	ssyncset.done $0x0  }
0x193: {  	[sflag:s15] =	ssyncadd.s32 $0xFFFFFB00  }
0x194: {  	[spmem:s3] =	stream.indirect.scatter.add.f32 [tilespmem:s14], [sflag:$0x1], $0x10, s19, s19, $0xb8;
	[tilespmem:$0x5820] =	vst v63  }
0x195: {  	_ =	swait.ge [sflag:s15], $0x500  }
0x196: {  	[sflag:s15] =	ssyncset.done $0x0  }
0x197: {  	[sflag:s15] =	ssyncadd.s32 $0xFFFFFB00  }
0x198: {  	[spmem:s3] =	stream.indirect.scatter.add.f32 [tilespmem:s14], [sflag:$0x1], $0x10, s20, s19, $0xb8;
	[tilespmem:$0x5820] =	vst v63  }
0x199: {  	_ =	swait.ge [sflag:s15], $0x500  }
0x19a: {  	[sflag:s15] =	ssyncset.done $0x0  }
0x19b: {  	[sflag:s15] =	ssyncadd.s32 $0xFFFFFB00  }
0x19c: {  	[spmem:s3] =	stream.indirect.scatter.add.f32 [tilespmem:s14], [sflag:$0x1], $0x10, s21, s19, $0xb8;
	[tilespmem:$0x5820] =	vst v63  }
0x19d: {  	_ =	swait.ge [sflag:s15], $0x500  }
0x19e: {  	[sflag:s15] =	ssyncset.done $0x0  }
0x19f: {  	[sflag:s15] =	ssyncadd.s32 $0xFFFFFB00  }
0x1a0: {  	[spmem:s3] =	stream.indirect.scatter.add.f32 [tilespmem:s14], [sflag:$0x1], $0x10, s22, s19, $0xb8;
	[tilespmem:$0x5820] =	vst v63  }
0x1a1: {  	_ =	swait.ge [sflag:s15], $0x500  }
0x1a2: {  	[sflag:s15] =	ssyncset.done $0x0  }
0x1a3: {  	[sflag:s15] =	ssyncadd.s32 $0xFFFFFB00  }
0x1a4: {  	[spmem:s3] =	stream.indirect.scatter.add.f32 [tilespmem:s14], [sflag:$0x1], $0x10, s23, s19, $0xb8;
	[tilespmem:$0x5820] =	vst v63  }
0x1a5: {  	_ =	swait.ge [sflag:s15], $0x500  }
0x1a6: {  	[sflag:s15] =	ssyncset.done $0x0  }
0x1a7: {  	[sflag:s15] =	ssyncadd.s32 $0xFFFFFB00  }
0x1a8: {  	[spmem:s3] =	stream.indirect.scatter.add.f32 [tilespmem:s14], [sflag:$0x1], $0x10, s24, s19, $0xb8;
	[tilespmem:$0x5820] =	vst v63  }
0x1a9: {  	_ =	swait.ge [sflag:s15], $0x500  }
0x1aa: {  	[sflag:s15] =	ssyncset.done $0x0  }
0x1ab: {  	[sflag:s15] =	ssyncadd.s32 $0xFFFFFB00  }
0x1ac: {  	[spmem:s3] =	stream.indirect.scatter.add.f32 [tilespmem:s14], [sflag:$0x1], $0x10, s25, s19, $0xb8;
	[tilespmem:$0x5820] =	vst v63  }
0x1ad: {  	_ =	swait.ge [sflag:s15], $0x500  }
0x1ae: {  	[sflag:s15] =	ssyncset.done $0x0  }
0x1af: {  	[sflag:s15] =	ssyncadd.s32 $0xFFFFFB00  }
0x1b0: {  	[spmem:s3] =	stream.indirect.scatter.add.f32 [tilespmem:s14], [sflag:$0x1], $0x10, s26, s19, $0xb8;
	[tilespmem:$0x5820] =	vst v63  }
0x1b1: {  	_ =	swait.ge [sflag:s15], $0x500  }
0x1b2: {  	[sflag:s15] =	ssyncset.done $0x0  }
0x1b3: {  	[sflag:s15] =	ssyncadd.s32 $0xFFFFFB00  }
0x1b4: {  	[spmem:s3] =	stream.indirect.scatter.add.f32 [tilespmem:s14], [sflag:$0x1], $0x10, s28, s19, $0xb8;
	[tilespmem:$0x5820] =	vst v63  }
0x1b5: {  	_ =	swait.ge [sflag:s15], $0x500  }
0x1b6: {  	[sflag:s15] =	ssyncset.done $0x0  }
0x1b7: {  	[sflag:s15] =	ssyncadd.s32 $0xFFFFFB00  }
0x1b8: {  	[spmem:s3] =	stream.indirect.scatter.add.f32 [tilespmem:s14], [sflag:$0x1], $0x10, s29, s19, $0xb8;
	[tilespmem:$0x5820] =	vst v63  }
0x1b9: {  	_ =	swait.ge [sflag:s15], $0x500  }
0x1ba: {  	[sflag:s15] =	ssyncset.done $0x0  }
0x1bb: {  	[sflag:s15] =	ssyncadd.s32 $0xFFFFFB00  }
0x1bc: {  	[spmem:s3] =	stream.indirect.scatter.add.f32 [tilespmem:s14], [sflag:$0x1], $0x10, s30, s19, $0xb8;
	[tilespmem:$0x5820] =	vst v63  }
0x1bd: {  	_ =	swait.ge [sflag:s15], $0x500  }
0x1be: {  	[sflag:s15] =	ssyncset.done $0x0  }
0x1bf: {  	[sflag:s15] =	ssyncadd.s32 $0xFFFFFB00  }
0x1c0: {  	[spmem:s3] =	stream.indirect.scatter.add.f32 [tilespmem:s14], [sflag:$0x1], $0x10, s31, s19, $0xb8;
	[tilespmem:$0x5820] =	vst v63  }
0x1c1: {  	_ =	swait.ge [sflag:s15], $0x500  }
0x1c2: {  	[sflag:s15] =	ssyncset.done $0x0  }
0x1c3: {  	[sflag:s15] =	ssyncadd.s32 $0xFFFFFB00  }
0x1c4: {  	[spmem:s3] =	stream.indirect.scatter.add.f32 [tilespmem:s14], [sflag:$0x1], $0x10, s0, s19, $0xb8;
	[tilespmem:$0x5820] =	vst v63  }
0x1c5: {  	_ =	swait.ge [sflag:s15], $0x500  }
0x1c6: {  	[sflag:s15] =	ssyncset.done $0x0  }
0x1c7: {  	[sflag:s15] =	ssyncadd.s32 $0xFFFFFB00  }
0x1c8: {  	[spmem:s3] =	stream.indirect.scatter.add.f32 [tilespmem:s14], [sflag:$0x1], $0x10, s1, s19, $0xb8;
	[tilespmem:$0x5820] =	vst v63  }
0x1c9: {  	_ =	swait.ge [sflag:s15], $0x500  }
0x1ca: {  	[sflag:s15] =	ssyncset.done $0x0  }
0x1cb: {  	[sflag:s15] =	ssyncadd.s32 $0xFFFFFB00  }
0x1cc: {  	[spmem:s3] =	stream.indirect.scatter.add.f32 [tilespmem:s14], [sflag:$0x1], $0x10, s7, s19, $0xb8;
	[tilespmem:$0x5820] =	vst v63  }
0x1cd: {  	_ =	swait.ge [sflag:s15], $0x500  }
0x1ce: {  	[sflag:s15] =	ssyncset.done $0x0  }
0x1cf: {  	[sflag:s15] =	ssyncadd.s32 $0xFFFFFB00  }
0x1d0: {  	[bflag:$0x0] =	sbarrier.arrive $0xFFFF  }
0x1d1: {  	s8 =	rddreg [dreg:$0x7]  }
0x1d2: {  	[hbm:s8], [sflag:s16] =	dma.local @!p0 [spmem:s12], $0x7D0  }
0x1d3: {  	s8 =	simm.s32 @!p0 $0x1  }
0x1d4: {  	_ =	swait.ge @!p0 [sflag:s8], $0x7D0  }
0x1d5: {  	[sflag:s8] =	ssyncset.done @!p0 $0x0  }
0x1d6: {  	s10 =	rddreg [dreg:$0x8];
	[sflag:s8] =	ssyncadd.s32 @!p0 $0xFFFFF830  }
0x1d7: {  	[hbm:s10], [sflag:s16] =	dma.local @!p0 [spmem:s13], $0x7D0  }
0x1d8: {  	_ =	swait.ge @!p0 [sflag:s8], $0x7D0  }
0x1d9: {  	s9 =	sadd.s32 $0x1, s9;
	s18 =	rddreg [dreg:$0x9]  }
0x1da: {  	p1 =	sne.s32 s9, s18  }
.Ltmp6:
0x1db: {  	_ = 	snop;
	(pc) =	sbr.rel @p1 .LBB2_1-.Ltmp6, $4  }
.Ltmp7:
0x1dc: {  	_ = 	snop;
	(pc) =	sbr.rel @!p1 .LBB2_10-.Ltmp7, $4  }
0x1dd: {  	_ = 	snop  }
0x1de: {  	[sflag:s8] =	ssyncset.done @!p0 $0x0  }
0x1df: {  	[sflag:s8] =	ssyncadd.s32 @!p0 $0xFFFFF830  }
0x1e0: {  	_ = 	snop  }
.LBB2_3:
.Ltmp8:
0x1e1: {  	(pc) =	sbr.rel .LBB2_6-.Ltmp8, $2  }
0x1e2: {  	_ =	sdelay $0x2  }
0x1e3: {  	s12 =	smov.u32 s18  }
.LBB2_10:
0x1e4: {  	_ =	sfence.sel $0x180000  }
0x1e5: {  	[bflag:$0x0] =	sbarrier.arrive $0xFFFF  }
0x1e6: {  	_ =	strace $0x90000047  }
0x1e7: {  	s0 =	stileid.u32;
	[bflag:$0x2] =	sbarrier.arrive $0xFFFF  }
0x1e8: {  	p0 =	sne.s32 s0, $0x0;
	s0 =	rddreg [dreg:$0x4]  }
0x1e9: {  	s0 =	sadd.s32 @!p0 $0x100000, s0  }
0x1ea: {  	[sflag:s0] =	ssyncadd.tile.s32 @!p0 $0x1;
	_ =	shalt  }
.Lfunc_end2:
_tile_overlayer_lowered:
.L_overlay_start_2:
0x1eb: {  	(tag) =	ssettag $0x2  }
0x1ec: {  	s0 =	rddreg [dreg:$0x0];
	s2 =	stileid.u32  }
0x1ed: {  	s1 =	rddreg [dreg:$0x1];
	p0 =	sne.s32 s2, $0x0  }
0x1ee: {  	s3 =	rddreg [dreg:$0x2];
	[bflag:$0x3] =	sbarrier.arrive $0xFFFF;
	s2 =	simm.s32 @!p0 $0x1C01  }
0x1ef: {  	[timem:s3], [sflag:s2] =	dma.local @!p0 [hbm:s0], s1  }
0x1f0: {  	s0 =	simm.s32 @!p0 $0x1  }
0x1f1: {  	_ =	swait.ge @!p0 [sflag:s0], s1  }
0x1f2: {  	s1 =	ssub.s32 @!p0 $0x0, s1;
	[sflag:s0] =	ssyncset.done @!p0 $0x0  }
0x1f3: {  	[sflag:s0] =	ssyncadd.s32 @!p0 s1  }
0x1f4: {  	[bflag:$0x3] =	sbarrier.arrive $0xFFFF  }
0x1f5: {  	_ =	shalt  }

// kernel: kernel.13.cloned.1.call-start
scs
__scs_entry_jumppad:
0x0: {  	(pc) =	sbr.rel $0x88, $3  }
0x1: {  	(tag) =	ssettag $0x0;
	lr =	simm.s32 $0x1  }
0x2: {  	[smem:$0x3F95] =	sst lr;
	_ =	strace $0xD0000000  }
0x3: {  	_ = 	snop  }
0x4: {  	_ = 	snop  }
0x5: {  	_ = 	snop  }
0x6: {  	_ = 	snop  }
0x7: {  	_ = 	snop  }
__scs_overlays_trampoline_lowered:
0x8: {  	[smem:$0x3FA4] =	sst s0  }
0x9: {  	[smem:$0x3FA5] =	sst s1  }
0xa: {  	[smem:$0x3FA6] =	sst s2  }
0xb: {  	[smem:$0x3FA7] =	sst s3  }
0xc: {  	[smem:$0x3FA8] =	sst s4  }
0xd: {  	[smem:$0x3FA9] =	sst s5  }
0xe: {  	[smem:$0x3FAA] =	sst s6  }
0xf: {  	[smem:$0x3FAB] =	sst s7  }
0x10: {  	[smem:$0x3FAC] =	sst s8  }
0x11: {  	[smem:$0x3FAD] =	sst s9;
	s0 =	simm.s32 @!p0 $0x0  }
0x12: {  	s1 =	sld [smem:$0x3F93];
	s0 =	simm.s32 @p0 $0x1  }
0x13: {  	[smem:$0x3FAE] =	sst s0;
	s0 =	simm.s32 @!p1 $0x0  }
0x14: {  	s2 =	sld [smem:$0x3F92];
	s0 =	simm.s32 @p1 $0x1  }
0x15: {  	[smem:$0x3FAF] =	sst s0;
	s0 =	simm.s32 @!p2 $0x0  }
0x16: {  	s3 =	sld [smem:$0x3FDB];
	s0 =	simm.s32 @p2 $0x1  }
0x17: {  	s4 =	simm.s32 $0x1BF5;
	[smem:$0x3FB1] =	sst s0  }
0x18: {  	s0 =	sld [smem:$0x3F94];
	_ =	swait.ge [sflag:s4], $0x0  }
0x19: {  	s7 =	sld [smem:$0x3F95]  }
0x1a: {  	s8 =	sadd.s32 $0xFFFFE003, lr  }
0x1b: {  	s9 =	sadd.s32 $0xFFFFFEF7, lr;
	s5 =	simm.s32 $0xFFFFFFFF;
	p2 =	slt.u32 s8, $0xFFFFF086  }
0x1c: {  	p1 =	slt.u32 s9, $0xF7A;
	s5 =	simm.s32 @!p2 $0x0  }
0x1d: {  	s5 =	simm.s32 @p1 $0x1;
	p0 =	seq.s32 s7, s2  }
0x1e: {  	s7 =	smul.u32 @!p0 $0xF7A, s2;
	p2 =	seq.s32 @!p0 s5, $0x0  }
0x1f: {  	s9 =	smul.u32 $0xF7A, s1;
	s8 =	simm.s32 @!p0 $0x1BF5;
	p2 =	por !p2, p0  }
0x20: {  	[sflag:s8] =	ssyncset.s32 @!p0 $0xFFFFF086;
	s6 =	sadd.s32 @!p0 s3, s7;
	s7 =	simm.s32 @!p0 $0x108  }
0x21: {  	s3 =	sadd.s32 s3, s9;
	s6 =	sadd.s32 @!p0 $0x88, s6;
	s7 =	simm.s32 @p2 $0x1082  }
0x22: {  	[simem:s7], [sflag:s8] =	dma.local @!p0 [hbm:s6], $0xF7A  }
0x23: {  	s9 =	sor.u32 $0xD0000000, s2;
	s6 =	simm.s32 $0x108;
	_ =	swait.ge @!p0 [sflag:s8], $0x0  }
0x24: {  	s3 =	sadd.s32 $0x88, s3;
	s6 =	simm.s32 @!p1 $0x1082;
	[sflag:s4] =	ssyncset.s32 $0xFFFFF086  }
0x25: {  	[simem:s6], [sflag:s4] =	dma.local [hbm:s3], $0xF7A  }
0x26: {  	[smem:$0x3F95] =	sst s1;
	(tag) =	ssettag s2;
	_ =	strace s9  }
0x27: {  	s1 =	sld [smem:$0x3FA5]  }
0x28: {  	s2 =	sld [smem:$0x3FA6]  }
0x29: {  	s4 =	sld [smem:$0x3FA8]  }
0x2a: {  	p0 =	seq.s32 s5, $0x0;
	s5 =	sld [smem:$0x3FA9]  }
0x2b: {  	s6 =	sld [smem:$0x3FAA]  }
0x2c: {  	s7 =	sld [smem:$0x3FAB]  }
0x2d: {  	s3 =	simm.s32 $0x108;
	s8 =	sld [smem:$0x3FAC]  }
0x2e: {  	s3 =	simm.s32 @!p0 $0x1082;
	s9 =	sld [smem:$0x3FAD]  }
0x2f: {  	lr =	sadd.s32 s0, s3;
	s0 =	sld [smem:$0x3FA4]  }
0x30: {  	s3 =	sld [smem:$0x3FA7]  }
0x31: {  	[smem:$0x3FB0] =	sst s10  }
0x32: {  	s10 =	sld [smem:$0x3FAE];
	_ =	sdelay $0x3  }
0x33: {  	p0 =	seq.s32 s10, $0x1;
	s10 =	sld [smem:$0x3FB0];
	_ =	sdelay $0x3  }
0x34: {  	[smem:$0x3FB0] =	sst s10  }
0x35: {  	s10 =	sld [smem:$0x3FAF];
	_ =	sdelay $0x3  }
0x36: {  	p1 =	seq.s32 s10, $0x1;
	s10 =	sld [smem:$0x3FB0];
	_ =	sdelay $0x3  }
0x37: {  	[smem:$0x3FB0] =	sst s10  }
0x38: {  	s10 =	sld [smem:$0x3FB1]  }
0x39: {  	_ = 	snop;
	(pc) =	sbr.ind lr, $3  }
0x3a: {  	_ = 	snop  }
0x3b: {  	_ = 	snop  }
0x3c: {  	p2 =	seq.s32 s10, $0x1;
	s10 =	sld [smem:$0x3FB0]  }
0x3d: {  	_ =	shalt  }
0x3e: {  	_ =	shalt  }
0x3f: {  	_ =	shalt  }
0x40: {  	_ =	shalt  }
0x41: {  	_ =	shalt  }
0x42: {  	_ =	shalt  }
0x43: {  	_ =	shalt  }
0x44: {  	_ =	shalt  }
0x45: {  	_ =	shalt  }
0x46: {  	_ =	shalt  }
0x47: {  	_ =	shalt  }
0x48: {  	_ =	shalt  }
0x49: {  	_ =	shalt  }
0x4a: {  	_ =	shalt  }
0x4b: {  	_ =	shalt  }
0x4c: {  	_ =	shalt  }
0x4d: {  	_ =	shalt  }
0x4e: {  	_ =	shalt  }
0x4f: {  	_ =	shalt  }
0x50: {  	_ =	shalt  }
0x51: {  	_ =	shalt  }
0x52: {  	_ =	shalt  }
0x53: {  	_ =	shalt  }
0x54: {  	_ =	shalt  }
0x55: {  	_ =	shalt  }
0x56: {  	_ =	shalt  }
0x57: {  	_ =	shalt  }
0x58: {  	_ =	shalt  }
0x59: {  	_ =	shalt  }
0x5a: {  	_ =	shalt  }
0x5b: {  	_ =	shalt  }
0x5c: {  	_ =	shalt  }
0x5d: {  	_ =	shalt  }
0x5e: {  	_ =	shalt  }
0x5f: {  	_ =	shalt  }
0x60: {  	_ =	shalt  }
0x61: {  	_ =	shalt  }
0x62: {  	_ =	shalt  }
0x63: {  	_ =	shalt  }
0x64: {  	_ =	shalt  }
0x65: {  	_ =	shalt  }
0x66: {  	_ =	shalt  }
0x67: {  	_ =	shalt  }
0x68: {  	_ =	shalt  }
0x69: {  	_ =	shalt  }
0x6a: {  	_ =	shalt  }
0x6b: {  	_ =	shalt  }
0x6c: {  	_ =	shalt  }
0x6d: {  	_ =	shalt  }
0x6e: {  	_ =	shalt  }
0x6f: {  	_ =	shalt  }
0x70: {  	_ =	shalt  }
0x71: {  	_ =	shalt  }
0x72: {  	_ =	shalt  }
0x73: {  	_ =	shalt  }
0x74: {  	_ =	shalt  }
0x75: {  	_ =	shalt  }
0x76: {  	_ =	shalt  }
0x77: {  	_ =	shalt  }
0x78: {  	_ =	shalt  }
0x79: {  	_ =	shalt  }
0x7a: {  	_ =	shalt  }
0x7b: {  	_ =	shalt  }
0x7c: {  	_ =	shalt  }
0x7d: {  	_ =	shalt  }
0x7e: {  	_ =	shalt  }
0x7f: {  	_ =	shalt  }
0x80: {  	_ =	shalt  }
0x81: {  	_ =	shalt  }
0x82: {  	_ =	shalt  }
0x83: {  	_ =	shalt  }
0x84: {  	_ =	shalt  }
0x85: {  	_ =	shalt  }
0x86: {  	_ =	shalt  }
0x87: {  	_ =	shalt  }
.Lfunc_end0:
.L_simem_size_0:
called_computation.1_lowered:
.L_overlay_start_0:
0x88: {  	s2 =	sld [smem:$0x3FD9]  }
0x89: {  	s3 =	sld [smem:$0x3FFE];
	_ =	sdelay $0x1  }
0x8a: {  	s1 =	srdreg.scid  }
0x8b: {  	s0 =	sand.u32 $0x1, s1  }
0x8c: {  	s17 =	sshll.u32 s0, $0xA;
	s2 =	sadd.s32 s3, s2  }
0x8d: {  	s2 =	sadd.s32 s2, s17  }
0x8e: {  	[smem:$0x3FBC] =	sst s2  }
0x8f: {  	_ = 	snop  }
0x90: {  	s2 =	sld [smem:$0x3FD0];
	(tm) =	ssettm $0x1  }
0x91: {  	s18 =	sld [smem:$0x3FFB];
	_ =	sdelay $0x3  }
0x92: {  	_ =	strace s18  }
0x93: {  	s3 =	sld [smem:$0x3FFC];
	_ =	sdelay $0x3  }
0x94: {  	_ =	strace s3  }
0x95: {  	s3 =	sld [smem:$0x3FFD];
	_ =	sdelay $0x3  }
0x96: {  	_ =	strace s3  }
0x97: {  	_ =	strace $0x8FFFFFFF  }
0x98: {  	s19 =	sld [smem:$0x3FDB];
	_ =	sdelay $0x1  }
0x99: {  	s4 =	simm.s32 $_scs_section_size  }
0x9a: {  	s5 =	simm.s32 $_size__tile_overlayer_lowered;
	s6 =	simm.s32 $_tile_overlayer_lowered  }
0x9b: {  	s22 =	simm.s32 $0x1BFF;
	s21 =	sshll.u32 s6, $0x1;
	s3 =	sadd.s32 s4, s19  }
0x9c: {  	s7 =	simm.s32 $0x0;
	s20 =	sshll.u32 s5, $0x1;
	s5 =	sadd.s32 s21, s3  }
0x9d: {  	[timem:s7], [sflag:s22] =	dma.local [hbm:s5], s20  }
0x9e: {  	_ =	swait.ge [sflag:s22], s20  }
0x9f: {  	s4 =	ssub.s32 $0x0, s20;
	[sflag:s22] =	ssyncset.done $0x0  }
0xa0: {  	[sflag:s22] =	ssyncadd.s32 s4;
	_ =	sdelay $0x1  }
0xa1: {  	s23 =	simm.s32 $0x1B8B  }
0xa2: {  	_ =	swait.ge [sflag:s23], $0x1  }
0xa3: {  	[sflag:s23] =	ssyncset.done $0x0  }
0xa4: {  	s25 =	simm.s32 $0x1B8E;
	s24 =	sld [smem:$0x3FFE];
	[sflag:s23] =	ssyncadd.s32 $0xFFFFFFFF  }
0xa5: {  	s26 =	simm.s32 $execute0_lowered;
	[smem:$0x3FD2] =	sst s25  }
0xa6: {  	s5 =	sshll.u32 s26, $0x1;
	_ =	strace $0x80000049;
	[dreg:$0x1] =	wrdreg $0xFFFFFFFF  }
0xa7: {  	s28 =	simm.s32 $_size_execute0_lowered;
	s3 =	sadd.s32 s3, s5;
	[dreg:$0x0] =	wrdreg $0x0  }
0xa8: {  	s5 =	sshll.u32 s28, $0x1;
	[dreg:$0x2] =	wrdreg s3  }
0xa9: {  	[dreg:$0x3] =	wrdreg s5  }
0xaa: {  	[dreg:$0x4] =	wrdreg $0xC0  }
0xab: {  	_ =	task [dreg:s7], $0x5FFFF  }
0xac: {  	[dreg:$0x1] =	wrdreg $0xFFFFFFFF  }
0xad: {  	[dreg:$0x0] =	wrdreg $0x60  }
0xae: {  	[dreg:$0x2] =	wrdreg s2  }
0xaf: {  	[dreg:$0x3] =	wrdreg s24  }
0xb0: {  	[dreg:$0x4] =	wrdreg $0x1E000  }
0xb1: {  	[dreg:$0x5] =	wrdreg $0x9  }
0xb2: {  	_ =	task.clear_ibuf [dreg:s7], $0x6FFFF;
	_ =	strace $0x90000049  }
0xb3: {  	s29 =	simm.s32 $0x9;
	_ =	strace $0x8000004B  }
0xb4: {  	_ =	swait.ge [sflag:s29], $0x1  }
0xb5: {  	[sflag:s29] =	ssyncadd.s32 $0xFFFFFFFF  }
0xb6: {  	_ =	strace $0x9000004B  }
0xb7: {  	_ =	sfence  }
0xb8: {  	s30 =	sld [smem:$0x0];
	_ =	sdelay $0x2  }
0xb9: {  	s31 =	sshll.u32 s1, $0xD;
	s1 =	sshrl.u32 s1, $0x2  }
0xba: {  	s3 =	sand.u32 $0x4000, s31;
	s1 =	sadd.s32 s1, s30  }
0xbb: {  	s0 =	sor.u32 s3, s0;
	s1 =	sshll.u32 s1, $0x11  }
0xbc: {  	s0 =	sor.u32 s1, s0  }
0xbd: {  	s0 =	sadd.s32 $0x8F2B, s0  }
0xbe: {  	[sflag:s0] =	ssyncadd.remote.s32 $0x1  }
0xbf: {  	_ =	sfence.sel $0xFFFF  }
0xc0: {  	[dreg:$0x0] =	wrdreg $0xFFFFFFFF;
	(pc) =	sbr.abs _section_cstart, $3  }
0xc1: {  	[dreg:$0x1] =	wrdreg $0xFFFFFFFF  }
0xc2: {  	_ =	task.clear_ibuf [dreg:s7], $0x2FFFF;
	_ =	strace $0x9FFFFFFF  }
0xc3: {  	(tm) =	ssettm $0x7FFFFFFF  }
tec
execute0_lowered:
.L_overlay_start_1:
0x0: {  	(tag) =	ssettag $0x1  }
0x1: {  	s1 =	rddreg [dreg:$0x0]  }
0x2: {  	s9 =	rddreg [dreg:$0x1]  }
0x3: {  	s2 =	rddreg [dreg:$0x2]  }
0x4: {  	s0 =	rddreg [dreg:$0x3];
	s4 =	simm.s32 $0x0;
	s3 =	stileid.u32  }
0x5: {  	s8 =	srdreg.scid;
	s19 =	simm.s32 $0x50;
	s20 =	simm.s32 $0xA00  }
0x6: {  	s21 =	simm.s32 $0x1;
	[smem:$0x7FF] =	sst s4;
	s5 =	sadd.s32 $0x66C00, s9  }
0x7: {  	s12 =	smul.u32 $0xFA00, s3;
	s6 =	sadd.s32 $0xEA00, s9;
	s7 =	sadd.s32 $0x4C00, s9  }
0x8: {  	s17 =	sand.u32 $0x1, s8;
	s13 =	smul.u32 $0x3E800, s3;
	s8 =	sadd.s32 $0x7A600, s9  }
0x9: {  	p2 =	slt.u32 s3, $0xA;
	s31 =	ssub.s32 $0x109, s3;
	_ =	strace $0x8000004A  }
0xa: {  	s11 =	ssub.s32 $0x2, s17;
	p0 =	seq.s32 s17, $0x0;
	p4 =	sne.s32 s17, $0x0  }
0xb: {  	s10 =	sshrl.u32 s12, $0x3;
	s29 =	sshrl.u32 s11, $0x1;
	s30 =	sshrl.u32 s13, $0x2  }
0xc: {  	p1 =	por !p0, !p2;
	p0 =	seq.s32 s17, $0x1;
	s12 =	sadd.s32 s12, s2  }
0xd: {  	s17 =	simm.s32 $0x2;
	s14 =	sadd.s32 s10, s9;
	s15 =	ssub.s32 s11, s29  }
.Ltmp0:
0xe: {  	s16 =	sadd.s32 s30, s2;
	s9 =	sshrl.u32 s31, $0x4;
	(pc) =	sbr.rel .LBB2_1-.Ltmp0, $4  }
0xf: {  	s10 =	sshll.u32 s3, $0x4;
	p1 =	por !p1, !p1;
	p3 =	por !p2, !p0  }
0x10: {  	p2 =	sgt.u32 s3, $0x9;
	s11 =	sadd.s32 $0x90000, s14;
	p3 =	por !p3, !p3  }
0x11: {  	s13 =	sadd.s32 $0x7C600, s14;
	s18 =	sshll.u32 @!p2 s3, $0x6;
	s14 =	smax.u32 s15, $0x1  }
0x12: {  	s16 =	sshrl.u32 @!p2 s16, $0x3;
	s15 =	sor.u32 @!p2 $0x1C02, s18;
	s18 =	simm.s32 $0x500  }
.LBB2_11:
0x13: {  	s22 =	sshll.u32 @p1 s3, $0x6  }
0x14: {  	[bflag:$0x0] =	sbarrier.arrive $0xFFFF;
	s23 =	sshrl.u32 @p1 s12, $0x3;
	s22 =	sor.u32 @p1 $0x1C02, s22  }
0x15: {  	[hbm:s11], [sflag:s22] =	dma.local @p1 [spmem:s23], $0x1F40  }
0x16: {  	s22 =	simm.s32 @p1 $0x2  }
0x17: {  	s4 =	sadd.s32 $0x1, s4;
	_ =	swait.ge @p1 [sflag:s22], $0x1F40  }
0x18: {  	p5 =	sne.s32 s4, s14;
	s23 =	sshll.u32 @p3 s3, $0x6;
	[sflag:s22] =	ssyncset.done @p1 $0x0  }
0x19: {  	[sflag:s22] =	ssyncadd.s32 @p1 $0xFFFFE0C0;
	s22 =	sor.u32 @p3 $0x1C02, s23;
	s23 =	sshrl.u32 @p3 s12, $0x3  }
0x1a: {  	[hbm:s13], [sflag:s22] =	dma.local @p3 [spmem:s23], $0x1F40  }
.Ltmp1:
0x1b: {  	_ = 	snop;
	(pc) =	sbr.rel @!p5 .LBB2_12-.Ltmp1, $4  }
0x1c: {  	s22 =	simm.s32 @p3 $0x2  }
0x1d: {  	_ =	swait.ge @p3 [sflag:s22], $0x1F40  }
0x1e: {  	[sflag:s22] =	ssyncset.done @p3 $0x0  }
0x1f: {  	[sflag:s22] =	ssyncadd.s32 @p3 $0xFFFFE0C0  }
.LBB2_1:
0x20: {  	[spmem:s16], [sflag:s15] =	dma.local @!p2 [hbm:s8], $0x1F40  }
0x21: {  	s22 =	simm.s32 @!p2 $0x2  }
.Ltmp2:
0x22: {  	_ =	swait.ge @!p2 [sflag:s22], $0x1F40;
	(pc) =	sbr.rel @p4 .LBB2_6-.Ltmp2, $3  }
0x23: {  	[sflag:s22] =	ssyncset.done @!p2 $0x0  }
0x24: {  	[sflag:s22] =	ssyncadd.s32 @!p2 $0xFFFFE0C0  }
0x25: {  	[bflag:$0x0] =	sbarrier.arrive $0xFFFF;
	_ =	sdelay $0x1  }
0x26: {  	s22 =	simm.s32 $0x0;
	s23 =	simm.s32 $0x0  }
.LBB2_3:
0x27: {  	s24 =	sshll.u32 s23, $0x8  }
0x28: {  	s24 =	sor.u32 s10, s24  }
0x29: {  	s24 =	smul.u32 $0xA, s24;
	_ =	sdelay $0x1  }
0x2a: {  	s25 =	sadd.s32 s6, s24  }
0x2b: {  	[tilespmem:s22], [sflag:$0x2] =	stream.linear.gather [hbm4b:s25+s22], $0x500, $0x38;
	[tilespmem:$0xBA40] =	vst v63  }
0x2c: {  	_ =	swait.ge [sflag:s17], $0x500  }
0x2d: {  	[sflag:s17] =	ssyncset.done $0x0  }
0x2e: {  	s24 =	sadd.s32 s7, s24;
	[sflag:s17] =	ssyncadd.s32 $0xFFFFFB00  }
0x2f: {  	[tilespmem:s18], [sflag:$0x2] =	stream.linear.gather [hbm4b:s24+s22], $0x500, $0x38;
	[tilespmem:$0xBA40] =	vst v63  }
0x30: {  	_ =	swait.ge [sflag:s17], $0x500  }
0x31: {  	[sflag:s17] =	ssyncset.done $0x0  }
0x32: {  	s30 =	simm.s32 $0x0;
	[sflag:s17] =	ssyncadd.s32 $0xFFFFFB00  }
0x33: {  	[tilespmem:s20], [sflag:$0x1] =	stream.indirect.gather [hbm4b:s1+s19], $0x40, s30, s19, $0xb8;
	[tilespmem:$0xBA40] =	vst v63  }
0x34: {  	_ =	swait.ge [sflag:s21], $0x1400  }
0x35: {  	[sflag:s21] =	ssyncset.done $0x0  }
0x36: {  	s31 =	simm.s32 $0x500;
	[sflag:s21] =	ssyncadd.s32 $0xFFFFEC00  }
0x37: {  	[spmem:s2] =	stream.indirect.scatter.add.f32 [tilespmem:s20], [sflag:$0x2], $0x40, s31, s19, $0xb8;
	[tilespmem:$0xBA40] =	vst v63  }
0x38: {  	_ =	swait.ge [sflag:s17], $0x1400  }
0x39: {  	s25 =	simm.s32 $0x280;
	s24 =	simm.s32 $0x140;
	[sflag:s17] =	ssyncset.done $0x0  }
.LBB2_4:
0x3a: {  	s26 =	sshra.s32 s24, $0x2  }
0x3b: {  	[sflag:s17] =	ssyncadd.s32 $0xFFFFEC00;
	s24 =	smov.u32 s25;
	s28 =	sadd.s32 $0x140, s25  }
0x3c: {  	[tilespmem:s20], [sflag:$0x1] =	stream.indirect.gather [hbm4b:s1+s19], $0x40, s26, s19, $0xb8;
	[tilespmem:$0xBA40] =	vst v63  }
0x3d: {  	p5 =	sne.s32 s25, $0x12C0;
	_ =	swait.ge [sflag:s21], $0x1400  }
.Ltmp3:
0x3e: {  	[sflag:s21] =	ssyncset.done $0x0;
	(pc) =	sbr.rel @p5 .LBB2_4-.Ltmp3, $4  }
0x3f: {  	s25 =	sadd.s32 $0x500, s26;
	[sflag:s21] =	ssyncadd.s32 $0xFFFFEC00  }
0x40: {  	[spmem:s2] =	stream.indirect.scatter.add.f32 [tilespmem:s20], [sflag:$0x2], $0x40, s25, s19, $0xb8;
	[tilespmem:$0xBA40] =	vst v63  }
0x41: {  	_ =	swait.ge [sflag:s17], $0x1400  }
0x42: {  	s25 =	smov.u32 s28;
	[sflag:s17] =	ssyncset.done $0x0  }
0x43: {  	s24 =	sshra.s32 s24, $0x2;
	[sflag:s17] =	ssyncadd.s32 $0xFFFFEC00  }
0x44: {  	[tilespmem:s20], [sflag:$0x1] =	stream.indirect.gather [hbm4b:s1+s19], $0x40, s24, s19, $0xb8;
	[tilespmem:$0xBA40] =	vst v63  }
0x45: {  	s23 =	sadd.s32 $0x1, s23;
	_ =	swait.ge [sflag:s21], $0x1400  }
0x46: {  	p5 =	sne.s32 s23, s9;
	[sflag:s21] =	ssyncset.done $0x0  }
.Ltmp4:
0x47: {  	s24 =	sadd.s32 $0x500, s24;
	[sflag:s21] =	ssyncadd.s32 $0xFFFFEC00;
	(pc) =	sbr.rel @p5 .LBB2_3-.Ltmp4, $4  }
0x48: {  	[spmem:s2] =	stream.indirect.scatter.add.f32 [tilespmem:s20], [sflag:$0x2], $0x40, s24, s19, $0xb8;
	[tilespmem:$0xBA40] =	vst v63  }
0x49: {  	_ =	swait.ge [sflag:s17], $0x1400  }
0x4a: {  	[sflag:s17] =	ssyncset.done $0x0  }
0x4b: {  	[sflag:s17] =	ssyncadd.s32 $0xFFFFEC00  }
.LBB2_6:
.Ltmp5:
0x4c: {  	(pc) =	sbr.rel @!p0 .LBB2_11-.Ltmp5, $1  }
0x4d: {  	_ =	sdelay $0x3  }
0x4e: {  	s22 =	simm.s32 $0x0;
	s23 =	simm.s32 $0x0  }
.LBB2_8:
0x4f: {  	s24 =	sshll.u32 s23, $0x8  }
0x50: {  	s24 =	sor.u32 s10, s24  }
0x51: {  	s24 =	smul.u32 $0xA, s24;
	_ =	sdelay $0x1  }
0x52: {  	s25 =	sadd.s32 s6, s24  }
0x53: {  	[tilespmem:s22], [sflag:$0x2] =	stream.linear.gather [hbm4b:s25+s22], $0x500, $0x38;
	[tilespmem:$0xBA40] =	vst v63  }
0x54: {  	_ =	swait.ge [sflag:s17], $0x500  }
0x55: {  	[sflag:s17] =	ssyncset.done $0x0  }
0x56: {  	s24 =	sadd.s32 s7, s24;
	[sflag:s17] =	ssyncadd.s32 $0xFFFFFB00  }
0x57: {  	[tilespmem:s18], [sflag:$0x2] =	stream.linear.gather [hbm4b:s24+s22], $0x500, $0x38;
	[tilespmem:$0xBA40] =	vst v63  }
0x58: {  	_ =	swait.ge [sflag:s17], $0x500  }
0x59: {  	[sflag:s17] =	ssyncset.done $0x0  }
0x5a: {  	s30 =	simm.s32 $0x0;
	[sflag:s17] =	ssyncadd.s32 $0xFFFFFB00  }
0x5b: {  	[tilespmem:s20], [sflag:$0x1] =	stream.indirect.gather [hbm4b:s5+s19], $0x40, s30, s19, $0xb8;
	[tilespmem:$0xBA40] =	vst v63  }
0x5c: {  	_ =	swait.ge [sflag:s21], $0x1400  }
0x5d: {  	[sflag:s21] =	ssyncset.done $0x0  }
0x5e: {  	s31 =	simm.s32 $0x500;
	[sflag:s21] =	ssyncadd.s32 $0xFFFFEC00  }
0x5f: {  	[spmem:s2] =	stream.indirect.scatter.add.f32 [tilespmem:s20], [sflag:$0x2], $0x40, s31, s19, $0xb8;
	[tilespmem:$0xBA40] =	vst v63  }
0x60: {  	_ =	swait.ge [sflag:s17], $0x1400  }
0x61: {  	s25 =	simm.s32 $0x280;
	s24 =	simm.s32 $0x140;
	[sflag:s17] =	ssyncset.done $0x0  }
.LBB2_9:
0x62: {  	s26 =	sshra.s32 s24, $0x2  }
0x63: {  	[sflag:s17] =	ssyncadd.s32 $0xFFFFEC00;
	s24 =	smov.u32 s25;
	s28 =	sadd.s32 $0x140, s25  }
0x64: {  	[tilespmem:s20], [sflag:$0x1] =	stream.indirect.gather [hbm4b:s5+s19], $0x40, s26, s19, $0xb8;
	[tilespmem:$0xBA40] =	vst v63  }
0x65: {  	p5 =	sne.s32 s25, $0x12C0;
	_ =	swait.ge [sflag:s21], $0x1400  }
.Ltmp6:
0x66: {  	[sflag:s21] =	ssyncset.done $0x0;
	(pc) =	sbr.rel @p5 .LBB2_9-.Ltmp6, $4  }
0x67: {  	s25 =	sadd.s32 $0x500, s26;
	[sflag:s21] =	ssyncadd.s32 $0xFFFFEC00  }
0x68: {  	[spmem:s2] =	stream.indirect.scatter.add.f32 [tilespmem:s20], [sflag:$0x2], $0x40, s25, s19, $0xb8;
	[tilespmem:$0xBA40] =	vst v63  }
0x69: {  	_ =	swait.ge [sflag:s17], $0x1400  }
0x6a: {  	s25 =	smov.u32 s28;
	[sflag:s17] =	ssyncset.done $0x0  }
0x6b: {  	s24 =	sshra.s32 s24, $0x2;
	[sflag:s17] =	ssyncadd.s32 $0xFFFFEC00  }
0x6c: {  	[tilespmem:s20], [sflag:$0x1] =	stream.indirect.gather [hbm4b:s5+s19], $0x40, s24, s19, $0xb8;
	[tilespmem:$0xBA40] =	vst v63  }
0x6d: {  	_ =	swait.ge [sflag:s21], $0x1400  }
0x6e: {  	s23 =	sadd.s32 $0x1, s23;
	[sflag:s21] =	ssyncset.done $0x0  }
0x6f: {  	s24 =	sadd.s32 $0x500, s24;
	p5 =	sne.s32 s23, s9;
	[sflag:s21] =	ssyncadd.s32 $0xFFFFEC00  }
0x70: {  	[spmem:s2] =	stream.indirect.scatter.add.f32 [tilespmem:s20], [sflag:$0x2], $0x40, s24, s19, $0xb8;
	[tilespmem:$0xBA40] =	vst v63  }
.Ltmp7:
0x71: {  	_ = 	snop;
	(pc) =	sbr.rel @p5 .LBB2_8-.Ltmp7, $4  }
.Ltmp8:
0x72: {  	_ = 	snop;
	(pc) =	sbr.rel @!p5 .LBB2_11-.Ltmp8, $4  }
0x73: {  	_ =	swait.ge [sflag:s17], $0x1400  }
0x74: {  	[sflag:s17] =	ssyncset.done $0x0  }
0x75: {  	[sflag:s17] =	ssyncadd.s32 $0xFFFFEC00  }
0x76: {  	_ = 	snop  }
.LBB2_12:
0x77: {  	_ =	sfence.sel $0x180000  }
0x78: {  	[bflag:$0x0] =	sbarrier.arrive $0xFFFF  }
0x79: {  	p0 =	sne.s32 s3, $0x0;
	_ =	strace $0x9000004A  }
0x7a: {  	s0 =	sadd.s32 @!p0 $0x100000, s0;
	[bflag:$0x2] =	sbarrier.arrive $0xFFFF  }
0x7b: {  	[sflag:s0] =	ssyncadd.tile.s32 @!p0 $0x1;
	_ =	shalt  }
.Lfunc_end2:
_tile_overlayer_lowered:
.L_overlay_start_2:
0x7c: {  	(tag) =	ssettag $0x2  }
0x7d: {  	s0 =	rddreg [dreg:$0x0];
	s2 =	stileid.u32  }
0x7e: {  	s1 =	rddreg [dreg:$0x1];
	p0 =	sne.s32 s2, $0x0  }
0x7f: {  	s3 =	rddreg [dreg:$0x2];
	[bflag:$0x3] =	sbarrier.arrive $0xFFFF;
	s2 =	simm.s32 @!p0 $0x1C02  }
0x80: {  	[timem:s3], [sflag:s2] =	dma.local @!p0 [hbm:s0], s1  }
0x81: {  	s0 =	simm.s32 @!p0 $0x2  }
0x82: {  	_ =	swait.ge @!p0 [sflag:s0], s1  }
0x83: {  	s1 =	ssub.s32 @!p0 $0x0, s1;
	[sflag:s0] =	ssyncset.done @!p0 $0x0  }
0x84: {  	[sflag:s0] =	ssyncadd.s32 @!p0 s1  }
0x85: {  	[bflag:$0x3] =	sbarrier.arrive $0xFFFF  }
0x86: {  	_ =	shalt  }

// kernel: kernel.16.cloned.1.call-start
scs
__scs_entry_jumppad:
0x0: {  	(pc) =	sbr.rel $0x88, $3  }
0x1: {  	(tag) =	ssettag $0x0;
	lr =	simm.s32 $0x1  }
0x2: {  	[smem:$0x3F95] =	sst lr;
	_ =	strace $0xD0000000  }
0x3: {  	_ = 	snop  }
0x4: {  	_ = 	snop  }
0x5: {  	_ = 	snop  }
0x6: {  	_ = 	snop  }
0x7: {  	_ = 	snop  }
__scs_overlays_trampoline_lowered:
0x8: {  	[smem:$0x3FA4] =	sst s0  }
0x9: {  	[smem:$0x3FA5] =	sst s1  }
0xa: {  	[smem:$0x3FA6] =	sst s2  }
0xb: {  	[smem:$0x3FA7] =	sst s3  }
0xc: {  	[smem:$0x3FA8] =	sst s4  }
0xd: {  	[smem:$0x3FA9] =	sst s5  }
0xe: {  	[smem:$0x3FAA] =	sst s6  }
0xf: {  	[smem:$0x3FAB] =	sst s7  }
0x10: {  	[smem:$0x3FAC] =	sst s8  }
0x11: {  	[smem:$0x3FAD] =	sst s9;
	s0 =	simm.s32 @!p0 $0x0  }
0x12: {  	s1 =	sld [smem:$0x3F93];
	s0 =	simm.s32 @p0 $0x1  }
0x13: {  	[smem:$0x3FAE] =	sst s0;
	s0 =	simm.s32 @!p1 $0x0  }
0x14: {  	s2 =	sld [smem:$0x3F92];
	s0 =	simm.s32 @p1 $0x1  }
0x15: {  	[smem:$0x3FAF] =	sst s0;
	s0 =	simm.s32 @!p2 $0x0  }
0x16: {  	s3 =	sld [smem:$0x3FDB];
	s0 =	simm.s32 @p2 $0x1  }
0x17: {  	s4 =	simm.s32 $0x1BF5;
	[smem:$0x3FB1] =	sst s0  }
0x18: {  	s0 =	sld [smem:$0x3F94];
	_ =	swait.ge [sflag:s4], $0x0  }
0x19: {  	s7 =	sld [smem:$0x3F95]  }
0x1a: {  	s8 =	sadd.s32 $0xFFFFE003, lr  }
0x1b: {  	s9 =	sadd.s32 $0xFFFFFEF7, lr;
	s5 =	simm.s32 $0xFFFFFFFF;
	p2 =	slt.u32 s8, $0xFFFFF086  }
0x1c: {  	p1 =	slt.u32 s9, $0xF7A;
	s5 =	simm.s32 @!p2 $0x0  }
0x1d: {  	s5 =	simm.s32 @p1 $0x1;
	p0 =	seq.s32 s7, s2  }
0x1e: {  	s7 =	smul.u32 @!p0 $0xF7A, s2;
	p2 =	seq.s32 @!p0 s5, $0x0  }
0x1f: {  	s9 =	smul.u32 $0xF7A, s1;
	s8 =	simm.s32 @!p0 $0x1BF5;
	p2 =	por !p2, p0  }
0x20: {  	[sflag:s8] =	ssyncset.s32 @!p0 $0xFFFFF086;
	s6 =	sadd.s32 @!p0 s3, s7;
	s7 =	simm.s32 @!p0 $0x108  }
0x21: {  	s3 =	sadd.s32 s3, s9;
	s6 =	sadd.s32 @!p0 $0x88, s6;
	s7 =	simm.s32 @p2 $0x1082  }
0x22: {  	[simem:s7], [sflag:s8] =	dma.local @!p0 [hbm:s6], $0xF7A  }
0x23: {  	s9 =	sor.u32 $0xD0000000, s2;
	s6 =	simm.s32 $0x108;
	_ =	swait.ge @!p0 [sflag:s8], $0x0  }
0x24: {  	s3 =	sadd.s32 $0x88, s3;
	s6 =	simm.s32 @!p1 $0x1082;
	[sflag:s4] =	ssyncset.s32 $0xFFFFF086  }
0x25: {  	[simem:s6], [sflag:s4] =	dma.local [hbm:s3], $0xF7A  }
0x26: {  	[smem:$0x3F95] =	sst s1;
	(tag) =	ssettag s2;
	_ =	strace s9  }
0x27: {  	s1 =	sld [smem:$0x3FA5]  }
0x28: {  	s2 =	sld [smem:$0x3FA6]  }
0x29: {  	s4 =	sld [smem:$0x3FA8]  }
0x2a: {  	p0 =	seq.s32 s5, $0x0;
	s5 =	sld [smem:$0x3FA9]  }
0x2b: {  	s6 =	sld [smem:$0x3FAA]  }
0x2c: {  	s7 =	sld [smem:$0x3FAB]  }
0x2d: {  	s3 =	simm.s32 $0x108;
	s8 =	sld [smem:$0x3FAC]  }
0x2e: {  	s3 =	simm.s32 @!p0 $0x1082;
	s9 =	sld [smem:$0x3FAD]  }
0x2f: {  	lr =	sadd.s32 s0, s3;
	s0 =	sld [smem:$0x3FA4]  }
0x30: {  	s3 =	sld [smem:$0x3FA7]  }
0x31: {  	[smem:$0x3FB0] =	sst s10  }
0x32: {  	s10 =	sld [smem:$0x3FAE];
	_ =	sdelay $0x3  }
0x33: {  	p0 =	seq.s32 s10, $0x1;
	s10 =	sld [smem:$0x3FB0];
	_ =	sdelay $0x3  }
0x34: {  	[smem:$0x3FB0] =	sst s10  }
0x35: {  	s10 =	sld [smem:$0x3FAF];
	_ =	sdelay $0x3  }
0x36: {  	p1 =	seq.s32 s10, $0x1;
	s10 =	sld [smem:$0x3FB0];
	_ =	sdelay $0x3  }
0x37: {  	[smem:$0x3FB0] =	sst s10  }
0x38: {  	s10 =	sld [smem:$0x3FB1]  }
0x39: {  	_ = 	snop;
	(pc) =	sbr.ind lr, $3  }
0x3a: {  	_ = 	snop  }
0x3b: {  	_ = 	snop  }
0x3c: {  	p2 =	seq.s32 s10, $0x1;
	s10 =	sld [smem:$0x3FB0]  }
0x3d: {  	_ =	shalt  }
0x3e: {  	_ =	shalt  }
0x3f: {  	_ =	shalt  }
0x40: {  	_ =	shalt  }
0x41: {  	_ =	shalt  }
0x42: {  	_ =	shalt  }
0x43: {  	_ =	shalt  }
0x44: {  	_ =	shalt  }
0x45: {  	_ =	shalt  }
0x46: {  	_ =	shalt  }
0x47: {  	_ =	shalt  }
0x48: {  	_ =	shalt  }
0x49: {  	_ =	shalt  }
0x4a: {  	_ =	shalt  }
0x4b: {  	_ =	shalt  }
0x4c: {  	_ =	shalt  }
0x4d: {  	_ =	shalt  }
0x4e: {  	_ =	shalt  }
0x4f: {  	_ =	shalt  }
0x50: {  	_ =	shalt  }
0x51: {  	_ =	shalt  }
0x52: {  	_ =	shalt  }
0x53: {  	_ =	shalt  }
0x54: {  	_ =	shalt  }
0x55: {  	_ =	shalt  }
0x56: {  	_ =	shalt  }
0x57: {  	_ =	shalt  }
0x58: {  	_ =	shalt  }
0x59: {  	_ =	shalt  }
0x5a: {  	_ =	shalt  }
0x5b: {  	_ =	shalt  }
0x5c: {  	_ =	shalt  }
0x5d: {  	_ =	shalt  }
0x5e: {  	_ =	shalt  }
0x5f: {  	_ =	shalt  }
0x60: {  	_ =	shalt  }
0x61: {  	_ =	shalt  }
0x62: {  	_ =	shalt  }
0x63: {  	_ =	shalt  }
0x64: {  	_ =	shalt  }
0x65: {  	_ =	shalt  }
0x66: {  	_ =	shalt  }
0x67: {  	_ =	shalt  }
0x68: {  	_ =	shalt  }
0x69: {  	_ =	shalt  }
0x6a: {  	_ =	shalt  }
0x6b: {  	_ =	shalt  }
0x6c: {  	_ =	shalt  }
0x6d: {  	_ =	shalt  }
0x6e: {  	_ =	shalt  }
0x6f: {  	_ =	shalt  }
0x70: {  	_ =	shalt  }
0x71: {  	_ =	shalt  }
0x72: {  	_ =	shalt  }
0x73: {  	_ =	shalt  }
0x74: {  	_ =	shalt  }
0x75: {  	_ =	shalt  }
0x76: {  	_ =	shalt  }
0x77: {  	_ =	shalt  }
0x78: {  	_ =	shalt  }
0x79: {  	_ =	shalt  }
0x7a: {  	_ =	shalt  }
0x7b: {  	_ =	shalt  }
0x7c: {  	_ =	shalt  }
0x7d: {  	_ =	shalt  }
0x7e: {  	_ =	shalt  }
0x7f: {  	_ =	shalt  }
0x80: {  	_ =	shalt  }
0x81: {  	_ =	shalt  }
0x82: {  	_ =	shalt  }
0x83: {  	_ =	shalt  }
0x84: {  	_ =	shalt  }
0x85: {  	_ =	shalt  }
0x86: {  	_ =	shalt  }
0x87: {  	_ =	shalt  }
.Lfunc_end0:
.L_simem_size_0:
called_computation.2_lowered:
.L_overlay_start_0:
0x88: {  	s2 =	sld [smem:$0x3FD9]  }
0x89: {  	s3 =	sld [smem:$0x3FFE];
	_ =	sdelay $0x1  }
0x8a: {  	s1 =	srdreg.scid  }
0x8b: {  	s0 =	sand.u32 $0x1, s1  }
0x8c: {  	s17 =	sshll.u32 s0, $0xA;
	s2 =	sadd.s32 s3, s2  }
0x8d: {  	s2 =	sadd.s32 s2, s17  }
0x8e: {  	[smem:$0x3FBC] =	sst s2  }
0x8f: {  	_ = 	snop  }
0x90: {  	s2 =	sld [smem:$0x3FD0];
	(tm) =	ssettm $0x1  }
0x91: {  	s18 =	sld [smem:$0x3FFB];
	_ =	sdelay $0x3  }
0x92: {  	_ =	strace s18  }
0x93: {  	s3 =	sld [smem:$0x3FFC];
	_ =	sdelay $0x3  }
0x94: {  	_ =	strace s3  }
0x95: {  	s3 =	sld [smem:$0x3FFD];
	_ =	sdelay $0x3  }
0x96: {  	_ =	strace s3  }
0x97: {  	_ =	strace $0x8FFFFFFF  }
0x98: {  	s19 =	sld [smem:$0x3FDB];
	_ =	sdelay $0x1  }
0x99: {  	s4 =	simm.s32 $_scs_section_size  }
0x9a: {  	s5 =	simm.s32 $_size__tile_overlayer_lowered;
	s6 =	simm.s32 $_tile_overlayer_lowered  }
0x9b: {  	s22 =	simm.s32 $0x1BFF;
	s21 =	sshll.u32 s6, $0x1;
	s3 =	sadd.s32 s4, s19  }
0x9c: {  	s7 =	simm.s32 $0x0;
	s20 =	sshll.u32 s5, $0x1;
	s5 =	sadd.s32 s21, s3  }
0x9d: {  	[timem:s7], [sflag:s22] =	dma.local [hbm:s5], s20  }
0x9e: {  	_ =	swait.ge [sflag:s22], s20  }
0x9f: {  	s4 =	ssub.s32 $0x0, s20;
	[sflag:s22] =	ssyncset.done $0x0  }
0xa0: {  	[sflag:s22] =	ssyncadd.s32 s4;
	_ =	sdelay $0x1  }
0xa1: {  	s23 =	simm.s32 $0x1B8B  }
0xa2: {  	_ =	swait.ge [sflag:s23], $0x1  }
0xa3: {  	[sflag:s23] =	ssyncset.done $0x0  }
0xa4: {  	s25 =	simm.s32 $0x1B8E;
	s24 =	sld [smem:$0x3FFE];
	[sflag:s23] =	ssyncadd.s32 $0xFFFFFFFF  }
0xa5: {  	s26 =	simm.s32 $execute0_lowered;
	[smem:$0x3FD2] =	sst s25  }
0xa6: {  	s5 =	sshll.u32 s26, $0x1;
	_ =	strace $0x8000004C;
	[dreg:$0x1] =	wrdreg $0xFFFFFFFF  }
0xa7: {  	s28 =	simm.s32 $_size_execute0_lowered;
	s3 =	sadd.s32 s3, s5;
	[dreg:$0x0] =	wrdreg $0x0  }
0xa8: {  	s5 =	sshll.u32 s28, $0x1;
	[dreg:$0x2] =	wrdreg s3  }
0xa9: {  	[dreg:$0x3] =	wrdreg s5  }
0xaa: {  	[dreg:$0x4] =	wrdreg $0xC0  }
0xab: {  	_ =	task [dreg:s7], $0x5FFFF  }
0xac: {  	[dreg:$0x1] =	wrdreg $0xFFFFFFFF  }
0xad: {  	[dreg:$0x0] =	wrdreg $0x60  }
0xae: {  	[dreg:$0x2] =	wrdreg s24  }
0xaf: {  	[dreg:$0x3] =	wrdreg s2  }
0xb0: {  	[dreg:$0x4] =	wrdreg $0x32000  }
0xb1: {  	[dreg:$0x5] =	wrdreg $0x9  }
0xb2: {  	_ =	task.clear_ibuf [dreg:s7], $0x6FFFF;
	_ =	strace $0x9000004C  }
0xb3: {  	s29 =	simm.s32 $0x9;
	_ =	strace $0x8000004E  }
0xb4: {  	_ =	swait.ge [sflag:s29], $0x1  }
0xb5: {  	[sflag:s29] =	ssyncadd.s32 $0xFFFFFFFF  }
0xb6: {  	_ =	strace $0x9000004E  }
0xb7: {  	_ =	sfence  }
0xb8: {  	s30 =	sld [smem:$0x0];
	_ =	sdelay $0x2  }
0xb9: {  	s31 =	sshll.u32 s1, $0xD;
	s1 =	sshrl.u32 s1, $0x2  }
0xba: {  	s3 =	sand.u32 $0x4000, s31;
	s1 =	sadd.s32 s1, s30  }
0xbb: {  	s0 =	sor.u32 s3, s0;
	s1 =	sshll.u32 s1, $0x11  }
0xbc: {  	s0 =	sor.u32 s1, s0  }
0xbd: {  	s0 =	sadd.s32 $0x8F2B, s0  }
0xbe: {  	[sflag:s0] =	ssyncadd.remote.s32 $0x1  }
0xbf: {  	_ =	sfence.sel $0xFFFF  }
0xc0: {  	[dreg:$0x0] =	wrdreg $0xFFFFFFFF;
	(pc) =	sbr.abs _section_cstart, $3  }
0xc1: {  	[dreg:$0x1] =	wrdreg $0xFFFFFFFF  }
0xc2: {  	_ =	task.clear_ibuf [dreg:s7], $0x2FFFF;
	_ =	strace $0x9FFFFFFF  }
0xc3: {  	(tm) =	ssettm $0x7FFFFFFF  }
tec
execute0_lowered:
.L_overlay_start_1:
0x0: {  	(tag) =	ssettag $0x1  }
0x1: {  	s9 =	rddreg [dreg:$0x0]  }
0x2: {  	s1 =	rddreg [dreg:$0x1]  }
0x3: {  	s2 =	rddreg [dreg:$0x2]  }
0x4: {  	s0 =	rddreg [dreg:$0x3];
	s4 =	simm.s32 $0x0;
	s3 =	stileid.u32  }
0x5: {  	s8 =	srdreg.scid;
	s19 =	simm.s32 $0x50;
	s20 =	simm.s32 $0xA00  }
0x6: {  	s21 =	simm.s32 $0x1;
	[smem:$0x7FF] =	sst s4;
	s5 =	sadd.s32 $0x66C00, s9  }
0x7: {  	s12 =	smul.u32 $0x1F400, s3;
	s6 =	sadd.s32 $0x8DE00, s9;
	s7 =	sadd.s32 $0xEA00, s9  }
0x8: {  	s17 =	sand.u32 $0x1, s8;
	s13 =	smul.u32 $0x7D000, s3;
	s8 =	sadd.s32 $0x4C00, s9  }
0x9: {  	p2 =	slt.u32 s3, $0xA;
	s31 =	ssub.s32 $0x109, s3;
	_ =	strace $0x8000004D  }
0xa: {  	s11 =	ssub.s32 $0x2, s17;
	p0 =	seq.s32 s17, $0x0;
	p4 =	sne.s32 s17, $0x0  }
0xb: {  	s10 =	sshrl.u32 s12, $0x3;
	s29 =	sshrl.u32 s11, $0x1;
	s30 =	sshrl.u32 s13, $0x2  }
0xc: {  	p1 =	por !p0, !p2;
	p0 =	seq.s32 s17, $0x1;
	s12 =	sadd.s32 s12, s2  }
0xd: {  	s17 =	simm.s32 $0x2;
	s14 =	sadd.s32 s10, s9;
	s15 =	ssub.s32 s11, s29  }
.Ltmp0:
0xe: {  	s16 =	sadd.s32 s30, s2;
	s9 =	sshrl.u32 s31, $0x4;
	(pc) =	sbr.rel .LBB2_1-.Ltmp0, $4  }
0xf: {  	s10 =	sshll.u32 s3, $0x4;
	p1 =	por !p1, !p1;
	p3 =	por !p2, !p0  }
0x10: {  	p2 =	sgt.u32 s3, $0x9;
	s11 =	sadd.s32 $0xB5000, s14;
	p3 =	por !p3, !p3  }
0x11: {  	s13 =	sadd.s32 $0xDC200, s14;
	s18 =	sshll.u32 @!p2 s3, $0x6;
	s14 =	smax.u32 s15, $0x1  }
0x12: {  	s16 =	sshrl.u32 @!p2 s16, $0x3;
	s15 =	sor.u32 @!p2 $0x1C02, s18;
	s18 =	simm.s32 $0x500  }
.LBB2_11:
0x13: {  	s22 =	sshll.u32 @p1 s3, $0x6  }
0x14: {  	[bflag:$0x0] =	sbarrier.arrive $0xFFFF;
	s23 =	sshrl.u32 @p1 s12, $0x3;
	s22 =	sor.u32 @p1 $0x1C02, s22  }
0x15: {  	[hbm:s11], [sflag:s22] =	dma.local @p1 [spmem:s23], $0x3E80  }
0x16: {  	s22 =	simm.s32 @p1 $0x2  }
0x17: {  	s4 =	sadd.s32 $0x1, s4;
	_ =	swait.ge @p1 [sflag:s22], $0x3E80  }
0x18: {  	p5 =	sne.s32 s4, s14;
	s23 =	sshll.u32 @p3 s3, $0x6;
	[sflag:s22] =	ssyncset.done @p1 $0x0  }
0x19: {  	[sflag:s22] =	ssyncadd.s32 @p1 $0xFFFFC180;
	s22 =	sor.u32 @p3 $0x1C02, s23;
	s23 =	sshrl.u32 @p3 s12, $0x3  }
0x1a: {  	[hbm:s13], [sflag:s22] =	dma.local @p3 [spmem:s23], $0x3E80  }
.Ltmp1:
0x1b: {  	_ = 	snop;
	(pc) =	sbr.rel @!p5 .LBB2_12-.Ltmp1, $4  }
0x1c: {  	s22 =	simm.s32 @p3 $0x2  }
0x1d: {  	_ =	swait.ge @p3 [sflag:s22], $0x3E80  }
0x1e: {  	[sflag:s22] =	ssyncset.done @p3 $0x0  }
0x1f: {  	[sflag:s22] =	ssyncadd.s32 @p3 $0xFFFFC180  }
.LBB2_1:
0x20: {  	[spmem:s16], [sflag:s15] =	dma.local @!p2 [hbm:s1], $0x3E80  }
0x21: {  	s22 =	simm.s32 @!p2 $0x2  }
.Ltmp2:
0x22: {  	_ =	swait.ge @!p2 [sflag:s22], $0x3E80;
	(pc) =	sbr.rel @p4 .LBB2_6-.Ltmp2, $3  }
0x23: {  	[sflag:s22] =	ssyncset.done @!p2 $0x0  }
0x24: {  	[sflag:s22] =	ssyncadd.s32 @!p2 $0xFFFFC180  }
0x25: {  	[bflag:$0x0] =	sbarrier.arrive $0xFFFF;
	_ =	sdelay $0x1  }
0x26: {  	s22 =	simm.s32 $0x0;
	s23 =	simm.s32 $0x0  }
.LBB2_3:
0x27: {  	s24 =	sshll.u32 s23, $0x8  }
0x28: {  	s24 =	sor.u32 s10, s24  }
0x29: {  	s24 =	smul.u32 $0xA, s24;
	_ =	sdelay $0x1  }
0x2a: {  	s25 =	sadd.s32 s7, s24  }
0x2b: {  	[tilespmem:s22], [sflag:$0x2] =	stream.linear.gather [hbm4b:s25+s22], $0x500, $0x38;
	[tilespmem:$0x16A80] =	vst v63  }
0x2c: {  	_ =	swait.ge [sflag:s17], $0x500  }
0x2d: {  	[sflag:s17] =	ssyncset.done $0x0  }
0x2e: {  	s24 =	sadd.s32 s8, s24;
	[sflag:s17] =	ssyncadd.s32 $0xFFFFFB00  }
0x2f: {  	[tilespmem:s18], [sflag:$0x2] =	stream.linear.gather [hbm4b:s24+s22], $0x500, $0x38;
	[tilespmem:$0x16A80] =	vst v63  }
0x30: {  	_ =	swait.ge [sflag:s17], $0x500  }
0x31: {  	[sflag:s17] =	ssyncset.done $0x0  }
0x32: {  	s30 =	simm.s32 $0x0;
	[sflag:s17] =	ssyncadd.s32 $0xFFFFFB00  }
0x33: {  	[tilespmem:s20], [sflag:$0x1] =	stream.indirect.gather [hbm4b:s5+s19], $0x80, s30, s19, $0xb8;
	[tilespmem:$0x16A80] =	vst v63  }
0x34: {  	_ =	swait.ge [sflag:s21], $0x2800  }
0x35: {  	[sflag:s21] =	ssyncset.done $0x0  }
0x36: {  	s31 =	simm.s32 $0x500;
	[sflag:s21] =	ssyncadd.s32 $0xFFFFD800  }
0x37: {  	[spmem:s2] =	stream.indirect.scatter.add.f32 [tilespmem:s20], [sflag:$0x2], $0x80, s31, s19, $0xb8;
	[tilespmem:$0x16A80] =	vst v63  }
0x38: {  	_ =	swait.ge [sflag:s17], $0x2800  }
0x39: {  	s25 =	simm.s32 $0x280;
	s24 =	simm.s32 $0x140;
	[sflag:s17] =	ssyncset.done $0x0  }
.LBB2_4:
0x3a: {  	s26 =	sshra.s32 s24, $0x2  }
0x3b: {  	[sflag:s17] =	ssyncadd.s32 $0xFFFFD800;
	s24 =	smov.u32 s25;
	s28 =	sadd.s32 $0x140, s25  }
0x3c: {  	[tilespmem:s20], [sflag:$0x1] =	stream.indirect.gather [hbm4b:s5+s19], $0x80, s26, s19, $0xb8;
	[tilespmem:$0x16A80] =	vst v63  }
0x3d: {  	p5 =	sne.s32 s25, $0x12C0;
	_ =	swait.ge [sflag:s21], $0x2800  }
.Ltmp3:
0x3e: {  	[sflag:s21] =	ssyncset.done $0x0;
	(pc) =	sbr.rel @p5 .LBB2_4-.Ltmp3, $4  }
0x3f: {  	s25 =	sadd.s32 $0x500, s26;
	[sflag:s21] =	ssyncadd.s32 $0xFFFFD800  }
0x40: {  	[spmem:s2] =	stream.indirect.scatter.add.f32 [tilespmem:s20], [sflag:$0x2], $0x80, s25, s19, $0xb8;
	[tilespmem:$0x16A80] =	vst v63  }
0x41: {  	_ =	swait.ge [sflag:s17], $0x2800  }
0x42: {  	s25 =	smov.u32 s28;
	[sflag:s17] =	ssyncset.done $0x0  }
0x43: {  	s24 =	sshra.s32 s24, $0x2;
	[sflag:s17] =	ssyncadd.s32 $0xFFFFD800  }
0x44: {  	[tilespmem:s20], [sflag:$0x1] =	stream.indirect.gather [hbm4b:s5+s19], $0x80, s24, s19, $0xb8;
	[tilespmem:$0x16A80] =	vst v63  }
0x45: {  	s23 =	sadd.s32 $0x1, s23;
	_ =	swait.ge [sflag:s21], $0x2800  }
0x46: {  	p5 =	sne.s32 s23, s9;
	[sflag:s21] =	ssyncset.done $0x0  }
.Ltmp4:
0x47: {  	s24 =	sadd.s32 $0x500, s24;
	[sflag:s21] =	ssyncadd.s32 $0xFFFFD800;
	(pc) =	sbr.rel @p5 .LBB2_3-.Ltmp4, $4  }
0x48: {  	[spmem:s2] =	stream.indirect.scatter.add.f32 [tilespmem:s20], [sflag:$0x2], $0x80, s24, s19, $0xb8;
	[tilespmem:$0x16A80] =	vst v63  }
0x49: {  	_ =	swait.ge [sflag:s17], $0x2800  }
0x4a: {  	[sflag:s17] =	ssyncset.done $0x0  }
0x4b: {  	[sflag:s17] =	ssyncadd.s32 $0xFFFFD800  }
.LBB2_6:
.Ltmp5:
0x4c: {  	(pc) =	sbr.rel @!p0 .LBB2_11-.Ltmp5, $1  }
0x4d: {  	_ =	sdelay $0x3  }
0x4e: {  	s22 =	simm.s32 $0x0;
	s23 =	simm.s32 $0x0  }
.LBB2_8:
0x4f: {  	s24 =	sshll.u32 s23, $0x8  }
0x50: {  	s24 =	sor.u32 s10, s24  }
0x51: {  	s24 =	smul.u32 $0xA, s24;
	_ =	sdelay $0x1  }
0x52: {  	s25 =	sadd.s32 s7, s24  }
0x53: {  	[tilespmem:s22], [sflag:$0x2] =	stream.linear.gather [hbm4b:s25+s22], $0x500, $0x38;
	[tilespmem:$0x16A80] =	vst v63  }
0x54: {  	_ =	swait.ge [sflag:s17], $0x500  }
0x55: {  	[sflag:s17] =	ssyncset.done $0x0  }
0x56: {  	s24 =	sadd.s32 s8, s24;
	[sflag:s17] =	ssyncadd.s32 $0xFFFFFB00  }
0x57: {  	[tilespmem:s18], [sflag:$0x2] =	stream.linear.gather [hbm4b:s24+s22], $0x500, $0x38;
	[tilespmem:$0x16A80] =	vst v63  }
0x58: {  	_ =	swait.ge [sflag:s17], $0x500  }
0x59: {  	[sflag:s17] =	ssyncset.done $0x0  }
0x5a: {  	s30 =	simm.s32 $0x0;
	[sflag:s17] =	ssyncadd.s32 $0xFFFFFB00  }
0x5b: {  	[tilespmem:s20], [sflag:$0x1] =	stream.indirect.gather [hbm4b:s6+s19], $0x80, s30, s19, $0xb8;
	[tilespmem:$0x16A80] =	vst v63  }
0x5c: {  	_ =	swait.ge [sflag:s21], $0x2800  }
0x5d: {  	[sflag:s21] =	ssyncset.done $0x0  }
0x5e: {  	s31 =	simm.s32 $0x500;
	[sflag:s21] =	ssyncadd.s32 $0xFFFFD800  }
0x5f: {  	[spmem:s2] =	stream.indirect.scatter.add.f32 [tilespmem:s20], [sflag:$0x2], $0x80, s31, s19, $0xb8;
	[tilespmem:$0x16A80] =	vst v63  }
0x60: {  	_ =	swait.ge [sflag:s17], $0x2800  }
0x61: {  	s25 =	simm.s32 $0x280;
	s24 =	simm.s32 $0x140;
	[sflag:s17] =	ssyncset.done $0x0  }
.LBB2_9:
0x62: {  	s26 =	sshra.s32 s24, $0x2  }
0x63: {  	[sflag:s17] =	ssyncadd.s32 $0xFFFFD800;
	s24 =	smov.u32 s25;
	s28 =	sadd.s32 $0x140, s25  }
0x64: {  	[tilespmem:s20], [sflag:$0x1] =	stream.indirect.gather [hbm4b:s6+s19], $0x80, s26, s19, $0xb8;
	[tilespmem:$0x16A80] =	vst v63  }
0x65: {  	p5 =	sne.s32 s25, $0x12C0;
	_ =	swait.ge [sflag:s21], $0x2800  }
.Ltmp6:
0x66: {  	[sflag:s21] =	ssyncset.done $0x0;
	(pc) =	sbr.rel @p5 .LBB2_9-.Ltmp6, $4  }
0x67: {  	s25 =	sadd.s32 $0x500, s26;
	[sflag:s21] =	ssyncadd.s32 $0xFFFFD800  }
0x68: {  	[spmem:s2] =	stream.indirect.scatter.add.f32 [tilespmem:s20], [sflag:$0x2], $0x80, s25, s19, $0xb8;
	[tilespmem:$0x16A80] =	vst v63  }
0x69: {  	_ =	swait.ge [sflag:s17], $0x2800  }
0x6a: {  	s25 =	smov.u32 s28;
	[sflag:s17] =	ssyncset.done $0x0  }
0x6b: {  	s24 =	sshra.s32 s24, $0x2;
	[sflag:s17] =	ssyncadd.s32 $0xFFFFD800  }
0x6c: {  	[tilespmem:s20], [sflag:$0x1] =	stream.indirect.gather [hbm4b:s6+s19], $0x80, s24, s19, $0xb8;
	[tilespmem:$0x16A80] =	vst v63  }
0x6d: {  	_ =	swait.ge [sflag:s21], $0x2800  }
0x6e: {  	s23 =	sadd.s32 $0x1, s23;
	[sflag:s21] =	ssyncset.done $0x0  }
0x6f: {  	s24 =	sadd.s32 $0x500, s24;
	p5 =	sne.s32 s23, s9;
	[sflag:s21] =	ssyncadd.s32 $0xFFFFD800  }
0x70: {  	[spmem:s2] =	stream.indirect.scatter.add.f32 [tilespmem:s20], [sflag:$0x2], $0x80, s24, s19, $0xb8;
	[tilespmem:$0x16A80] =	vst v63  }
.Ltmp7:
0x71: {  	_ = 	snop;
	(pc) =	sbr.rel @p5 .LBB2_8-.Ltmp7, $4  }
.Ltmp8:
0x72: {  	_ = 	snop;
	(pc) =	sbr.rel @!p5 .LBB2_11-.Ltmp8, $4  }
0x73: {  	_ =	swait.ge [sflag:s17], $0x2800  }
0x74: {  	[sflag:s17] =	ssyncset.done $0x0  }
0x75: {  	[sflag:s17] =	ssyncadd.s32 $0xFFFFD800  }
0x76: {  	_ = 	snop  }
.LBB2_12:
0x77: {  	_ =	sfence.sel $0x180000  }
0x78: {  	[bflag:$0x0] =	sbarrier.arrive $0xFFFF  }
0x79: {  	p0 =	sne.s32 s3, $0x0;
	_ =	strace $0x9000004D  }
0x7a: {  	s0 =	sadd.s32 @!p0 $0x100000, s0;
	[bflag:$0x2] =	sbarrier.arrive $0xFFFF  }
0x7b: {  	[sflag:s0] =	ssyncadd.tile.s32 @!p0 $0x1;
	_ =	shalt  }
.Lfunc_end2:
_tile_overlayer_lowered:
.L_overlay_start_2:
0x7c: {  	(tag) =	ssettag $0x2  }
0x7d: {  	s0 =	rddreg [dreg:$0x0];
	s2 =	stileid.u32  }
0x7e: {  	s1 =	rddreg [dreg:$0x1];
	p0 =	sne.s32 s2, $0x0  }
0x7f: {  	s3 =	rddreg [dreg:$0x2];
	[bflag:$0x3] =	sbarrier.arrive $0xFFFF;
	s2 =	simm.s32 @!p0 $0x1C02  }
0x80: {  	[timem:s3], [sflag:s2] =	dma.local @!p0 [hbm:s0], s1  }
0x81: {  	s0 =	simm.s32 @!p0 $0x2  }
0x82: {  	_ =	swait.ge @!p0 [sflag:s0], s1  }
0x83: {  	s1 =	ssub.s32 @!p0 $0x0, s1;
	[sflag:s0] =	ssyncset.done @!p0 $0x0  }
0x84: {  	[sflag:s0] =	ssyncadd.s32 @!p0 s1  }
0x85: {  	[bflag:$0x3] =	sbarrier.arrive $0xFFFF  }
0x86: {  	_ =	shalt  }

// kernel: kernel.19.cloned.1.call-start
scs
__scs_entry_jumppad:
0x0: {  	(pc) =	sbr.rel $0x88, $3  }
0x1: {  	(tag) =	ssettag $0x0;
	lr =	simm.s32 $0x1  }
0x2: {  	[smem:$0x3F95] =	sst lr;
	_ =	strace $0xD0000000  }
0x3: {  	_ = 	snop  }
0x4: {  	_ = 	snop  }
0x5: {  	_ = 	snop  }
0x6: {  	_ = 	snop  }
0x7: {  	_ = 	snop  }
__scs_overlays_trampoline_lowered:
0x8: {  	[smem:$0x3FA4] =	sst s0  }
0x9: {  	[smem:$0x3FA5] =	sst s1  }
0xa: {  	[smem:$0x3FA6] =	sst s2  }
0xb: {  	[smem:$0x3FA7] =	sst s3  }
0xc: {  	[smem:$0x3FA8] =	sst s4  }
0xd: {  	[smem:$0x3FA9] =	sst s5  }
0xe: {  	[smem:$0x3FAA] =	sst s6  }
0xf: {  	[smem:$0x3FAB] =	sst s7  }
0x10: {  	[smem:$0x3FAC] =	sst s8  }
0x11: {  	[smem:$0x3FAD] =	sst s9;
	s0 =	simm.s32 @!p0 $0x0  }
0x12: {  	s1 =	sld [smem:$0x3F93];
	s0 =	simm.s32 @p0 $0x1  }
0x13: {  	[smem:$0x3FAE] =	sst s0;
	s0 =	simm.s32 @!p1 $0x0  }
0x14: {  	s2 =	sld [smem:$0x3F92];
	s0 =	simm.s32 @p1 $0x1  }
0x15: {  	[smem:$0x3FAF] =	sst s0;
	s0 =	simm.s32 @!p2 $0x0  }
0x16: {  	s3 =	sld [smem:$0x3FDB];
	s0 =	simm.s32 @p2 $0x1  }
0x17: {  	s4 =	simm.s32 $0x1BF5;
	[smem:$0x3FB1] =	sst s0  }
0x18: {  	s0 =	sld [smem:$0x3F94];
	_ =	swait.ge [sflag:s4], $0x0  }
0x19: {  	s7 =	sld [smem:$0x3F95]  }
0x1a: {  	s8 =	sadd.s32 $0xFFFFE003, lr  }
0x1b: {  	s9 =	sadd.s32 $0xFFFFFEF7, lr;
	s5 =	simm.s32 $0xFFFFFFFF;
	p2 =	slt.u32 s8, $0xFFFFF086  }
0x1c: {  	p1 =	slt.u32 s9, $0xF7A;
	s5 =	simm.s32 @!p2 $0x0  }
0x1d: {  	s5 =	simm.s32 @p1 $0x1;
	p0 =	seq.s32 s7, s2  }
0x1e: {  	s7 =	smul.u32 @!p0 $0xF7A, s2;
	p2 =	seq.s32 @!p0 s5, $0x0  }
0x1f: {  	s9 =	smul.u32 $0xF7A, s1;
	s8 =	simm.s32 @!p0 $0x1BF5;
	p2 =	por !p2, p0  }
0x20: {  	[sflag:s8] =	ssyncset.s32 @!p0 $0xFFFFF086;
	s6 =	sadd.s32 @!p0 s3, s7;
	s7 =	simm.s32 @!p0 $0x108  }
0x21: {  	s3 =	sadd.s32 s3, s9;
	s6 =	sadd.s32 @!p0 $0x88, s6;
	s7 =	simm.s32 @p2 $0x1082  }
0x22: {  	[simem:s7], [sflag:s8] =	dma.local @!p0 [hbm:s6], $0xF7A  }
0x23: {  	s9 =	sor.u32 $0xD0000000, s2;
	s6 =	simm.s32 $0x108;
	_ =	swait.ge @!p0 [sflag:s8], $0x0  }
0x24: {  	s3 =	sadd.s32 $0x88, s3;
	s6 =	simm.s32 @!p1 $0x1082;
	[sflag:s4] =	ssyncset.s32 $0xFFFFF086  }
0x25: {  	[simem:s6], [sflag:s4] =	dma.local [hbm:s3], $0xF7A  }
0x26: {  	[smem:$0x3F95] =	sst s1;
	(tag) =	ssettag s2;
	_ =	strace s9  }
0x27: {  	s1 =	sld [smem:$0x3FA5]  }
0x28: {  	s2 =	sld [smem:$0x3FA6]  }
0x29: {  	s4 =	sld [smem:$0x3FA8]  }
0x2a: {  	p0 =	seq.s32 s5, $0x0;
	s5 =	sld [smem:$0x3FA9]  }
0x2b: {  	s6 =	sld [smem:$0x3FAA]  }
0x2c: {  	s7 =	sld [smem:$0x3FAB]  }
0x2d: {  	s3 =	simm.s32 $0x108;
	s8 =	sld [smem:$0x3FAC]  }
0x2e: {  	s3 =	simm.s32 @!p0 $0x1082;
	s9 =	sld [smem:$0x3FAD]  }
0x2f: {  	lr =	sadd.s32 s0, s3;
	s0 =	sld [smem:$0x3FA4]  }
0x30: {  	s3 =	sld [smem:$0x3FA7]  }
0x31: {  	[smem:$0x3FB0] =	sst s10  }
0x32: {  	s10 =	sld [smem:$0x3FAE];
	_ =	sdelay $0x3  }
0x33: {  	p0 =	seq.s32 s10, $0x1;
	s10 =	sld [smem:$0x3FB0];
	_ =	sdelay $0x3  }
0x34: {  	[smem:$0x3FB0] =	sst s10  }
0x35: {  	s10 =	sld [smem:$0x3FAF];
	_ =	sdelay $0x3  }
0x36: {  	p1 =	seq.s32 s10, $0x1;
	s10 =	sld [smem:$0x3FB0];
	_ =	sdelay $0x3  }
0x37: {  	[smem:$0x3FB0] =	sst s10  }
0x38: {  	s10 =	sld [smem:$0x3FB1]  }
0x39: {  	_ = 	snop;
	(pc) =	sbr.ind lr, $3  }
0x3a: {  	_ = 	snop  }
0x3b: {  	_ = 	snop  }
0x3c: {  	p2 =	seq.s32 s10, $0x1;
	s10 =	sld [smem:$0x3FB0]  }
0x3d: {  	_ =	shalt  }
0x3e: {  	_ =	shalt  }
0x3f: {  	_ =	shalt  }
0x40: {  	_ =	shalt  }
0x41: {  	_ =	shalt  }
0x42: {  	_ =	shalt  }
0x43: {  	_ =	shalt  }
0x44: {  	_ =	shalt  }
0x45: {  	_ =	shalt  }
0x46: {  	_ =	shalt  }
0x47: {  	_ =	shalt  }
0x48: {  	_ =	shalt  }
0x49: {  	_ =	shalt  }
0x4a: {  	_ =	shalt  }
0x4b: {  	_ =	shalt  }
0x4c: {  	_ =	shalt  }
0x4d: {  	_ =	shalt  }
0x4e: {  	_ =	shalt  }
0x4f: {  	_ =	shalt  }
0x50: {  	_ =	shalt  }
0x51: {  	_ =	shalt  }
0x52: {  	_ =	shalt  }
0x53: {  	_ =	shalt  }
0x54: {  	_ =	shalt  }
0x55: {  	_ =	shalt  }
0x56: {  	_ =	shalt  }
0x57: {  	_ =	shalt  }
0x58: {  	_ =	shalt  }
0x59: {  	_ =	shalt  }
0x5a: {  	_ =	shalt  }
0x5b: {  	_ =	shalt  }
0x5c: {  	_ =	shalt  }
0x5d: {  	_ =	shalt  }
0x5e: {  	_ =	shalt  }
0x5f: {  	_ =	shalt  }
0x60: {  	_ =	shalt  }
0x61: {  	_ =	shalt  }
0x62: {  	_ =	shalt  }
0x63: {  	_ =	shalt  }
0x64: {  	_ =	shalt  }
0x65: {  	_ =	shalt  }
0x66: {  	_ =	shalt  }
0x67: {  	_ =	shalt  }
0x68: {  	_ =	shalt  }
0x69: {  	_ =	shalt  }
0x6a: {  	_ =	shalt  }
0x6b: {  	_ =	shalt  }
0x6c: {  	_ =	shalt  }
0x6d: {  	_ =	shalt  }
0x6e: {  	_ =	shalt  }
0x6f: {  	_ =	shalt  }
0x70: {  	_ =	shalt  }
0x71: {  	_ =	shalt  }
0x72: {  	_ =	shalt  }
0x73: {  	_ =	shalt  }
0x74: {  	_ =	shalt  }
0x75: {  	_ =	shalt  }
0x76: {  	_ =	shalt  }
0x77: {  	_ =	shalt  }
0x78: {  	_ =	shalt  }
0x79: {  	_ =	shalt  }
0x7a: {  	_ =	shalt  }
0x7b: {  	_ =	shalt  }
0x7c: {  	_ =	shalt  }
0x7d: {  	_ =	shalt  }
0x7e: {  	_ =	shalt  }
0x7f: {  	_ =	shalt  }
0x80: {  	_ =	shalt  }
0x81: {  	_ =	shalt  }
0x82: {  	_ =	shalt  }
0x83: {  	_ =	shalt  }
0x84: {  	_ =	shalt  }
0x85: {  	_ =	shalt  }
0x86: {  	_ =	shalt  }
0x87: {  	_ =	shalt  }
.Lfunc_end0:
.L_simem_size_0:
called_computation.3_lowered:
.L_overlay_start_0:
0x88: {  	s2 =	sld [smem:$0x3FD9]  }
0x89: {  	s3 =	sld [smem:$0x3FFE];
	_ =	sdelay $0x1  }
0x8a: {  	s1 =	srdreg.scid  }
0x8b: {  	s0 =	sand.u32 $0x1, s1  }
0x8c: {  	s17 =	sshll.u32 s0, $0xA;
	s2 =	sadd.s32 s3, s2  }
0x8d: {  	s2 =	sadd.s32 s2, s17  }
0x8e: {  	[smem:$0x3FBC] =	sst s2  }
0x8f: {  	_ = 	snop  }
0x90: {  	s2 =	sld [smem:$0x3FD0];
	(tm) =	ssettm $0x1  }
0x91: {  	s18 =	sld [smem:$0x3FFB];
	_ =	sdelay $0x3  }
0x92: {  	_ =	strace s18  }
0x93: {  	s3 =	sld [smem:$0x3FFC];
	_ =	sdelay $0x3  }
0x94: {  	_ =	strace s3  }
0x95: {  	s3 =	sld [smem:$0x3FFD];
	_ =	sdelay $0x3  }
0x96: {  	_ =	strace s3  }
0x97: {  	_ =	strace $0x8FFFFFFF  }
0x98: {  	s19 =	sld [smem:$0x3FDB];
	_ =	sdelay $0x1  }
0x99: {  	s4 =	simm.s32 $_scs_section_size  }
0x9a: {  	s5 =	simm.s32 $_size__tile_overlayer_lowered;
	s6 =	simm.s32 $_tile_overlayer_lowered  }
0x9b: {  	s22 =	simm.s32 $0x1BFF;
	s21 =	sshll.u32 s6, $0x1;
	s3 =	sadd.s32 s4, s19  }
0x9c: {  	s7 =	simm.s32 $0x0;
	s20 =	sshll.u32 s5, $0x1;
	s5 =	sadd.s32 s21, s3  }
0x9d: {  	[timem:s7], [sflag:s22] =	dma.local [hbm:s5], s20  }
0x9e: {  	_ =	swait.ge [sflag:s22], s20  }
0x9f: {  	s4 =	ssub.s32 $0x0, s20;
	[sflag:s22] =	ssyncset.done $0x0  }
0xa0: {  	[sflag:s22] =	ssyncadd.s32 s4;
	_ =	sdelay $0x1  }
0xa1: {  	s23 =	simm.s32 $0x1B8B  }
0xa2: {  	_ =	swait.ge [sflag:s23], $0x1  }
0xa3: {  	[sflag:s23] =	ssyncset.done $0x0  }
0xa4: {  	s25 =	simm.s32 $0x1B8E;
	s24 =	sld [smem:$0x3FFE];
	[sflag:s23] =	ssyncadd.s32 $0xFFFFFFFF  }
0xa5: {  	s26 =	simm.s32 $execute0_lowered;
	[smem:$0x3FD2] =	sst s25  }
0xa6: {  	s5 =	sshll.u32 s26, $0x1;
	_ =	strace $0x8000004F;
	[dreg:$0x1] =	wrdreg $0xFFFFFFFF  }
0xa7: {  	s28 =	simm.s32 $_size_execute0_lowered;
	s3 =	sadd.s32 s3, s5;
	[dreg:$0x0] =	wrdreg $0x0  }
0xa8: {  	s5 =	sshll.u32 s28, $0x1;
	[dreg:$0x2] =	wrdreg s3  }
0xa9: {  	[dreg:$0x3] =	wrdreg s5  }
0xaa: {  	[dreg:$0x4] =	wrdreg $0xC0  }
0xab: {  	_ =	task [dreg:s7], $0x5FFFF  }
0xac: {  	[dreg:$0x1] =	wrdreg $0xFFFFFFFF  }
0xad: {  	[dreg:$0x0] =	wrdreg $0x60  }
0xae: {  	[dreg:$0x2] =	wrdreg s2  }
0xaf: {  	[dreg:$0x3] =	wrdreg s24  }
0xb0: {  	[dreg:$0x4] =	wrdreg $0x14000  }
0xb1: {  	[dreg:$0x5] =	wrdreg $0x9  }
0xb2: {  	_ =	task.clear_ibuf [dreg:s7], $0x6FFFF;
	_ =	strace $0x9000004F  }
0xb3: {  	s29 =	simm.s32 $0x9;
	_ =	strace $0x80000051  }
0xb4: {  	_ =	swait.ge [sflag:s29], $0x1  }
0xb5: {  	[sflag:s29] =	ssyncadd.s32 $0xFFFFFFFF  }
0xb6: {  	_ =	strace $0x90000051  }
0xb7: {  	_ =	sfence  }
0xb8: {  	s30 =	sld [smem:$0x0];
	_ =	sdelay $0x2  }
0xb9: {  	s31 =	sshll.u32 s1, $0xD;
	s1 =	sshrl.u32 s1, $0x2  }
0xba: {  	s3 =	sand.u32 $0x4000, s31;
	s1 =	sadd.s32 s1, s30  }
0xbb: {  	s0 =	sor.u32 s3, s0;
	s1 =	sshll.u32 s1, $0x11  }
0xbc: {  	s0 =	sor.u32 s1, s0  }
0xbd: {  	s0 =	sadd.s32 $0x8F2B, s0  }
0xbe: {  	[sflag:s0] =	ssyncadd.remote.s32 $0x1  }
0xbf: {  	_ =	sfence.sel $0xFFFF  }
0xc0: {  	[dreg:$0x0] =	wrdreg $0xFFFFFFFF;
	(pc) =	sbr.abs _section_cstart, $3  }
0xc1: {  	[dreg:$0x1] =	wrdreg $0xFFFFFFFF  }
0xc2: {  	_ =	task.clear_ibuf [dreg:s7], $0x2FFFF;
	_ =	strace $0x9FFFFFFF  }
0xc3: {  	(tm) =	ssettm $0x7FFFFFFF  }
tec
execute0_lowered:
.L_overlay_start_1:
0x0: {  	(tag) =	ssettag $0x1  }
0x1: {  	s1 =	rddreg [dreg:$0x0]  }
0x2: {  	s9 =	rddreg [dreg:$0x1]  }
0x3: {  	s2 =	rddreg [dreg:$0x2]  }
0x4: {  	s0 =	rddreg [dreg:$0x3];
	s4 =	simm.s32 $0x0;
	s3 =	stileid.u32  }
0x5: {  	s8 =	srdreg.scid;
	s19 =	simm.s32 $0x50;
	s20 =	simm.s32 $0xA00  }
0x6: {  	s21 =	simm.s32 $0x1;
	[smem:$0x7FF] =	sst s4;
	s5 =	sadd.s32 $0x18800, s9  }
0x7: {  	s12 =	smul.u32 $0x7D00, s3;
	s6 =	sadd.s32 $0xEA00, s9;
	s7 =	sadd.s32 $0x4C00, s9  }
0x8: {  	s17 =	sand.u32 $0x1, s8;
	s13 =	smul.u32 $0x1F400, s3;
	s8 =	sadd.s32 $0x22600, s9  }
0x9: {  	p2 =	slt.u32 s3, $0xA;
	s31 =	ssub.s32 $0x109, s3;
	_ =	strace $0x80000050  }
0xa: {  	s11 =	ssub.s32 $0x2, s17;
	p0 =	seq.s32 s17, $0x0;
	p4 =	sne.s32 s17, $0x0  }
0xb: {  	s10 =	sshrl.u32 s12, $0x3;
	s29 =	sshrl.u32 s11, $0x1;
	s30 =	sshrl.u32 s13, $0x2  }
0xc: {  	p1 =	por !p0, !p2;
	p0 =	seq.s32 s17, $0x1;
	s12 =	sadd.s32 s12, s2  }
0xd: {  	s17 =	simm.s32 $0x2;
	s14 =	sadd.s32 s10, s9;
	s15 =	ssub.s32 s11, s29  }
.Ltmp0:
0xe: {  	s16 =	sadd.s32 s30, s2;
	s9 =	sshrl.u32 s31, $0x4;
	(pc) =	sbr.rel .LBB2_1-.Ltmp0, $4  }
0xf: {  	s10 =	sshll.u32 s3, $0x4;
	p1 =	por !p1, !p1;
	p3 =	por !p2, !p0  }
0x10: {  	p2 =	sgt.u32 s3, $0x9;
	s11 =	sadd.s32 $0x2D400, s14;
	p3 =	por !p3, !p3  }
0x11: {  	s13 =	sadd.s32 $0x23600, s14;
	s18 =	sshll.u32 @!p2 s3, $0x6;
	s14 =	smax.u32 s15, $0x1  }
0x12: {  	s16 =	sshrl.u32 @!p2 s16, $0x3;
	s15 =	sor.u32 @!p2 $0x1C02, s18;
	s18 =	simm.s32 $0x500  }
.LBB2_11:
0x13: {  	s22 =	sshll.u32 @p1 s3, $0x6  }
0x14: {  	[bflag:$0x0] =	sbarrier.arrive $0xFFFF;
	s23 =	sshrl.u32 @p1 s12, $0x3;
	s22 =	sor.u32 @p1 $0x1C02, s22  }
0x15: {  	[hbm:s11], [sflag:s22] =	dma.local @p1 [spmem:s23], $0xFA0  }
0x16: {  	s22 =	simm.s32 @p1 $0x2  }
0x17: {  	s4 =	sadd.s32 $0x1, s4;
	_ =	swait.ge @p1 [sflag:s22], $0xFA0  }
0x18: {  	p5 =	sne.s32 s4, s14;
	s23 =	sshll.u32 @p3 s3, $0x6;
	[sflag:s22] =	ssyncset.done @p1 $0x0  }
0x19: {  	[sflag:s22] =	ssyncadd.s32 @p1 $0xFFFFF060;
	s22 =	sor.u32 @p3 $0x1C02, s23;
	s23 =	sshrl.u32 @p3 s12, $0x3  }
0x1a: {  	[hbm:s13], [sflag:s22] =	dma.local @p3 [spmem:s23], $0xFA0  }
.Ltmp1:
0x1b: {  	_ = 	snop;
	(pc) =	sbr.rel @!p5 .LBB2_12-.Ltmp1, $4  }
0x1c: {  	s22 =	simm.s32 @p3 $0x2  }
0x1d: {  	_ =	swait.ge @p3 [sflag:s22], $0xFA0  }
0x1e: {  	[sflag:s22] =	ssyncset.done @p3 $0x0  }
0x1f: {  	[sflag:s22] =	ssyncadd.s32 @p3 $0xFFFFF060  }
.LBB2_1:
0x20: {  	[spmem:s16], [sflag:s15] =	dma.local @!p2 [hbm:s8], $0xFA0  }
0x21: {  	s22 =	simm.s32 @!p2 $0x2  }
.Ltmp2:
0x22: {  	_ =	swait.ge @!p2 [sflag:s22], $0xFA0;
	(pc) =	sbr.rel @p4 .LBB2_6-.Ltmp2, $3  }
0x23: {  	[sflag:s22] =	ssyncset.done @!p2 $0x0  }
0x24: {  	[sflag:s22] =	ssyncadd.s32 @!p2 $0xFFFFF060  }
0x25: {  	[bflag:$0x0] =	sbarrier.arrive $0xFFFF;
	_ =	sdelay $0x1  }
0x26: {  	s22 =	simm.s32 $0x0;
	s23 =	simm.s32 $0x0  }
.LBB2_3:
0x27: {  	s24 =	sshll.u32 s23, $0x8  }
0x28: {  	s24 =	sor.u32 s10, s24  }
0x29: {  	s24 =	smul.u32 $0xA, s24;
	_ =	sdelay $0x1  }
0x2a: {  	s25 =	sadd.s32 s6, s24  }
0x2b: {  	[tilespmem:s22], [sflag:$0x2] =	stream.linear.gather [hbm4b:s25+s22], $0x500, $0x38;
	[tilespmem:$0x6220] =	vst v63  }
0x2c: {  	_ =	swait.ge [sflag:s17], $0x500  }
0x2d: {  	[sflag:s17] =	ssyncset.done $0x0  }
0x2e: {  	s24 =	sadd.s32 s7, s24;
	[sflag:s17] =	ssyncadd.s32 $0xFFFFFB00  }
0x2f: {  	[tilespmem:s18], [sflag:$0x2] =	stream.linear.gather [hbm4b:s24+s22], $0x500, $0x38;
	[tilespmem:$0x6220] =	vst v63  }
0x30: {  	_ =	swait.ge [sflag:s17], $0x500  }
0x31: {  	[sflag:s17] =	ssyncset.done $0x0  }
0x32: {  	s30 =	simm.s32 $0x0;
	[sflag:s17] =	ssyncadd.s32 $0xFFFFFB00  }
0x33: {  	[tilespmem:s20], [sflag:$0x1] =	stream.indirect.gather [hbm4b:s1+s19], $0x20, s30, s19, $0xb8;
	[tilespmem:$0x6220] =	vst v63  }
0x34: {  	_ =	swait.ge [sflag:s21], $0xA00  }
0x35: {  	[sflag:s21] =	ssyncset.done $0x0  }
0x36: {  	s31 =	simm.s32 $0x500;
	[sflag:s21] =	ssyncadd.s32 $0xFFFFF600  }
0x37: {  	[spmem:s2] =	stream.indirect.scatter.add.f32 [tilespmem:s20], [sflag:$0x2], $0x20, s31, s19, $0xb8;
	[tilespmem:$0x6220] =	vst v63  }
0x38: {  	_ =	swait.ge [sflag:s17], $0xA00  }
0x39: {  	s25 =	simm.s32 $0x280;
	s24 =	simm.s32 $0x140;
	[sflag:s17] =	ssyncset.done $0x0  }
.LBB2_4:
0x3a: {  	s26 =	sshra.s32 s24, $0x2  }
0x3b: {  	[sflag:s17] =	ssyncadd.s32 $0xFFFFF600;
	s24 =	smov.u32 s25;
	s28 =	sadd.s32 $0x140, s25  }
0x3c: {  	[tilespmem:s20], [sflag:$0x1] =	stream.indirect.gather [hbm4b:s1+s19], $0x20, s26, s19, $0xb8;
	[tilespmem:$0x6220] =	vst v63  }
0x3d: {  	p5 =	sne.s32 s25, $0x12C0;
	_ =	swait.ge [sflag:s21], $0xA00  }
.Ltmp3:
0x3e: {  	[sflag:s21] =	ssyncset.done $0x0;
	(pc) =	sbr.rel @p5 .LBB2_4-.Ltmp3, $4  }
0x3f: {  	s25 =	sadd.s32 $0x500, s26;
	[sflag:s21] =	ssyncadd.s32 $0xFFFFF600  }
0x40: {  	[spmem:s2] =	stream.indirect.scatter.add.f32 [tilespmem:s20], [sflag:$0x2], $0x20, s25, s19, $0xb8;
	[tilespmem:$0x6220] =	vst v63  }
0x41: {  	_ =	swait.ge [sflag:s17], $0xA00  }
0x42: {  	s25 =	smov.u32 s28;
	[sflag:s17] =	ssyncset.done $0x0  }
0x43: {  	s24 =	sshra.s32 s24, $0x2;
	[sflag:s17] =	ssyncadd.s32 $0xFFFFF600  }
0x44: {  	[tilespmem:s20], [sflag:$0x1] =	stream.indirect.gather [hbm4b:s1+s19], $0x20, s24, s19, $0xb8;
	[tilespmem:$0x6220] =	vst v63  }
0x45: {  	s23 =	sadd.s32 $0x1, s23;
	_ =	swait.ge [sflag:s21], $0xA00  }
0x46: {  	p5 =	sne.s32 s23, s9;
	[sflag:s21] =	ssyncset.done $0x0  }
.Ltmp4:
0x47: {  	s24 =	sadd.s32 $0x500, s24;
	[sflag:s21] =	ssyncadd.s32 $0xFFFFF600;
	(pc) =	sbr.rel @p5 .LBB2_3-.Ltmp4, $4  }
0x48: {  	[spmem:s2] =	stream.indirect.scatter.add.f32 [tilespmem:s20], [sflag:$0x2], $0x20, s24, s19, $0xb8;
	[tilespmem:$0x6220] =	vst v63  }
0x49: {  	_ =	swait.ge [sflag:s17], $0xA00  }
0x4a: {  	[sflag:s17] =	ssyncset.done $0x0  }
0x4b: {  	[sflag:s17] =	ssyncadd.s32 $0xFFFFF600  }
.LBB2_6:
.Ltmp5:
0x4c: {  	(pc) =	sbr.rel @!p0 .LBB2_11-.Ltmp5, $1  }
0x4d: {  	_ =	sdelay $0x3  }
0x4e: {  	s22 =	simm.s32 $0x0;
	s23 =	simm.s32 $0x0  }
.LBB2_8:
0x4f: {  	s24 =	sshll.u32 s23, $0x8  }
0x50: {  	s24 =	sor.u32 s10, s24  }
0x51: {  	s24 =	smul.u32 $0xA, s24;
	_ =	sdelay $0x1  }
0x52: {  	s25 =	sadd.s32 s6, s24  }
0x53: {  	[tilespmem:s22], [sflag:$0x2] =	stream.linear.gather [hbm4b:s25+s22], $0x500, $0x38;
	[tilespmem:$0x6220] =	vst v63  }
0x54: {  	_ =	swait.ge [sflag:s17], $0x500  }
0x55: {  	[sflag:s17] =	ssyncset.done $0x0  }
0x56: {  	s24 =	sadd.s32 s7, s24;
	[sflag:s17] =	ssyncadd.s32 $0xFFFFFB00  }
0x57: {  	[tilespmem:s18], [sflag:$0x2] =	stream.linear.gather [hbm4b:s24+s22], $0x500, $0x38;
	[tilespmem:$0x6220] =	vst v63  }
0x58: {  	_ =	swait.ge [sflag:s17], $0x500  }
0x59: {  	[sflag:s17] =	ssyncset.done $0x0  }
0x5a: {  	s30 =	simm.s32 $0x0;
	[sflag:s17] =	ssyncadd.s32 $0xFFFFFB00  }
0x5b: {  	[tilespmem:s20], [sflag:$0x1] =	stream.indirect.gather [hbm4b:s5+s19], $0x20, s30, s19, $0xb8;
	[tilespmem:$0x6220] =	vst v63  }
0x5c: {  	_ =	swait.ge [sflag:s21], $0xA00  }
0x5d: {  	[sflag:s21] =	ssyncset.done $0x0  }
0x5e: {  	s31 =	simm.s32 $0x500;
	[sflag:s21] =	ssyncadd.s32 $0xFFFFF600  }
0x5f: {  	[spmem:s2] =	stream.indirect.scatter.add.f32 [tilespmem:s20], [sflag:$0x2], $0x20, s31, s19, $0xb8;
	[tilespmem:$0x6220] =	vst v63  }
0x60: {  	_ =	swait.ge [sflag:s17], $0xA00  }
0x61: {  	s25 =	simm.s32 $0x280;
	s24 =	simm.s32 $0x140;
	[sflag:s17] =	ssyncset.done $0x0  }
.LBB2_9:
0x62: {  	s26 =	sshra.s32 s24, $0x2  }
0x63: {  	[sflag:s17] =	ssyncadd.s32 $0xFFFFF600;
	s24 =	smov.u32 s25;
	s28 =	sadd.s32 $0x140, s25  }
0x64: {  	[tilespmem:s20], [sflag:$0x1] =	stream.indirect.gather [hbm4b:s5+s19], $0x20, s26, s19, $0xb8;
	[tilespmem:$0x6220] =	vst v63  }
0x65: {  	p5 =	sne.s32 s25, $0x12C0;
	_ =	swait.ge [sflag:s21], $0xA00  }
.Ltmp6:
0x66: {  	[sflag:s21] =	ssyncset.done $0x0;
	(pc) =	sbr.rel @p5 .LBB2_9-.Ltmp6, $4  }
0x67: {  	s25 =	sadd.s32 $0x500, s26;
	[sflag:s21] =	ssyncadd.s32 $0xFFFFF600  }
0x68: {  	[spmem:s2] =	stream.indirect.scatter.add.f32 [tilespmem:s20], [sflag:$0x2], $0x20, s25, s19, $0xb8;
	[tilespmem:$0x6220] =	vst v63  }
0x69: {  	_ =	swait.ge [sflag:s17], $0xA00  }
0x6a: {  	s25 =	smov.u32 s28;
	[sflag:s17] =	ssyncset.done $0x0  }
0x6b: {  	s24 =	sshra.s32 s24, $0x2;
	[sflag:s17] =	ssyncadd.s32 $0xFFFFF600  }
0x6c: {  	[tilespmem:s20], [sflag:$0x1] =	stream.indirect.gather [hbm4b:s5+s19], $0x20, s24, s19, $0xb8;
	[tilespmem:$0x6220] =	vst v63  }
0x6d: {  	_ =	swait.ge [sflag:s21], $0xA00  }
0x6e: {  	s23 =	sadd.s32 $0x1, s23;
	[sflag:s21] =	ssyncset.done $0x0  }
0x6f: {  	s24 =	sadd.s32 $0x500, s24;
	p5 =	sne.s32 s23, s9;
	[sflag:s21] =	ssyncadd.s32 $0xFFFFF600  }
0x70: {  	[spmem:s2] =	stream.indirect.scatter.add.f32 [tilespmem:s20], [sflag:$0x2], $0x20, s24, s19, $0xb8;
	[tilespmem:$0x6220] =	vst v63  }
.Ltmp7:
0x71: {  	_ = 	snop;
	(pc) =	sbr.rel @p5 .LBB2_8-.Ltmp7, $4  }
.Ltmp8:
0x72: {  	_ = 	snop;
	(pc) =	sbr.rel @!p5 .LBB2_11-.Ltmp8, $4  }
0x73: {  	_ =	swait.ge [sflag:s17], $0xA00  }
0x74: {  	[sflag:s17] =	ssyncset.done $0x0  }
0x75: {  	[sflag:s17] =	ssyncadd.s32 $0xFFFFF600  }
0x76: {  	_ = 	snop  }
.LBB2_12:
0x77: {  	_ =	sfence.sel $0x180000  }
0x78: {  	[bflag:$0x0] =	sbarrier.arrive $0xFFFF  }
0x79: {  	p0 =	sne.s32 s3, $0x0;
	_ =	strace $0x90000050  }
0x7a: {  	s0 =	sadd.s32 @!p0 $0x100000, s0;
	[bflag:$0x2] =	sbarrier.arrive $0xFFFF  }
0x7b: {  	[sflag:s0] =	ssyncadd.tile.s32 @!p0 $0x1;
	_ =	shalt  }
.Lfunc_end2:
_tile_overlayer_lowered:
.L_overlay_start_2:
0x7c: {  	(tag) =	ssettag $0x2  }
0x7d: {  	s0 =	rddreg [dreg:$0x0];
	s2 =	stileid.u32  }
0x7e: {  	s1 =	rddreg [dreg:$0x1];
	p0 =	sne.s32 s2, $0x0  }
0x7f: {  	s3 =	rddreg [dreg:$0x2];
	[bflag:$0x3] =	sbarrier.arrive $0xFFFF;
	s2 =	simm.s32 @!p0 $0x1C02  }
0x80: {  	[timem:s3], [sflag:s2] =	dma.local @!p0 [hbm:s0], s1  }
0x81: {  	s0 =	simm.s32 @!p0 $0x2  }
0x82: {  	_ =	swait.ge @!p0 [sflag:s0], s1  }
0x83: {  	s1 =	ssub.s32 @!p0 $0x0, s1;
	[sflag:s0] =	ssyncset.done @!p0 $0x0  }
0x84: {  	[sflag:s0] =	ssyncadd.s32 @!p0 s1  }
0x85: {  	[bflag:$0x3] =	sbarrier.arrive $0xFFFF  }
0x86: {  	_ =	shalt  }

</sc_bundles>
